<compile_context>
chip_gen: v7x
topology: tpu7x:2x2x1
jax: 0.10.2.dev20260603
libtpu: 0.0.44.dev20260713+nightly
codegen_flags: <defaults>
</compile_context>

<pallas_src>
import functools

import jax
import jax.numpy as jnp
from jax import lax
from jax.experimental import pallas as pl
from jax.experimental.pallas import tpu as pltpu
from jax.experimental.pallas import tpu_sc as plsc

D = 128
S = 50
B = 1024
N = B * S

_NC = 2
_NS = 16
_NW = _NC * _NS
_BPW = N // _NW
_CH = 400
_NCHUNK = _BPW // _CH


def _sc_gather_all(pro_embed, skill_embed, change, diff_mat, np_idx, np_hi,
                   ns_idx):
    n = np_idx.shape[0]
    bpw = n // _NW
    nchunk = bpw // _CH
    mesh = plsc.VectorSubcoreMesh(core_axis_name="c", subcore_axis_name="s")

    @functools.partial(
        pl.kernel,
        mesh=mesh,
        out_type=(
            jax.ShapeDtypeStruct((n, D), jnp.float32),
            jax.ShapeDtypeStruct((n, D), jnp.float32),
            jax.ShapeDtypeStruct((n, D), jnp.float32),
            jax.ShapeDtypeStruct((n, D), jnp.float32),
        ),
        scratch_types=[
            pltpu.VMEM((bpw,), jnp.int32),
            pltpu.VMEM((bpw,), jnp.int32),
            pltpu.VMEM((_CH, D), jnp.float32),
            pltpu.VMEM((_CH, D), jnp.float32),
            pltpu.SemaphoreType.DMA,
            pltpu.SemaphoreType.DMA,
        ],
    )
    def k(pro_hbm, skill_hbm, change_hbm, diff_hbm, npi_hbm, nphi_hbm, nsi_hbm,
          pro_out, skill_out, change_out, diff_out, idxp_v, idxs_v,
          rows0_v, rows1_v, sem0, sem1):
        wid = lax.axis_index("s") * _NC + lax.axis_index("c")
        base = wid * bpw

        pltpu.sync_copy(npi_hbm.at[pl.ds(base, bpw)], idxp_v)
        pltpu.sync_copy(nsi_hbm.at[pl.ds(base, bpw)], idxs_v)

        work = []
        for ci in range(nchunk):
            work.append((pro_hbm, idxp_v, pro_out, ci))
            work.append((skill_hbm, idxs_v, skill_out, ci))
            work.append((change_hbm, idxs_v, change_out, ci))
        bufs = (rows0_v, rows1_v)
        sems = (sem0, sem1)

        def start(i):
            tbl, idx, _, ci = work[i]
            pltpu.async_copy(tbl.at[idx.at[pl.ds(ci * _CH, _CH)]],
                             bufs[i % 2], sems[i % 2])

        start(0)
        for i in range(len(work)):
            if i + 1 < len(work):
                start(i + 1)
            tbl, idx, out, ci = work[i]
            pltpu.make_async_copy(tbl.at[idx.at[pl.ds(ci * _CH, _CH)]],
                                  bufs[i % 2], sems[i % 2]).wait()
            pltpu.sync_copy(bufs[i % 2], out.at[pl.ds(base + ci * _CH, _CH)])

        pltpu.sync_copy(nphi_hbm.at[pl.ds(base, bpw)], idxp_v)
        for ci in range(nchunk):
            off = ci * _CH
            idx_c = idxp_v.at[pl.ds(off, _CH)]
            pltpu.async_copy(diff_hbm.at[idx_c], bufs[ci % 2], sems[ci % 2])
            if ci > 0:
                poff = (ci - 1) * _CH
                pltpu.make_async_copy(
                    diff_hbm.at[idxp_v.at[pl.ds(poff, _CH)]],
                    bufs[(ci - 1) % 2], sems[(ci - 1) % 2]).wait()
                pltpu.sync_copy(bufs[(ci - 1) % 2],
                                diff_out.at[pl.ds(base + poff, _CH)])
        last = nchunk - 1
        pltpu.make_async_copy(diff_hbm.at[idxp_v.at[pl.ds(last * _CH, _CH)]],
                              bufs[last % 2], sems[last % 2]).wait()
        pltpu.sync_copy(bufs[last % 2],
                        diff_out.at[pl.ds(base + last * _CH, _CH)])

    return k(pro_embed, skill_embed, change, diff_mat, np_idx, np_hi, ns_idx)


_BB = 128
_NB = B // _BB
_TPAD = 56


def _scan_kernel(pro_ref, skill_ref, change_ref, diffrow_ref, lo_ref, na_ref,
                 np_ref, ns_ref, aet_ref, tet_ref, lst_ref, ps0t_ref, ss0t_ref,
                 wpfa_ref, wpfb_ref, bpf_ref, wsfa_ref, wsfb_ref, bsf_ref,
                 wafa_ref, wafb_ref, baf_ref, wpsa_ref, wpsb_ref, bps_ref,
                 wssa_ref, wssb_ref, bss_ref, wasa_ref, wasb_ref, bas_ref,
                 w1a_ref, w1b_ref, w1c_ref, w1d_ref, b1_ref, w2_ref, b2_ref,
                 out_ref, histp_ref, hists_ref, lbp_scr, lbs_scr, pacc_scr):
    f32 = jnp.float32
    i32 = jnp.int32
    dot = functools.partial(jnp.dot, preferred_element_type=f32)

    np_all = np_ref[0]
    ns_all = ns_ref[0]

    jjj = lax.broadcasted_iota(i32, (S, S, _BB), 0)
    ttt = lax.broadcasted_iota(i32, (S, S, _BB), 1)
    eqp = (np_all[:, None, :] == np_all[None, :, :]) & (jjj < ttt)
    eqs = (ns_all[:, None, :] == ns_all[None, :, :]) & (jjj < ttt)
    lbp_scr[...] = jnp.max(jnp.where(eqp, jjj, 0), axis=0)
    lbs_scr[...] = jnp.max(jnp.where(eqs, jjj, 0), axis=0)

    tp_tab = dot(wpfb_ref[...], tet_ref[:, 0:_TPAD])
    ts_tab = dot(wsfb_ref[...], tet_ref[:, 0:_TPAD])
    caf = dot(wafb_ref[...], tet_ref[:, 1:2]) + baf_ref[...]

    a0 = aet_ref[:, 0:1]
    a1 = aet_ref[:, 1:2]

    jj_s1b = lax.broadcasted_iota(i32, (S, 1, _BB), 0)
    sub56 = lax.broadcasted_iota(i32, (_TPAD, _BB), 0)
    subd = lax.broadcasted_iota(i32, (D, _BB), 0)

    histp_ref[...] = jnp.zeros((S, D, _BB), f32)
    hists_ref[...] = jnp.zeros((S, D, _BB), f32)
    histp_ref[0] = jnp.broadcast_to(ps0t_ref[...], (D, _BB))
    hists_ref[0] = jnp.broadcast_to(ss0t_ref[...], (D, _BB))
    alls0 = jnp.broadcast_to(lst_ref[...], (D, _BB))

    def substep(t, alls, lbps, lbss, lbpt_row, lbst_row):
        ohp = (sub56 == (t - lbpt_row)).astype(f32)
        ohs = (sub56 == (t - lbst_row)).astype(f32)

        lbps = lbps * jax.nn.sigmoid(
            dot(wpfa_ref[...], lbps) + dot(tp_tab, ohp) + bpf_ref[...])
        lbss = lbss * jax.nn.sigmoid(
            dot(wsfa_ref[...], lbss) + dot(ts_tab, ohs) + bsf_ref[...])
        lbas = alls * jax.nn.sigmoid(dot(wafa_ref[...], alls) + caf)

        pro_t = jnp.transpose(pro_ref[pl.ds(t, 1)][0])
        skill_t = jnp.transpose(skill_ref[pl.ds(t, 1)][0])
        change_t = jnp.transpose(change_ref[pl.ds(t, 1)][0])
        drow_t = jnp.transpose(diffrow_ref[pl.ds(t, 1)][0])
        lo_row = lo_ref[pl.ds(0, 1), pl.ds(t, 1), :][0]
        diff_row = jnp.sum(jnp.where(subd == lo_row, drow_t, 0.0),
                           axis=0, keepdims=True)
        na_row = na_ref[pl.ds(0, 1), pl.ds(t, 1), :][0]
        npe = pro_t + skill_t + diff_row * change_t
        nx = npe + a0 + na_row * (a1 - a0)

        h = jax.nn.relu(dot(w1a_ref[...], lbas) + dot(w1b_ref[...], lbps)
                        + dot(w1c_ref[...], lbss) + dot(w1d_ref[...], npe)
                        + b1_ref[...])
        logit = jnp.sum(h * w2_ref[...], axis=0, keepdims=True) + b2_ref[...]
        pacc_scr[pl.ds(t, 1)] = jax.nn.sigmoid(logit)

        alls_new = lbas + jnp.tanh(
            dot(wasa_ref[...], lbas) + dot(wasb_ref[...], nx) + bas_ref[...])
        ips = lbps + jnp.tanh(
            dot(wpsa_ref[...], lbps) + dot(wpsb_ref[...], nx) + bps_ref[...])
        iss = lbss + jnp.tanh(
            dot(wssa_ref[...], lbss) + dot(wssb_ref[...], nx) + bss_ref[...])
        return alls_new, ips, iss

    def body(t, alls, jmax):
        lbp0 = lbp_scr[pl.ds(t, 1)]
        lbs0 = lbs_scr[pl.ds(t, 1)]
        m0p = (jj_s1b[0:jmax] == lbp0).astype(f32)
        m0s = (jj_s1b[0:jmax] == lbs0).astype(f32)
        lbps0 = jnp.sum(histp_ref[0:jmax] * m0p, axis=0)
        lbss0 = jnp.sum(hists_ref[0:jmax] * m0s, axis=0)

        alls, ips0, iss0 = substep(t, alls, lbps0, lbss0, lbp0, lbs0)

        histp_ref[pl.ds(t, 1)] = ips0[None]
        hists_ref[pl.ds(t, 1)] = iss0[None]
        return alls

    alls = alls0
    for seg_lo, seg_hi in ((0, 8), (8, 16), (16, 24), (24, 32), (32, 40),
                           (40, S)):
        alls = lax.fori_loop(seg_lo, seg_hi,
                             functools.partial(body, jmax=seg_hi), alls)
    out_ref[0] = pacc_scr[...]


def _run_scan(pro_sm, skill_sm, change_sm, diffrow_sm, lo_r, na_r, np_r,
              ns_r, consts):
    row3 = pl.BlockSpec((S, _BB, D), lambda i: (0, i, 0))
    rowp = pl.BlockSpec((1, S, _BB), lambda i: (i, 0, 0))

    def full(a):
        return pl.BlockSpec(a.shape, lambda i: tuple(0 for _ in a.shape))

    nb = pro_sm.shape[1] // _BB
    return pl.pallas_call(
        _scan_kernel,
        grid=(nb,),
        in_specs=[row3, row3, row3, row3, rowp, rowp, rowp, rowp]
                 + [full(c) for c in consts],
        out_specs=pl.BlockSpec((1, S, _BB), lambda i: (i, 0, 0)),
        out_shape=jax.ShapeDtypeStruct((nb, S, _BB), jnp.float32),
        scratch_shapes=[pltpu.VMEM((S, D, _BB), jnp.float32),
                        pltpu.VMEM((S, D, _BB), jnp.float32),
                        pltpu.VMEM((S, _BB), jnp.int32),
                        pltpu.VMEM((S, _BB), jnp.int32),
                        pltpu.VMEM((S, _BB), jnp.float32)],
        compiler_params=pltpu.CompilerParams(
            dimension_semantics=("arbitrary",),
            vmem_limit_bytes=63 * 1024 * 1024),
    )(pro_sm, skill_sm, change_sm, diffrow_sm, lo_r, na_r, np_r, ns_r, *consts)


def _plane(arr_bs):
    return arr_bs.T.reshape(S, _NB, _BB).transpose(1, 0, 2)


def kernel(last_problem, last_skill, last_ans, next_problem, next_skill,
           next_ans, pro_embed, skill_embed, ans_embed, time_embed, ls_state,
           pro_state0, skill_state0, akt_pro_diff, akt_pro_change, W_out1,
           b_out1, W_out2, b_out2, W_pf, b_pf, W_ps, b_ps, W_af, b_af, W_sf,
           b_sf, W_ss, b_ss, W_as, b_as):
    npb = next_problem.reshape(last_problem.shape)
    nsb = next_skill.reshape(last_skill.shape)
    nab = next_ans.reshape(last_ans.shape)

    diff_mat = jnp.concatenate(
        [akt_pro_diff[:, 0], jnp.zeros((96,), jnp.float32)]).reshape(782, D)

    def tT(w):
        return jnp.transpose(w)

    consts = [
        tT(ans_embed), tT(time_embed), tT(ls_state),
        tT(pro_state0[0:1]), tT(skill_state0[0:1]),
        tT(W_pf[:D]), tT(W_pf[D:]), b_pf.reshape(D, 1),
        tT(W_sf[:D]), tT(W_sf[D:]), b_sf.reshape(D, 1),
        tT(W_af[:D]), tT(W_af[D:]), b_af.reshape(D, 1),
        tT(W_ps[:D]), tT(W_ps[D:]), b_ps.reshape(D, 1),
        tT(W_ss[:D]), tT(W_ss[D:]), b_ss.reshape(D, 1),
        tT(W_as[:D]), tT(W_as[D:]), b_as.reshape(D, 1),
        tT(W_out1[0:D]), tT(W_out1[D:2 * D]), tT(W_out1[2 * D:3 * D]),
        tT(W_out1[3 * D:]), b_out1.reshape(D, 1), W_out2, b_out2.reshape(1, 1),
    ]

    outs = []
    half = B // 2
    for h in range(2):
        sl = slice(h * half, (h + 1) * half)
        npb_h, nsb_h, nab_h = npb[sl], nsb[sl], nab[sl]
        np_idx = npb_h.T.reshape(-1)
        ns_idx = nsb_h.T.reshape(-1)
        np_hi = lax.shift_right_logical(np_idx, 7)
        np_lo = lax.bitwise_and(np_idx, 127)

        pro_rows, skill_rows, change_rows, diff_rows = _sc_gather_all(
            pro_embed, skill_embed, akt_pro_change, diff_mat,
            np_idx, np_hi, ns_idx)

        nb = half // _BB

        def plane(arr_bs):
            return arr_bs.T.reshape(S, nb, _BB).transpose(1, 0, 2)

        out = _run_scan(
            pro_rows.reshape(S, half, D), skill_rows.reshape(S, half, D),
            change_rows.reshape(S, half, D), diff_rows.reshape(S, half, D),
            plane(np_lo.reshape(S, half).T), plane(nab_h).astype(jnp.float32),
            plane(npb_h), plane(nsb_h), consts)
        outs.append(out.transpose(0, 2, 1).reshape(half, S))
    return jnp.concatenate(outs, axis=0)

# --- scband reference (transcript-rebuilt; emitter-appended) ---
"""Pipeline reference for scband-re-kt-8589934592386 (READ-ONLY COPY).

The authoritative reference and input builder live on the scoring server;
editing this copy changes nothing except your own understanding.
"""

import jax, jax.numpy as jnp
import numpy as np

D = 128
PRO_MAX = 100000
SKILL_MAX = 1000
B = 1024
S = 50

INT_NAMES = ('last_problem', 'last_skill', 'last_ans', 'next_problem', 'next_skill', 'next_ans')
FLOAT_NAMES = ['pro_embed', 'skill_embed', 'ans_embed', 'time_embed', 'ls_state', 'pro_state0', 'skill_state0', 'akt_pro_diff', 'akt_pro_change', 'W_out1', 'b_out1', 'W_out2', 'b_out2', 'W_pf', 'b_pf', 'W_ps', 'b_ps', 'W_af', 'b_af', 'W_sf', 'b_sf', 'W_ss', 'b_ss', 'W_as', 'b_as']


def _lin(k, fin, fout):
    k1, k2 = jax.random.split(k)
    bound = 1.0 / np.sqrt(fin)
    W = jax.random.uniform(k1, (fin, fout), minval=-bound, maxval=bound, dtype=jnp.float32)
    b = jax.random.uniform(k2, (fout,), minval=-bound, maxval=bound, dtype=jnp.float32)
    return W, b


def setup_inputs(seed=0):
    key = jax.random.key(seed)
    ks = jax.random.split(key, 24)
    inp = {}
    inp['last_problem'] = jax.random.randint(ks[0], (B, S), 0, PRO_MAX, dtype=jnp.int32)
    inp['last_skill'] = jax.random.randint(ks[1], (B, S), 0, SKILL_MAX, dtype=jnp.int32)
    inp['last_ans'] = jax.random.randint(ks[2], (B, S), 0, 2, dtype=jnp.int32)
    inp['next_problem'] = jax.random.randint(ks[3], (B, S), 0, PRO_MAX, dtype=jnp.int32)
    inp['next_skill'] = jax.random.randint(ks[4], (B, S), 0, SKILL_MAX, dtype=jnp.int32)
    inp['next_ans'] = jax.random.randint(ks[5], (B, S), 0, 2, dtype=jnp.int32)
    inp['pro_embed'] = jax.random.uniform(ks[6], (PRO_MAX, D), dtype=jnp.float32)
    inp['skill_embed'] = jax.random.uniform(ks[7], (SKILL_MAX, D), dtype=jnp.float32)
    inp['ans_embed'] = jax.random.uniform(ks[8], (2, D), dtype=jnp.float32)
    inp['time_embed'] = jax.random.uniform(ks[9], (200, D), dtype=jnp.float32)
    inp['ls_state'] = jax.random.uniform(ks[10], (1, D), dtype=jnp.float32)
    inp['pro_state0'] = jax.random.uniform(ks[11], (199, D), dtype=jnp.float32)
    inp['skill_state0'] = jax.random.uniform(ks[12], (199, D), dtype=jnp.float32)
    inp['akt_pro_diff'] = jax.random.uniform(ks[13], (PRO_MAX, 1), dtype=jnp.float32)
    inp['akt_pro_change'] = jax.random.uniform(ks[14], (SKILL_MAX, D), dtype=jnp.float32)
    inp['W_out1'], inp['b_out1'] = _lin(ks[15], 4 * D, D)
    inp['W_out2'], inp['b_out2'] = _lin(ks[16], D, 1)
    inp['W_pf'], inp['b_pf'] = _lin(ks[17], 2 * D, D)
    inp['W_ps'], inp['b_ps'] = _lin(ks[18], 2 * D, D)
    inp['W_af'], inp['b_af'] = _lin(ks[19], 2 * D, D)
    inp['W_sf'], inp['b_sf'] = _lin(ks[20], 2 * D, D)
    inp['W_ss'], inp['b_ss'] = _lin(ks[21], 2 * D, D)
    inp['W_as'], inp['b_as'] = _lin(ks[22], 2 * D, D)
    return inp


def _forward(p, next_problem, next_skill, next_ans):
    # dropout is identity (eval mode)
    batch, seq = next_problem.shape
    npe_all = p['pro_embed'][next_problem] + p['skill_embed'][next_skill] + p['akt_pro_diff'][next_problem] * p['akt_pro_change'][next_skill]
    nX_all = npe_all + p['ans_embed'][next_ans]
    all_tge = jnp.broadcast_to(p['time_embed'][1], (batch, D))  # all_time_gap is all ones
    bidx = jnp.arange(batch)

    def step(carry, xs):
        lpt, lst, ps, ss, alls = carry
        t, npe, nX, npro, nskill = xs
        lbpt = lpt[bidx, npro]
        lbps = ps[bidx, lbpt]
        tge = p['time_embed'][t - lbpt]
        lbst = lst[bidx, nskill]
        lbss = ss[bidx, lbst]
        stge = p['time_embed'][t - lbst]
        lbps = lbps * jax.nn.sigmoid(jnp.concatenate([lbps, tge], -1) @ p['W_pf'] + p['b_pf'])
        lbss = lbss * jax.nn.sigmoid(jnp.concatenate([lbss, stge], -1) @ p['W_sf'] + p['b_sf'])
        lbas = alls * jax.nn.sigmoid(jnp.concatenate([alls, all_tge], -1) @ p['W_af'] + p['b_af'])
        final = jnp.concatenate([lbas, lbps, lbss, npe], -1)
        h = jax.nn.relu(final @ p['W_out1'] + p['b_out1'])
        P = jax.nn.sigmoid(h @ p['W_out2'] + p['b_out2'])[:, 0]
        alls_new = lbas + jnp.tanh(jnp.concatenate([lbas, nX], -1) @ p['W_as'] + p['b_as'])
        ips = lbps + jnp.tanh(jnp.concatenate([lbps, nX], -1) @ p['W_ps'] + p['b_ps'])
        iss = lbss + jnp.tanh(jnp.concatenate([lbss, nX], -1) @ p['W_ss'] + p['b_ss'])
        lpt = lpt.at[bidx, npro].set(t)
        ps = ps.at[:, t].set(ips)
        lst = lst.at[bidx, nskill].set(t)
        ss = ss.at[:, t].set(iss)
        return (lpt, lst, ps, ss, alls_new), P

    carry0 = (
        jnp.zeros((batch, PRO_MAX), jnp.int32),
        jnp.zeros((batch, SKILL_MAX), jnp.int32),
        jnp.broadcast_to(p['pro_state0'], (batch, 199, D)) + 0.0,
        jnp.broadcast_to(p['skill_state0'], (batch, 199, D)) + 0.0,
        jnp.broadcast_to(p['ls_state'][0], (batch, D)) + 0.0,
    )
    xs = (
        jnp.arange(seq, dtype=jnp.int32),
        jnp.swapaxes(npe_all, 0, 1),
        jnp.swapaxes(nX_all, 0, 1),
        jnp.swapaxes(next_problem, 0, 1),
        jnp.swapaxes(next_skill, 0, 1),
    )
    _, Ps = jax.lax.scan(step, carry0, xs)
    return jnp.swapaxes(Ps, 0, 1)


def reference(last_problem, last_skill, last_ans, next_problem, next_skill, next_ans,
              pro_embed, skill_embed, ans_embed, time_embed, ls_state, pro_state0,
              skill_state0, akt_pro_diff, akt_pro_change, W_out1, b_out1, W_out2,
              b_out2, W_pf, b_pf, W_ps, b_ps, W_af, b_af, W_sf, b_sf, W_ss, b_ss,
              W_as, b_as):
    _bound = locals()
    params = {k: _bound[k] for k in FLOAT_NAMES}
    return _forward(params,
                    next_problem.reshape(last_problem.shape),
                    next_skill.reshape(last_skill.shape),
                    next_ans.reshape(last_ans.shape))

if __name__ == "__main__":
    import jax
    _d = setup_inputs()
    print(jax.jit(kernel)(*tuple(_d.values())))

</pallas_src>

<mosaic_0001>
#map = affine_map<(d0, d1) -> (0, 0)>
#map1 = affine_map<(d0, d1) -> (0)>
module attributes {stable_mosaic.version = 14 : i64} {
  func.func @k(%arg0: i32, %arg1: i32, %arg2: memref<100000x128xf32, #tpu.memory_space<hbm>>, %arg3: memref<1000x128xf32, #tpu.memory_space<hbm>>, %arg4: memref<1000x128xf32, #tpu.memory_space<hbm>>, %arg5: memref<782x128xf32, #tpu.memory_space<hbm>>, %arg6: memref<25600xi32, #tpu.memory_space<hbm>>, %arg7: memref<25600xi32, #tpu.memory_space<hbm>>, %arg8: memref<25600xi32, #tpu.memory_space<hbm>>, %arg9: memref<25600x128xf32, #tpu.memory_space<hbm>>, %arg10: memref<25600x128xf32, #tpu.memory_space<hbm>>, %arg11: memref<25600x128xf32, #tpu.memory_space<hbm>>, %arg12: memref<25600x128xf32, #tpu.memory_space<hbm>>, %arg13: memref<800xi32, #tpu.memory_space<vmem>>, %arg14: memref<800xi32, #tpu.memory_space<vmem>>, %arg15: memref<400x128xf32, #tpu.memory_space<vmem>>, %arg16: memref<400x128xf32, #tpu.memory_space<vmem>>, %arg17: memref<!tpu.dma_semaphore, #tpu.memory_space<semaphore_mem>>, %arg18: memref<!tpu.dma_semaphore, #tpu.memory_space<semaphore_mem>>) attributes {dimension_semantics = [#tpu.dimension_semantics<core_parallel>, #tpu.dimension_semantics<subcore_parallel>], iteration_bounds = array<i64: 2, 16>, scalar_prefetch = 0 : i64, scratch_operands = 6 : i64, tpu.core_type = #tpu.core_type<sc_vector_subcore>, window_params = [{transform_indices = #map}, {transform_indices = #map}, {transform_indices = #map}, {transform_indices = #map}, {transform_indices = #map1}, {transform_indices = #map1}, {transform_indices = #map1}, {transform_indices = #map}, {transform_indices = #map}, {transform_indices = #map}, {transform_indices = #map}]} {
    %mul3A = arith.constant 2 : i32
    %mul3A_0 = arith.muli %arg1, %mul3A : i32
    %add3A = arith.addi %mul3A_0, %arg0 : i32
    %mul3A_1 = arith.constant 800 : i32
    %mul3A_2 = arith.muli %add3A, %mul3A_1 : i32
    "tpu.region"() ({
      %run_scoped3A = tpu.sem_alloc : memref<!tpu.dma_semaphore, #tpu.memory_space<semaphore_mem>>
      %dma_start3A_97 = tpu.memref_slice %arg6[%mul3A_2] : memref<25600xi32, #tpu.memory_space<hbm>> -> memref<800xi32, #tpu.memory_space<hbm>>
      %dma_start3A_98 = tpu.memref_slice %arg6[%mul3A_2] : memref<25600xi32, #tpu.memory_space<hbm>> -> memref<800xi32, #tpu.memory_space<hbm>>
      tpu.enqueue_dma source(%dma_start3A_98 : memref<800xi32, #tpu.memory_space<hbm>>) target(%arg13 : memref<800xi32, #tpu.memory_space<vmem>>) target_semaphore(%run_scoped3A : memref<!tpu.dma_semaphore, #tpu.memory_space<semaphore_mem>>)
      %dma_wait3A_99 = tpu.memref_slice %arg6[%mul3A_2] : memref<25600xi32, #tpu.memory_space<hbm>> -> memref<800xi32, #tpu.memory_space<hbm>>
      %dma_wait3A_100 = tpu.memref_slice %arg6[%mul3A_2] : memref<25600xi32, #tpu.memory_space<hbm>> -> memref<800xi32, #tpu.memory_space<hbm>>
      tpu.wait_dma2 semaphore(%run_scoped3A : memref<!tpu.dma_semaphore, #tpu.memory_space<semaphore_mem>>) src(%dma_wait3A_100 : memref<800xi32, #tpu.memory_space<hbm>>) dst(%arg13 : memref<800xi32, #tpu.memory_space<vmem>>)
      tpu.yield
    }) : () -> ()
    "tpu.region"() ({
      %run_scoped3A = tpu.sem_alloc : memref<!tpu.dma_semaphore, #tpu.memory_space<semaphore_mem>>
      %dma_start3A_97 = tpu.memref_slice %arg8[%mul3A_2] : memref<25600xi32, #tpu.memory_space<hbm>> -> memref<800xi32, #tpu.memory_space<hbm>>
      %dma_start3A_98 = tpu.memref_slice %arg8[%mul3A_2] : memref<25600xi32, #tpu.memory_space<hbm>> -> memref<800xi32, #tpu.memory_space<hbm>>
      tpu.enqueue_dma source(%dma_start3A_98 : memref<800xi32, #tpu.memory_space<hbm>>) target(%arg14 : memref<800xi32, #tpu.memory_space<vmem>>) target_semaphore(%run_scoped3A : memref<!tpu.dma_semaphore, #tpu.memory_space<semaphore_mem>>)
      %dma_wait3A_99 = tpu.memref_slice %arg8[%mul3A_2] : memref<25600xi32, #tpu.memory_space<hbm>> -> memref<800xi32, #tpu.memory_space<hbm>>
      %dma_wait3A_100 = tpu.memref_slice %arg8[%mul3A_2] : memref<25600xi32, #tpu.memory_space<hbm>> -> memref<800xi32, #tpu.memory_space<hbm>>
      tpu.wait_dma2 semaphore(%run_scoped3A : memref<!tpu.dma_semaphore, #tpu.memory_space<semaphore_mem>>) src(%dma_wait3A_100 : memref<800xi32, #tpu.memory_space<hbm>>) dst(%arg14 : memref<800xi32, #tpu.memory_space<vmem>>)
      tpu.yield
    }) : () -> ()
    %dma_start3A = arith.constant 0 : i32
    %dma_start3A_3 = tpu.memref_slice %arg13[%dma_start3A] : memref<800xi32, #tpu.memory_space<vmem>> -> memref<400xi32, #tpu.memory_space<vmem>>
    %dma_start3A_4 = arith.constant 0 : i32
    %dma_start3A_5 = arith.constant 0 : i32
    %dma_start3A_6 = tpu.memref_slice %arg2[%dma_start3A_4, %dma_start3A_5] : memref<100000x128xf32, #tpu.memory_space<hbm>> -> memref<100000x128xf32, #tpu.memory_space<hbm>>
    tpu.enqueue_indirect_dma source(%dma_start3A_6 : memref<100000x128xf32, #tpu.memory_space<hbm>>) target(%arg15 : memref<400x128xf32, #tpu.memory_space<vmem>>) offsets(%dma_start3A_3 : memref<400xi32, #tpu.memory_space<vmem>>) semaphore(%arg17 : memref<!tpu.dma_semaphore, #tpu.memory_space<semaphore_mem>>)
    %dma_start3A_7 = arith.constant 0 : i32
    %dma_start3A_8 = tpu.memref_slice %arg14[%dma_start3A_7] : memref<800xi32, #tpu.memory_space<vmem>> -> memref<400xi32, #tpu.memory_space<vmem>>
    %dma_start3A_9 = arith.constant 0 : i32
    %dma_start3A_10 = arith.constant 0 : i32
    %dma_start3A_11 = tpu.memref_slice %arg3[%dma_start3A_9, %dma_start3A_10] : memref<1000x128xf32, #tpu.memory_space<hbm>> -> memref<1000x128xf32, #tpu.memory_space<hbm>>
    tpu.enqueue_indirect_dma source(%dma_start3A_11 : memref<1000x128xf32, #tpu.memory_space<hbm>>) target(%arg16 : memref<400x128xf32, #tpu.memory_space<vmem>>) offsets(%dma_start3A_8 : memref<400xi32, #tpu.memory_space<vmem>>) semaphore(%arg18 : memref<!tpu.dma_semaphore, #tpu.memory_space<semaphore_mem>>)
    %dma_wait3A = arith.constant 0 : i32
    %dma_wait3A_12 = tpu.memref_slice %arg13[%dma_wait3A] : memref<800xi32, #tpu.memory_space<vmem>> -> memref<400xi32, #tpu.memory_space<vmem>>
    %dma_wait3A_13 = arith.constant 0 : i32
    %dma_wait3A_14 = arith.constant 0 : i32
    %dma_wait3A_15 = tpu.memref_slice %arg2[%dma_wait3A_13, %dma_wait3A_14] : memref<100000x128xf32, #tpu.memory_space<hbm>> -> memref<100000x128xf32, #tpu.memory_space<hbm>>
    tpu.wait_indirect_dma semaphore(%arg17 : memref<!tpu.dma_semaphore, #tpu.memory_space<semaphore_mem>>) src(%dma_wait3A_15 : memref<100000x128xf32, #tpu.memory_space<hbm>>) dst(%arg15 : memref<400x128xf32, #tpu.memory_space<vmem>>)
    %add3A_16 = arith.constant 0 : i32
    %add3A_17 = arith.addi %mul3A_2, %add3A_16 : i32
    "tpu.region"() ({
      %run_scoped3A = tpu.sem_alloc : memref<!tpu.dma_semaphore, #tpu.memory_space<semaphore_mem>>
      %dma_start3A_97 = arith.constant 0 : i32
      %dma_start3A_98 = tpu.memref_slice %arg9[%add3A_17, %dma_start3A_97] : memref<25600x128xf32, #tpu.memory_space<hbm>> -> memref<400x128xf32, #tpu.memory_space<hbm>>
      %dma_start3A_99 = arith.constant 0 : i32
      %dma_start3A_100 = tpu.memref_slice %arg9[%add3A_17, %dma_start3A_99] : memref<25600x128xf32, #tpu.memory_space<hbm>> -> memref<400x128xf32, #tpu.memory_space<hbm>>
      tpu.enqueue_dma source(%arg15 : memref<400x128xf32, #tpu.memory_space<vmem>>) target(%dma_start3A_100 : memref<400x128xf32, #tpu.memory_space<hbm>>) target_semaphore(%run_scoped3A : memref<!tpu.dma_semaphore, #tpu.memory_space<semaphore_mem>>)
      %dma_wait3A_101 = arith.constant 0 : i32
      %dma_wait3A_102 = tpu.memref_slice %arg9[%add3A_17, %dma_wait3A_101] : memref<25600x128xf32, #tpu.memory_space<hbm>> -> memref<400x128xf32, #tpu.memory_space<hbm>>
      %dma_wait3A_103 = arith.constant 0 : i32
      %dma_wait3A_104 = tpu.memref_slice %arg9[%add3A_17, %dma_wait3A_103] : memref<25600x128xf32, #tpu.memory_space<hbm>> -> memref<400x128xf32, #tpu.memory_space<hbm>>
      tpu.wait_dma2 semaphore(%run_scoped3A : memref<!tpu.dma_semaphore, #tpu.memory_space<semaphore_mem>>) src(%arg15 : memref<400x128xf32, #tpu.memory_space<vmem>>) dst(%dma_wait3A_104 : memref<400x128xf32, #tpu.memory_space<hbm>>)
      tpu.yield
    }) : () -> ()
    %dma_start3A_18 = arith.constant 0 : i32
    %dma_start3A_19 = tpu.memref_slice %arg14[%dma_start3A_18] : memref<800xi32, #tpu.memory_space<vmem>> -> memref<400xi32, #tpu.memory_space<vmem>>
    %dma_start3A_20 = arith.constant 0 : i32
    %dma_start3A_21 = arith.constant 0 : i32
    %dma_start3A_22 = tpu.memref_slice %arg4[%dma_start3A_20, %dma_start3A_21] : memref<1000x128xf32, #tpu.memory_space<hbm>> -> memref<1000x128xf32, #tpu.memory_space<hbm>>
    tpu.enqueue_indirect_dma source(%dma_start3A_22 : memref<1000x128xf32, #tpu.memory_space<hbm>>) target(%arg15 : memref<400x128xf32, #tpu.memory_space<vmem>>) offsets(%dma_start3A_19 : memref<400xi32, #tpu.memory_space<vmem>>) semaphore(%arg17 : memref<!tpu.dma_semaphore, #tpu.memory_space<semaphore_mem>>)
    %dma_wait3A_23 = arith.constant 0 : i32
    %dma_wait3A_24 = tpu.memref_slice %arg14[%dma_wait3A_23] : memref<800xi32, #tpu.memory_space<vmem>> -> memref<400xi32, #tpu.memory_space<vmem>>
    %dma_wait3A_25 = arith.constant 0 : i32
    %dma_wait3A_26 = arith.constant 0 : i32
    %dma_wait3A_27 = tpu.memref_slice %arg3[%dma_wait3A_25, %dma_wait3A_26] : memref<1000x128xf32, #tpu.memory_space<hbm>> -> memref<1000x128xf32, #tpu.memory_space<hbm>>
    tpu.wait_indirect_dma semaphore(%arg18 : memref<!tpu.dma_semaphore, #tpu.memory_space<semaphore_mem>>) src(%dma_wait3A_27 : memref<1000x128xf32, #tpu.memory_space<hbm>>) dst(%arg16 : memref<400x128xf32, #tpu.memory_space<vmem>>)
    %add3A_28 = arith.constant 0 : i32
    %add3A_29 = arith.addi %mul3A_2, %add3A_28 : i32
    "tpu.region"() ({
      %run_scoped3A = tpu.sem_alloc : memref<!tpu.dma_semaphore, #tpu.memory_space<semaphore_mem>>
      %dma_start3A_97 = arith.constant 0 : i32
      %dma_start3A_98 = tpu.memref_slice %arg10[%add3A_29, %dma_start3A_97] : memref<25600x128xf32, #tpu.memory_space<hbm>> -> memref<400x128xf32, #tpu.memory_space<hbm>>
      %dma_start3A_99 = arith.constant 0 : i32
      %dma_start3A_100 = tpu.memref_slice %arg10[%add3A_29, %dma_start3A_99] : memref<25600x128xf32, #tpu.memory_space<hbm>> -> memref<400x128xf32, #tpu.memory_space<hbm>>
      tpu.enqueue_dma source(%arg16 : memref<400x128xf32, #tpu.memory_space<vmem>>) target(%dma_start3A_100 : memref<400x128xf32, #tpu.memory_space<hbm>>) target_semaphore(%run_scoped3A : memref<!tpu.dma_semaphore, #tpu.memory_space<semaphore_mem>>)
      %dma_wait3A_101 = arith.constant 0 : i32
      %dma_wait3A_102 = tpu.memref_slice %arg10[%add3A_29, %dma_wait3A_101] : memref<25600x128xf32, #tpu.memory_space<hbm>> -> memref<400x128xf32, #tpu.memory_space<hbm>>
      %dma_wait3A_103 = arith.constant 0 : i32
      %dma_wait3A_104 = tpu.memref_slice %arg10[%add3A_29, %dma_wait3A_103] : memref<25600x128xf32, #tpu.memory_space<hbm>> -> memref<400x128xf32, #tpu.memory_space<hbm>>
      tpu.wait_dma2 semaphore(%run_scoped3A : memref<!tpu.dma_semaphore, #tpu.memory_space<semaphore_mem>>) src(%arg16 : memref<400x128xf32, #tpu.memory_space<vmem>>) dst(%dma_wait3A_104 : memref<400x128xf32, #tpu.memory_space<hbm>>)
      tpu.yield
    }) : () -> ()
    %dma_start3A_30 = arith.constant 400 : i32
    %dma_start3A_31 = tpu.memref_slice %arg13[%dma_start3A_30] : memref<800xi32, #tpu.memory_space<vmem>> -> memref<400xi32, #tpu.memory_space<vmem>>
    %dma_start3A_32 = arith.constant 0 : i32
    %dma_start3A_33 = arith.constant 0 : i32
    %dma_start3A_34 = tpu.memref_slice %arg2[%dma_start3A_32, %dma_start3A_33] : memref<100000x128xf32, #tpu.memory_space<hbm>> -> memref<100000x128xf32, #tpu.memory_space<hbm>>
    tpu.enqueue_indirect_dma source(%dma_start3A_34 : memref<100000x128xf32, #tpu.memory_space<hbm>>) target(%arg16 : memref<400x128xf32, #tpu.memory_space<vmem>>) offsets(%dma_start3A_31 : memref<400xi32, #tpu.memory_space<vmem>>) semaphore(%arg18 : memref<!tpu.dma_semaphore, #tpu.memory_space<semaphore_mem>>)
    %dma_wait3A_35 = arith.constant 0 : i32
    %dma_wait3A_36 = tpu.memref_slice %arg14[%dma_wait3A_35] : memref<800xi32, #tpu.memory_space<vmem>> -> memref<400xi32, #tpu.memory_space<vmem>>
    %dma_wait3A_37 = arith.constant 0 : i32
    %dma_wait3A_38 = arith.constant 0 : i32
    %dma_wait3A_39 = tpu.memref_slice %arg4[%dma_wait3A_37, %dma_wait3A_38] : memref<1000x128xf32, #tpu.memory_space<hbm>> -> memref<1000x128xf32, #tpu.memory_space<hbm>>
    tpu.wait_indirect_dma semaphore(%arg17 : memref<!tpu.dma_semaphore, #tpu.memory_space<semaphore_mem>>) src(%dma_wait3A_39 : memref<1000x128xf32, #tpu.memory_space<hbm>>) dst(%arg15 : memref<400x128xf32, #tpu.memory_space<vmem>>)
    %add3A_40 = arith.constant 0 : i32
    %add3A_41 = arith.addi %mul3A_2, %add3A_40 : i32
    "tpu.region"() ({
      %run_scoped3A = tpu.sem_alloc : memref<!tpu.dma_semaphore, #tpu.memory_space<semaphore_mem>>
      %dma_start3A_97 = arith.constant 0 : i32
      %dma_start3A_98 = tpu.memref_slice %arg11[%add3A_41, %dma_start3A_97] : memref<25600x128xf32, #tpu.memory_space<hbm>> -> memref<400x128xf32, #tpu.memory_space<hbm>>
      %dma_start3A_99 = arith.constant 0 : i32
      %dma_start3A_100 = tpu.memref_slice %arg11[%add3A_41, %dma_start3A_99] : memref<25600x128xf32, #tpu.memory_space<hbm>> -> memref<400x128xf32, #tpu.memory_space<hbm>>
      tpu.enqueue_dma source(%arg15 : memref<400x128xf32, #tpu.memory_space<vmem>>) target(%dma_start3A_100 : memref<400x128xf32, #tpu.memory_space<hbm>>) target_semaphore(%run_scoped3A : memref<!tpu.dma_semaphore, #tpu.memory_space<semaphore_mem>>)
      %dma_wait3A_101 = arith.constant 0 : i32
      %dma_wait3A_102 = tpu.memref_slice %arg11[%add3A_41, %dma_wait3A_101] : memref<25600x128xf32, #tpu.memory_space<hbm>> -> memref<400x128xf32, #tpu.memory_space<hbm>>
      %dma_wait3A_103 = arith.constant 0 : i32
      %dma_wait3A_104 = tpu.memref_slice %arg11[%add3A_41, %dma_wait3A_103] : memref<25600x128xf32, #tpu.memory_space<hbm>> -> memref<400x128xf32, #tpu.memory_space<hbm>>
      tpu.wait_dma2 semaphore(%run_scoped3A : memref<!tpu.dma_semaphore, #tpu.memory_space<semaphore_mem>>) src(%arg15 : memref<400x128xf32, #tpu.memory_space<vmem>>) dst(%dma_wait3A_104 : memref<400x128xf32, #tpu.memory_space<hbm>>)
      tpu.yield
    }) : () -> ()
    %dma_start3A_42 = arith.constant 400 : i32
    %dma_start3A_43 = tpu.memref_slice %arg14[%dma_start3A_42] : memref<800xi32, #tpu.memory_space<vmem>> -> memref<400xi32, #tpu.memory_space<vmem>>
    %dma_start3A_44 = arith.constant 0 : i32
    %dma_start3A_45 = arith.constant 0 : i32
    %dma_start3A_46 = tpu.memref_slice %arg3[%dma_start3A_44, %dma_start3A_45] : memref<1000x128xf32, #tpu.memory_space<hbm>> -> memref<1000x128xf32, #tpu.memory_space<hbm>>
    tpu.enqueue_indirect_dma source(%dma_start3A_46 : memref<1000x128xf32, #tpu.memory_space<hbm>>) target(%arg15 : memref<400x128xf32, #tpu.memory_space<vmem>>) offsets(%dma_start3A_43 : memref<400xi32, #tpu.memory_space<vmem>>) semaphore(%arg17 : memref<!tpu.dma_semaphore, #tpu.memory_space<semaphore_mem>>)
    %dma_wait3A_47 = arith.constant 400 : i32
    %dma_wait3A_48 = tpu.memref_slice %arg13[%dma_wait3A_47] : memref<800xi32, #tpu.memory_space<vmem>> -> memref<400xi32, #tpu.memory_space<vmem>>
    %dma_wait3A_49 = arith.constant 0 : i32
    %dma_wait3A_50 = arith.constant 0 : i32
    %dma_wait3A_51 = tpu.memref_slice %arg2[%dma_wait3A_49, %dma_wait3A_50] : memref<100000x128xf32, #tpu.memory_space<hbm>> -> memref<100000x128xf32, #tpu.memory_space<hbm>>
    tpu.wait_indirect_dma semaphore(%arg18 : memref<!tpu.dma_semaphore, #tpu.memory_space<semaphore_mem>>) src(%dma_wait3A_51 : memref<100000x128xf32, #tpu.memory_space<hbm>>) dst(%arg16 : memref<400x128xf32, #tpu.memory_space<vmem>>)
    %add3A_52 = arith.constant 400 : i32
    %add3A_53 = arith.addi %mul3A_2, %add3A_52 : i32
    "tpu.region"() ({
      %run_scoped3A = tpu.sem_alloc : memref<!tpu.dma_semaphore, #tpu.memory_space<semaphore_mem>>
      %dma_start3A_97 = arith.constant 0 : i32
      %dma_start3A_98 = tpu.memref_slice %arg9[%add3A_53, %dma_start3A_97] : memref<25600x128xf32, #tpu.memory_space<hbm>> -> memref<400x128xf32, #tpu.memory_space<hbm>>
      %dma_start3A_99 = arith.constant 0 : i32
      %dma_start3A_100 = tpu.memref_slice %arg9[%add3A_53, %dma_start3A_99] : memref<25600x128xf32, #tpu.memory_space<hbm>> -> memref<400x128xf32, #tpu.memory_space<hbm>>
      tpu.enqueue_dma source(%arg16 : memref<400x128xf32, #tpu.memory_space<vmem>>) target(%dma_start3A_100 : memref<400x128xf32, #tpu.memory_space<hbm>>) target_semaphore(%run_scoped3A : memref<!tpu.dma_semaphore, #tpu.memory_space<semaphore_mem>>)
      %dma_wait3A_101 = arith.constant 0 : i32
      %dma_wait3A_102 = tpu.memref_slice %arg9[%add3A_53, %dma_wait3A_101] : memref<25600x128xf32, #tpu.memory_space<hbm>> -> memref<400x128xf32, #tpu.memory_space<hbm>>
      %dma_wait3A_103 = arith.constant 0 : i32
      %dma_wait3A_104 = tpu.memref_slice %arg9[%add3A_53, %dma_wait3A_103] : memref<25600x128xf32, #tpu.memory_space<hbm>> -> memref<400x128xf32, #tpu.memory_space<hbm>>
      tpu.wait_dma2 semaphore(%run_scoped3A : memref<!tpu.dma_semaphore, #tpu.memory_space<semaphore_mem>>) src(%arg16 : memref<400x128xf32, #tpu.memory_space<vmem>>) dst(%dma_wait3A_104 : memref<400x128xf32, #tpu.memory_space<hbm>>)
      tpu.yield
    }) : () -> ()
    %dma_start3A_54 = arith.constant 400 : i32
    %dma_start3A_55 = tpu.memref_slice %arg14[%dma_start3A_54] : memref<800xi32, #tpu.memory_space<vmem>> -> memref<400xi32, #tpu.memory_space<vmem>>
    %dma_start3A_56 = arith.constant 0 : i32
    %dma_start3A_57 = arith.constant 0 : i32
    %dma_start3A_58 = tpu.memref_slice %arg4[%dma_start3A_56, %dma_start3A_57] : memref<1000x128xf32, #tpu.memory_space<hbm>> -> memref<1000x128xf32, #tpu.memory_space<hbm>>
    tpu.enqueue_indirect_dma source(%dma_start3A_58 : memref<1000x128xf32, #tpu.memory_space<hbm>>) target(%arg16 : memref<400x128xf32, #tpu.memory_space<vmem>>) offsets(%dma_start3A_55 : memref<400xi32, #tpu.memory_space<vmem>>) semaphore(%arg18 : memref<!tpu.dma_semaphore, #tpu.memory_space<semaphore_mem>>)
    %dma_wait3A_59 = arith.constant 400 : i32
    %dma_wait3A_60 = tpu.memref_slice %arg14[%dma_wait3A_59] : memref<800xi32, #tpu.memory_space<vmem>> -> memref<400xi32, #tpu.memory_space<vmem>>
    %dma_wait3A_61 = arith.constant 0 : i32
    %dma_wait3A_62 = arith.constant 0 : i32
    %dma_wait3A_63 = tpu.memref_slice %arg3[%dma_wait3A_61, %dma_wait3A_62] : memref<1000x128xf32, #tpu.memory_space<hbm>> -> memref<1000x128xf32, #tpu.memory_space<hbm>>
    tpu.wait_indirect_dma semaphore(%arg17 : memref<!tpu.dma_semaphore, #tpu.memory_space<semaphore_mem>>) src(%dma_wait3A_63 : memref<1000x128xf32, #tpu.memory_space<hbm>>) dst(%arg15 : memref<400x128xf32, #tpu.memory_space<vmem>>)
    %add3A_64 = arith.constant 400 : i32
    %add3A_65 = arith.addi %mul3A_2, %add3A_64 : i32
    "tpu.region"() ({
      %run_scoped3A = tpu.sem_alloc : memref<!tpu.dma_semaphore, #tpu.memory_space<semaphore_mem>>
      %dma_start3A_97 = arith.constant 0 : i32
      %dma_start3A_98 = tpu.memref_slice %arg10[%add3A_65, %dma_start3A_97] : memref<25600x128xf32, #tpu.memory_space<hbm>> -> memref<400x128xf32, #tpu.memory_space<hbm>>
      %dma_start3A_99 = arith.constant 0 : i32
      %dma_start3A_100 = tpu.memref_slice %arg10[%add3A_65, %dma_start3A_99] : memref<25600x128xf32, #tpu.memory_space<hbm>> -> memref<400x128xf32, #tpu.memory_space<hbm>>
      tpu.enqueue_dma source(%arg15 : memref<400x128xf32, #tpu.memory_space<vmem>>) target(%dma_start3A_100 : memref<400x128xf32, #tpu.memory_space<hbm>>) target_semaphore(%run_scoped3A : memref<!tpu.dma_semaphore, #tpu.memory_space<semaphore_mem>>)
      %dma_wait3A_101 = arith.constant 0 : i32
      %dma_wait3A_102 = tpu.memref_slice %arg10[%add3A_65, %dma_wait3A_101] : memref<25600x128xf32, #tpu.memory_space<hbm>> -> memref<400x128xf32, #tpu.memory_space<hbm>>
      %dma_wait3A_103 = arith.constant 0 : i32
      %dma_wait3A_104 = tpu.memref_slice %arg10[%add3A_65, %dma_wait3A_103] : memref<25600x128xf32, #tpu.memory_space<hbm>> -> memref<400x128xf32, #tpu.memory_space<hbm>>
      tpu.wait_dma2 semaphore(%run_scoped3A : memref<!tpu.dma_semaphore, #tpu.memory_space<semaphore_mem>>) src(%arg15 : memref<400x128xf32, #tpu.memory_space<vmem>>) dst(%dma_wait3A_104 : memref<400x128xf32, #tpu.memory_space<hbm>>)
      tpu.yield
    }) : () -> ()
    %dma_wait3A_66 = arith.constant 400 : i32
    %dma_wait3A_67 = tpu.memref_slice %arg14[%dma_wait3A_66] : memref<800xi32, #tpu.memory_space<vmem>> -> memref<400xi32, #tpu.memory_space<vmem>>
    %dma_wait3A_68 = arith.constant 0 : i32
    %dma_wait3A_69 = arith.constant 0 : i32
    %dma_wait3A_70 = tpu.memref_slice %arg4[%dma_wait3A_68, %dma_wait3A_69] : memref<1000x128xf32, #tpu.memory_space<hbm>> -> memref<1000x128xf32, #tpu.memory_space<hbm>>
    tpu.wait_indirect_dma semaphore(%arg18 : memref<!tpu.dma_semaphore, #tpu.memory_space<semaphore_mem>>) src(%dma_wait3A_70 : memref<1000x128xf32, #tpu.memory_space<hbm>>) dst(%arg16 : memref<400x128xf32, #tpu.memory_space<vmem>>)
    %add3A_71 = arith.constant 400 : i32
    %add3A_72 = arith.addi %mul3A_2, %add3A_71 : i32
    "tpu.region"() ({
      %run_scoped3A = tpu.sem_alloc : memref<!tpu.dma_semaphore, #tpu.memory_space<semaphore_mem>>
      %dma_start3A_97 = arith.constant 0 : i32
      %dma_start3A_98 = tpu.memref_slice %arg11[%add3A_72, %dma_start3A_97] : memref<25600x128xf32, #tpu.memory_space<hbm>> -> memref<400x128xf32, #tpu.memory_space<hbm>>
      %dma_start3A_99 = arith.constant 0 : i32
      %dma_start3A_100 = tpu.memref_slice %arg11[%add3A_72, %dma_start3A_99] : memref<25600x128xf32, #tpu.memory_space<hbm>> -> memref<400x128xf32, #tpu.memory_space<hbm>>
      tpu.enqueue_dma source(%arg16 : memref<400x128xf32, #tpu.memory_space<vmem>>) target(%dma_start3A_100 : memref<400x128xf32, #tpu.memory_space<hbm>>) target_semaphore(%run_scoped3A : memref<!tpu.dma_semaphore, #tpu.memory_space<semaphore_mem>>)
      %dma_wait3A_101 = arith.constant 0 : i32
      %dma_wait3A_102 = tpu.memref_slice %arg11[%add3A_72, %dma_wait3A_101] : memref<25600x128xf32, #tpu.memory_space<hbm>> -> memref<400x128xf32, #tpu.memory_space<hbm>>
      %dma_wait3A_103 = arith.constant 0 : i32
      %dma_wait3A_104 = tpu.memref_slice %arg11[%add3A_72, %dma_wait3A_103] : memref<25600x128xf32, #tpu.memory_space<hbm>> -> memref<400x128xf32, #tpu.memory_space<hbm>>
      tpu.wait_dma2 semaphore(%run_scoped3A : memref<!tpu.dma_semaphore, #tpu.memory_space<semaphore_mem>>) src(%arg16 : memref<400x128xf32, #tpu.memory_space<vmem>>) dst(%dma_wait3A_104 : memref<400x128xf32, #tpu.memory_space<hbm>>)
      tpu.yield
    }) : () -> ()
    "tpu.region"() ({
      %run_scoped3A = tpu.sem_alloc : memref<!tpu.dma_semaphore, #tpu.memory_space<semaphore_mem>>
      %dma_start3A_97 = tpu.memref_slice %arg7[%mul3A_2] : memref<25600xi32, #tpu.memory_space<hbm>> -> memref<800xi32, #tpu.memory_space<hbm>>
      %dma_start3A_98 = tpu.memref_slice %arg7[%mul3A_2] : memref<25600xi32, #tpu.memory_space<hbm>> -> memref<800xi32, #tpu.memory_space<hbm>>
      tpu.enqueue_dma source(%dma_start3A_98 : memref<800xi32, #tpu.memory_space<hbm>>) target(%arg13 : memref<800xi32, #tpu.memory_space<vmem>>) target_semaphore(%run_scoped3A : memref<!tpu.dma_semaphore, #tpu.memory_space<semaphore_mem>>)
      %dma_wait3A_99 = tpu.memref_slice %arg7[%mul3A_2] : memref<25600xi32, #tpu.memory_space<hbm>> -> memref<800xi32, #tpu.memory_space<hbm>>
      %dma_wait3A_100 = tpu.memref_slice %arg7[%mul3A_2] : memref<25600xi32, #tpu.memory_space<hbm>> -> memref<800xi32, #tpu.memory_space<hbm>>
      tpu.wait_dma2 semaphore(%run_scoped3A : memref<!tpu.dma_semaphore, #tpu.memory_space<semaphore_mem>>) src(%dma_wait3A_100 : memref<800xi32, #tpu.memory_space<hbm>>) dst(%arg13 : memref<800xi32, #tpu.memory_space<vmem>>)
      tpu.yield
    }) : () -> ()
    %dma_start3A_73 = arith.constant 0 : i32
    %dma_start3A_74 = tpu.memref_slice %arg13[%dma_start3A_73] : memref<800xi32, #tpu.memory_space<vmem>> -> memref<400xi32, #tpu.memory_space<vmem>>
    %dma_start3A_75 = arith.constant 0 : i32
    %dma_start3A_76 = arith.constant 0 : i32
    %dma_start3A_77 = tpu.memref_slice %arg5[%dma_start3A_75, %dma_start3A_76] : memref<782x128xf32, #tpu.memory_space<hbm>> -> memref<782x128xf32, #tpu.memory_space<hbm>>
    tpu.enqueue_indirect_dma source(%dma_start3A_77 : memref<782x128xf32, #tpu.memory_space<hbm>>) target(%arg15 : memref<400x128xf32, #tpu.memory_space<vmem>>) offsets(%dma_start3A_74 : memref<400xi32, #tpu.memory_space<vmem>>) semaphore(%arg17 : memref<!tpu.dma_semaphore, #tpu.memory_space<semaphore_mem>>)
    %dma_start3A_78 = arith.constant 400 : i32
    %dma_start3A_79 = tpu.memref_slice %arg13[%dma_start3A_78] : memref<800xi32, #tpu.memory_space<vmem>> -> memref<400xi32, #tpu.memory_space<vmem>>
    %dma_start3A_80 = arith.constant 0 : i32
    %dma_start3A_81 = arith.constant 0 : i32
    %dma_start3A_82 = tpu.memref_slice %arg5[%dma_start3A_80, %dma_start3A_81] : memref<782x128xf32, #tpu.memory_space<hbm>> -> memref<782x128xf32, #tpu.memory_space<hbm>>
    tpu.enqueue_indirect_dma source(%dma_start3A_82 : memref<782x128xf32, #tpu.memory_space<hbm>>) target(%arg16 : memref<400x128xf32, #tpu.memory_space<vmem>>) offsets(%dma_start3A_79 : memref<400xi32, #tpu.memory_space<vmem>>) semaphore(%arg18 : memref<!tpu.dma_semaphore, #tpu.memory_space<semaphore_mem>>)
    %dma_wait3A_83 = arith.constant 0 : i32
    %dma_wait3A_84 = tpu.memref_slice %arg13[%dma_wait3A_83] : memref<800xi32, #tpu.memory_space<vmem>> -> memref<400xi32, #tpu.memory_space<vmem>>
    %dma_wait3A_85 = arith.constant 0 : i32
    %dma_wait3A_86 = arith.constant 0 : i32
    %dma_wait3A_87 = tpu.memref_slice %arg5[%dma_wait3A_85, %dma_wait3A_86] : memref<782x128xf32, #tpu.memory_space<hbm>> -> memref<782x128xf32, #tpu.memory_space<hbm>>
    tpu.wait_indirect_dma semaphore(%arg17 : memref<!tpu.dma_semaphore, #tpu.memory_space<semaphore_mem>>) src(%dma_wait3A_87 : memref<782x128xf32, #tpu.memory_space<hbm>>) dst(%arg15 : memref<400x128xf32, #tpu.memory_space<vmem>>)
    %add3A_88 = arith.constant 0 : i32
    %add3A_89 = arith.addi %mul3A_2, %add3A_88 : i32
    "tpu.region"() ({
      %run_scoped3A = tpu.sem_alloc : memref<!tpu.dma_semaphore, #tpu.memory_space<semaphore_mem>>
      %dma_start3A_97 = arith.constant 0 : i32
      %dma_start3A_98 = tpu.memref_slice %arg12[%add3A_89, %dma_start3A_97] : memref<25600x128xf32, #tpu.memory_space<hbm>> -> memref<400x128xf32, #tpu.memory_space<hbm>>
      %dma_start3A_99 = arith.constant 0 : i32
      %dma_start3A_100 = tpu.memref_slice %arg12[%add3A_89, %dma_start3A_99] : memref<25600x128xf32, #tpu.memory_space<hbm>> -> memref<400x128xf32, #tpu.memory_space<hbm>>
      tpu.enqueue_dma source(%arg15 : memref<400x128xf32, #tpu.memory_space<vmem>>) target(%dma_start3A_100 : memref<400x128xf32, #tpu.memory_space<hbm>>) target_semaphore(%run_scoped3A : memref<!tpu.dma_semaphore, #tpu.memory_space<semaphore_mem>>)
      %dma_wait3A_101 = arith.constant 0 : i32
      %dma_wait3A_102 = tpu.memref_slice %arg12[%add3A_89, %dma_wait3A_101] : memref<25600x128xf32, #tpu.memory_space<hbm>> -> memref<400x128xf32, #tpu.memory_space<hbm>>
      %dma_wait3A_103 = arith.constant 0 : i32
      %dma_wait3A_104 = tpu.memref_slice %arg12[%add3A_89, %dma_wait3A_103] : memref<25600x128xf32, #tpu.memory_space<hbm>> -> memref<400x128xf32, #tpu.memory_space<hbm>>
      tpu.wait_dma2 semaphore(%run_scoped3A : memref<!tpu.dma_semaphore, #tpu.memory_space<semaphore_mem>>) src(%arg15 : memref<400x128xf32, #tpu.memory_space<vmem>>) dst(%dma_wait3A_104 : memref<400x128xf32, #tpu.memory_space<hbm>>)
      tpu.yield
    }) : () -> ()
    %dma_wait3A_90 = arith.constant 400 : i32
    %dma_wait3A_91 = tpu.memref_slice %arg13[%dma_wait3A_90] : memref<800xi32, #tpu.memory_space<vmem>> -> memref<400xi32, #tpu.memory_space<vmem>>
    %dma_wait3A_92 = arith.constant 0 : i32
    %dma_wait3A_93 = arith.constant 0 : i32
    %dma_wait3A_94 = tpu.memref_slice %arg5[%dma_wait3A_92, %dma_wait3A_93] : memref<782x128xf32, #tpu.memory_space<hbm>> -> memref<782x128xf32, #tpu.memory_space<hbm>>
    tpu.wait_indirect_dma semaphore(%arg18 : memref<!tpu.dma_semaphore, #tpu.memory_space<semaphore_mem>>) src(%dma_wait3A_94 : memref<782x128xf32, #tpu.memory_space<hbm>>) dst(%arg16 : memref<400x128xf32, #tpu.memory_space<vmem>>)
    %add3A_95 = arith.constant 400 : i32
    %add3A_96 = arith.addi %mul3A_2, %add3A_95 : i32
    "tpu.region"() ({
      %run_scoped3A = tpu.sem_alloc : memref<!tpu.dma_semaphore, #tpu.memory_space<semaphore_mem>>
      %dma_start3A_97 = arith.constant 0 : i32
      %dma_start3A_98 = tpu.memref_slice %arg12[%add3A_96, %dma_start3A_97] : memref<25600x128xf32, #tpu.memory_space<hbm>> -> memref<400x128xf32, #tpu.memory_space<hbm>>
      %dma_start3A_99 = arith.constant 0 : i32
      %dma_start3A_100 = tpu.memref_slice %arg12[%add3A_96, %dma_start3A_99] : memref<25600x128xf32, #tpu.memory_space<hbm>> -> memref<400x128xf32, #tpu.memory_space<hbm>>
      tpu.enqueue_dma source(%arg16 : memref<400x128xf32, #tpu.memory_space<vmem>>) target(%dma_start3A_100 : memref<400x128xf32, #tpu.memory_space<hbm>>) target_semaphore(%run_scoped3A : memref<!tpu.dma_semaphore, #tpu.memory_space<semaphore_mem>>)
      %dma_wait3A_101 = arith.constant 0 : i32
      %dma_wait3A_102 = tpu.memref_slice %arg12[%add3A_96, %dma_wait3A_101] : memref<25600x128xf32, #tpu.memory_space<hbm>> -> memref<400x128xf32, #tpu.memory_space<hbm>>
      %dma_wait3A_103 = arith.constant 0 : i32
      %dma_wait3A_104 = tpu.memref_slice %arg12[%add3A_96, %dma_wait3A_103] : memref<25600x128xf32, #tpu.memory_space<hbm>> -> memref<400x128xf32, #tpu.memory_space<hbm>>
      tpu.wait_dma2 semaphore(%run_scoped3A : memref<!tpu.dma_semaphore, #tpu.memory_space<semaphore_mem>>) src(%arg16 : memref<400x128xf32, #tpu.memory_space<vmem>>) dst(%dma_wait3A_104 : memref<400x128xf32, #tpu.memory_space<hbm>>)
      tpu.yield
    }) : () -> ()
    return
  }
}

#map = affine_map<(d0, d1) -> (0, 0)>
#map1 = affine_map<(d0, d1) -> (0)>
module attributes {stable_mosaic.version = 14 : i64} {
  func.func @k(%arg0: i32, %arg1: i32, %arg2: memref<100000x128xf32, #tpu.memory_space<hbm>>, %arg3: memref<1000x128xf32, #tpu.memory_space<hbm>>, %arg4: memref<1000x128xf32, #tpu.memory_space<hbm>>, %arg5: memref<782x128xf32, #tpu.memory_space<hbm>>, %arg6: memref<25600xi32, #tpu.memory_space<hbm>>, %arg7: memref<25600xi32, #tpu.memory_space<hbm>>, %arg8: memref<25600xi32, #tpu.memory_space<hbm>>, %arg9: memref<25600x128xf32, #tpu.memory_space<hbm>>, %arg10: memref<25600x128xf32, #tpu.memory_space<hbm>>, %arg11: memref<25600x128xf32, #tpu.memory_space<hbm>>, %arg12: memref<25600x128xf32, #tpu.memory_space<hbm>>, %arg13: memref<800xi32, #tpu.memory_space<vmem>>, %arg14: memref<800xi32, #tpu.memory_space<vmem>>, %arg15: memref<400x128xf32, #tpu.memory_space<vmem>>, %arg16: memref<400x128xf32, #tpu.memory_space<vmem>>, %arg17: memref<!tpu.dma_semaphore, #tpu.memory_space<semaphore_mem>>, %arg18: memref<!tpu.dma_semaphore, #tpu.memory_space<semaphore_mem>>) attributes {dimension_semantics = [#tpu.dimension_semantics<core_parallel>, #tpu.dimension_semantics<subcore_parallel>], iteration_bounds = array<i64: 2, 16>, scalar_prefetch = 0 : i64, scratch_operands = 6 : i64, tpu.core_type = #tpu.core_type<sc_vector_subcore>, window_params = [{transform_indices = #map}, {transform_indices = #map}, {transform_indices = #map}, {transform_indices = #map}, {transform_indices = #map1}, {transform_indices = #map1}, {transform_indices = #map1}, {transform_indices = #map}, {transform_indices = #map}, {transform_indices = #map}, {transform_indices = #map}]} {
    %mul3A = arith.constant 2 : i32
    %mul3A_0 = arith.muli %arg1, %mul3A : i32
    %add3A = arith.addi %mul3A_0, %arg0 : i32
    %mul3A_1 = arith.constant 800 : i32
    %mul3A_2 = arith.muli %add3A, %mul3A_1 : i32
    "tpu.region"() ({
      %run_scoped3A = tpu.sem_alloc : memref<!tpu.dma_semaphore, #tpu.memory_space<semaphore_mem>>
      %dma_start3A_97 = tpu.memref_slice %arg6[%mul3A_2] : memref<25600xi32, #tpu.memory_space<hbm>> -> memref<800xi32, #tpu.memory_space<hbm>>
      %dma_start3A_98 = tpu.memref_slice %arg6[%mul3A_2] : memref<25600xi32, #tpu.memory_space<hbm>> -> memref<800xi32, #tpu.memory_space<hbm>>
      tpu.enqueue_dma source(%dma_start3A_98 : memref<800xi32, #tpu.memory_space<hbm>>) target(%arg13 : memref<800xi32, #tpu.memory_space<vmem>>) target_semaphore(%run_scoped3A : memref<!tpu.dma_semaphore, #tpu.memory_space<semaphore_mem>>)
      %dma_wait3A_99 = tpu.memref_slice %arg6[%mul3A_2] : memref<25600xi32, #tpu.memory_space<hbm>> -> memref<800xi32, #tpu.memory_space<hbm>>
      %dma_wait3A_100 = tpu.memref_slice %arg6[%mul3A_2] : memref<25600xi32, #tpu.memory_space<hbm>> -> memref<800xi32, #tpu.memory_space<hbm>>
      tpu.wait_dma2 semaphore(%run_scoped3A : memref<!tpu.dma_semaphore, #tpu.memory_space<semaphore_mem>>) src(%dma_wait3A_100 : memref<800xi32, #tpu.memory_space<hbm>>) dst(%arg13 : memref<800xi32, #tpu.memory_space<vmem>>)
      tpu.yield
    }) : () -> ()
    "tpu.region"() ({
      %run_scoped3A = tpu.sem_alloc : memref<!tpu.dma_semaphore, #tpu.memory_space<semaphore_mem>>
      %dma_start3A_97 = tpu.memref_slice %arg8[%mul3A_2] : memref<25600xi32, #tpu.memory_space<hbm>> -> memref<800xi32, #tpu.memory_space<hbm>>
      %dma_start3A_98 = tpu.memref_slice %arg8[%mul3A_2] : memref<25600xi32, #tpu.memory_space<hbm>> -> memref<800xi32, #tpu.memory_space<hbm>>
      tpu.enqueue_dma source(%dma_start3A_98 : memref<800xi32, #tpu.memory_space<hbm>>) target(%arg14 : memref<800xi32, #tpu.memory_space<vmem>>) target_semaphore(%run_scoped3A : memref<!tpu.dma_semaphore, #tpu.memory_space<semaphore_mem>>)
      %dma_wait3A_99 = tpu.memref_slice %arg8[%mul3A_2] : memref<25600xi32, #tpu.memory_space<hbm>> -> memref<800xi32, #tpu.memory_space<hbm>>
      %dma_wait3A_100 = tpu.memref_slice %arg8[%mul3A_2] : memref<25600xi32, #tpu.memory_space<hbm>> -> memref<800xi32, #tpu.memory_space<hbm>>
      tpu.wait_dma2 semaphore(%run_scoped3A : memref<!tpu.dma_semaphore, #tpu.memory_space<semaphore_mem>>) src(%dma_wait3A_100 : memref<800xi32, #tpu.memory_space<hbm>>) dst(%arg14 : memref<800xi32, #tpu.memory_space<vmem>>)
      tpu.yield
    }) : () -> ()
    %dma_start3A = arith.constant 0 : i32
    %dma_start3A_3 = tpu.memref_slice %arg13[%dma_start3A] : memref<800xi32, #tpu.memory_space<vmem>> -> memref<400xi32, #tpu.memory_space<vmem>>
    %dma_start3A_4 = arith.constant 0 : i32
    %dma_start3A_5 = arith.constant 0 : i32
    %dma_start3A_6 = tpu.memref_slice %arg2[%dma_start3A_4, %dma_start3A_5] : memref<100000x128xf32, #tpu.memory_space<hbm>> -> memref<100000x128xf32, #tpu.memory_space<hbm>>
    tpu.enqueue_indirect_dma source(%dma_start3A_6 : memref<100000x128xf32, #tpu.memory_space<hbm>>) target(%arg15 : memref<400x128xf32, #tpu.memory_space<vmem>>) offsets(%dma_start3A_3 : memref<400xi32, #tpu.memory_space<vmem>>) semaphore(%arg17 : memref<!tpu.dma_semaphore, #tpu.memory_space<semaphore_mem>>)
    %dma_start3A_7 = arith.constant 0 : i32
    %dma_start3A_8 = tpu.memref_slice %arg14[%dma_start3A_7] : memref<800xi32, #tpu.memory_space<vmem>> -> memref<400xi32, #tpu.memory_space<vmem>>
    %dma_start3A_9 = arith.constant 0 : i32
    %dma_start3A_10 = arith.constant 0 : i32
    %dma_start3A_11 = tpu.memref_slice %arg3[%dma_start3A_9, %dma_start3A_10] : memref<1000x128xf32, #tpu.memory_space<hbm>> -> memref<1000x128xf32, #tpu.memory_space<hbm>>
    tpu.enqueue_indirect_dma source(%dma_start3A_11 : memref<1000x128xf32, #tpu.memory_space<hbm>>) target(%arg16 : memref<400x128xf32, #tpu.memory_space<vmem>>) offsets(%dma_start3A_8 : memref<400xi32, #tpu.memory_space<vmem>>) semaphore(%arg18 : memref<!tpu.dma_semaphore, #tpu.memory_space<semaphore_mem>>)
    %dma_wait3A = arith.constant 0 : i32
    %dma_wait3A_12 = tpu.memref_slice %arg13[%dma_wait3A] : memref<800xi32, #tpu.memory_space<vmem>> -> memref<400xi32, #tpu.memory_space<vmem>>
    %dma_wait3A_13 = arith.constant 0 : i32
    %dma_wait3A_14 = arith.constant 0 : i32
    %dma_wait3A_15 = tpu.memref_slice %arg2[%dma_wait3A_13, %dma_wait3A_14] : memref<100000x128xf32, #tpu.memory_space<hbm>> -> memref<100000x128xf32, #tpu.memory_space<hbm>>
    tpu.wait_indirect_dma semaphore(%arg17 : memref<!tpu.dma_semaphore, #tpu.memory_space<semaphore_mem>>) src(%dma_wait3A_15 : memref<100000x128xf32, #tpu.memory_space<hbm>>) dst(%arg15 : memref<400x128xf32, #tpu.memory_space<vmem>>)
    %add3A_16 = arith.constant 0 : i32
    %add3A_17 = arith.addi %mul3A_2, %add3A_16 : i32
    "tpu.region"() ({
      %run_scoped3A = tpu.sem_alloc : memref<!tpu.dma_semaphore, #tpu.memory_space<semaphore_mem>>
      %dma_start3A_97 = arith.constant 0 : i32
      %dma_start3A_98 = tpu.memref_slice %arg9[%add3A_17, %dma_start3A_97] : memref<25600x128xf32, #tpu.memory_space<hbm>> -> memref<400x128xf32, #tpu.memory_space<hbm>>
      %dma_start3A_99 = arith.constant 0 : i32
      %dma_start3A_100 = tpu.memref_slice %arg9[%add3A_17, %dma_start3A_99] : memref<25600x128xf32, #tpu.memory_space<hbm>> -> memref<400x128xf32, #tpu.memory_space<hbm>>
      tpu.enqueue_dma source(%arg15 : memref<400x128xf32, #tpu.memory_space<vmem>>) target(%dma_start3A_100 : memref<400x128xf32, #tpu.memory_space<hbm>>) target_semaphore(%run_scoped3A : memref<!tpu.dma_semaphore, #tpu.memory_space<semaphore_mem>>)
      %dma_wait3A_101 = arith.constant 0 : i32
      %dma_wait3A_102 = tpu.memref_slice %arg9[%add3A_17, %dma_wait3A_101] : memref<25600x128xf32, #tpu.memory_space<hbm>> -> memref<400x128xf32, #tpu.memory_space<hbm>>
      %dma_wait3A_103 = arith.constant 0 : i32
      %dma_wait3A_104 = tpu.memref_slice %arg9[%add3A_17, %dma_wait3A_103] : memref<25600x128xf32, #tpu.memory_space<hbm>> -> memref<400x128xf32, #tpu.memory_space<hbm>>
      tpu.wait_dma2 semaphore(%run_scoped3A : memref<!tpu.dma_semaphore, #tpu.memory_space<semaphore_mem>>) src(%arg15 : memref<400x128xf32, #tpu.memory_space<vmem>>) dst(%dma_wait3A_104 : memref<400x128xf32, #tpu.memory_space<hbm>>)
      tpu.yield
    }) : () -> ()
    %dma_start3A_18 = arith.constant 0 : i32
    %dma_start3A_19 = tpu.memref_slice %arg14[%dma_start3A_18] : memref<800xi32, #tpu.memory_space<vmem>> -> memref<400xi32, #tpu.memory_space<vmem>>
    %dma_start3A_20 = arith.constant 0 : i32
    %dma_start3A_21 = arith.constant 0 : i32
    %dma_start3A_22 = tpu.memref_slice %arg4[%dma_start3A_20, %dma_start3A_21] : memref<1000x128xf32, #tpu.memory_space<hbm>> -> memref<1000x128xf32, #tpu.memory_space<hbm>>
    tpu.enqueue_indirect_dma source(%dma_start3A_22 : memref<1000x128xf32, #tpu.memory_space<hbm>>) target(%arg15 : memref<400x128xf32, #tpu.memory_space<vmem>>) offsets(%dma_start3A_19 : memref<400xi32, #tpu.memory_space<vmem>>) semaphore(%arg17 : memref<!tpu.dma_semaphore, #tpu.memory_space<semaphore_mem>>)
    %dma_wait3A_23 = arith.constant 0 : i32
    %dma_wait3A_24 = tpu.memref_slice %arg14[%dma_wait3A_23] : memref<800xi32, #tpu.memory_space<vmem>> -> memref<400xi32, #tpu.memory_space<vmem>>
    %dma_wait3A_25 = arith.constant 0 : i32
    %dma_wait3A_26 = arith.constant 0 : i32
    %dma_wait3A_27 = tpu.memref_slice %arg3[%dma_wait3A_25, %dma_wait3A_26] : memref<1000x128xf32, #tpu.memory_space<hbm>> -> memref<1000x128xf32, #tpu.memory_space<hbm>>
    tpu.wait_indirect_dma semaphore(%arg18 : memref<!tpu.dma_semaphore, #tpu.memory_space<semaphore_mem>>) src(%dma_wait3A_27 : memref<1000x128xf32, #tpu.memory_space<hbm>>) dst(%arg16 : memref<400x128xf32, #tpu.memory_space<vmem>>)
    %add3A_28 = arith.constant 0 : i32
    %add3A_29 = arith.addi %mul3A_2, %add3A_28 : i32
    "tpu.region"() ({
      %run_scoped3A = tpu.sem_alloc : memref<!tpu.dma_semaphore, #tpu.memory_space<semaphore_mem>>
      %dma_start3A_97 = arith.constant 0 : i32
      %dma_start3A_98 = tpu.memref_slice %arg10[%add3A_29, %dma_start3A_97] : memref<25600x128xf32, #tpu.memory_space<hbm>> -> memref<400x128xf32, #tpu.memory_space<hbm>>
      %dma_start3A_99 = arith.constant 0 : i32
      %dma_start3A_100 = tpu.memref_slice %arg10[%add3A_29, %dma_start3A_99] : memref<25600x128xf32, #tpu.memory_space<hbm>> -> memref<400x128xf32, #tpu.memory_space<hbm>>
      tpu.enqueue_dma source(%arg16 : memref<400x128xf32, #tpu.memory_space<vmem>>) target(%dma_start3A_100 : memref<400x128xf32, #tpu.memory_space<hbm>>) target_semaphore(%run_scoped3A : memref<!tpu.dma_semaphore, #tpu.memory_space<semaphore_mem>>)
      %dma_wait3A_101 = arith.constant 0 : i32
      %dma_wait3A_102 = tpu.memref_slice %arg10[%add3A_29, %dma_wait3A_101] : memref<25600x128xf32, #tpu.memory_space<hbm>> -> memref<400x128xf32, #tpu.memory_space<hbm>>
      %dma_wait3A_103 = arith.constant 0 : i32
      %dma_wait3A_104 = tpu.memref_slice %arg10[%add3A_29, %dma_wait3A_103] : memref<25600x128xf32, #tpu.memory_space<hbm>> -> memref<400x128xf32, #tpu.memory_space<hbm>>
      tpu.wait_dma2 semaphore(%run_scoped3A : memref<!tpu.dma_semaphore, #tpu.memory_space<semaphore_mem>>) src(%arg16 : memref<400x128xf32, #tpu.memory_space<vmem>>) dst(%dma_wait3A_104 : memref<400x128xf32, #tpu.memory_space<hbm>>)
      tpu.yield
    }) : () -> ()
    %dma_start3A_30 = arith.constant 400 : i32
    %dma_start3A_31 = tpu.memref_slice %arg13[%dma_start3A_30] : memref<800xi32, #tpu.memory_space<vmem>> -> memref<400xi32, #tpu.memory_space<vmem>>
    %dma_start3A_32 = arith.constant 0 : i32
    %dma_start3A_33 = arith.constant 0 : i32
    %dma_start3A_34 = tpu.memref_slice %arg2[%dma_start3A_32, %dma_start3A_33] : memref<100000x128xf32, #tpu.memory_space<hbm>> -> memref<100000x128xf32, #tpu.memory_space<hbm>>
    tpu.enqueue_indirect_dma source(%dma_start3A_34 : memref<100000x128xf32, #tpu.memory_space<hbm>>) target(%arg16 : memref<400x128xf32, #tpu.memory_space<vmem>>) offsets(%dma_start3A_31 : memref<400xi32, #tpu.memory_space<vmem>>) semaphore(%arg18 : memref<!tpu.dma_semaphore, #tpu.memory_space<semaphore_mem>>)
    %dma_wait3A_35 = arith.constant 0 : i32
    %dma_wait3A_36 = tpu.memref_slice %arg14[%dma_wait3A_35] : memref<800xi32, #tpu.memory_space<vmem>> -> memref<400xi32, #tpu.memory_space<vmem>>
    %dma_wait3A_37 = arith.constant 0 : i32
    %dma_wait3A_38 = arith.constant 0 : i32
    %dma_wait3A_39 = tpu.memref_slice %arg4[%dma_wait3A_37, %dma_wait3A_38] : memref<1000x128xf32, #tpu.memory_space<hbm>> -> memref<1000x128xf32, #tpu.memory_space<hbm>>
    tpu.wait_indirect_dma semaphore(%arg17 : memref<!tpu.dma_semaphore, #tpu.memory_space<semaphore_mem>>) src(%dma_wait3A_39 : memref<1000x128xf32, #tpu.memory_space<hbm>>) dst(%arg15 : memref<400x128xf32, #tpu.memory_space<vmem>>)
    %add3A_40 = arith.constant 0 : i32
    %add3A_41 = arith.addi %mul3A_2, %add3A_40 : i32
    "tpu.region"() ({
      %run_scoped3A = tpu.sem_alloc : memref<!tpu.dma_semaphore, #tpu.memory_space<semaphore_mem>>
      %dma_start3A_97 = arith.constant 0 : i32
      %dma_start3A_98 = tpu.memref_slice %arg11[%add3A_41, %dma_start3A_97] : memref<25600x128xf32, #tpu.memory_space<hbm>> -> memref<400x128xf32, #tpu.memory_space<hbm>>
      %dma_start3A_99 = arith.constant 0 : i32
      %dma_start3A_100 = tpu.memref_slice %arg11[%add3A_41, %dma_start3A_99] : memref<25600x128xf32, #tpu.memory_space<hbm>> -> memref<400x128xf32, #tpu.memory_space<hbm>>
      tpu.enqueue_dma source(%arg15 : memref<400x128xf32, #tpu.memory_space<vmem>>) target(%dma_start3A_100 : memref<400x128xf32, #tpu.memory_space<hbm>>) target_semaphore(%run_scoped3A : memref<!tpu.dma_semaphore, #tpu.memory_space<semaphore_mem>>)
      %dma_wait3A_101 = arith.constant 0 : i32
      %dma_wait3A_102 = tpu.memref_slice %arg11[%add3A_41, %dma_wait3A_101] : memref<25600x128xf32, #tpu.memory_space<hbm>> -> memref<400x128xf32, #tpu.memory_space<hbm>>
      %dma_wait3A_103 = arith.constant 0 : i32
      %dma_wait3A_104 = tpu.memref_slice %arg11[%add3A_41, %dma_wait3A_103] : memref<25600x128xf32, #tpu.memory_space<hbm>> -> memref<400x128xf32, #tpu.memory_space<hbm>>
      tpu.wait_dma2 semaphore(%run_scoped3A : memref<!tpu.dma_semaphore, #tpu.memory_space<semaphore_mem>>) src(%arg15 : memref<400x128xf32, #tpu.memory_space<vmem>>) dst(%dma_wait3A_104 : memref<400x128xf32, #tpu.memory_space<hbm>>)
      tpu.yield
    }) : () -> ()
    %dma_start3A_42 = arith.constant 400 : i32
    %dma_start3A_43 = tpu.memref_slice %arg14[%dma_start3A_42] : memref<800xi32, #tpu.memory_space<vmem>> -> memref<400xi32, #tpu.memory_space<vmem>>
    %dma_start3A_44 = arith.constant 0 : i32
    %dma_start3A_45 = arith.constant 0 : i32
    %dma_start3A_46 = tpu.memref_slice %arg3[%dma_start3A_44, %dma_start3A_45] : memref<1000x128xf32, #tpu.memory_space<hbm>> -> memref<1000x128xf32, #tpu.memory_space<hbm>>
    tpu.enqueue_indirect_dma source(%dma_start3A_46 : memref<1000x128xf32, #tpu.memory_space<hbm>>) target(%arg15 : memref<400x128xf32, #tpu.memory_space<vmem>>) offsets(%dma_start3A_43 : memref<400xi32, #tpu.memory_space<vmem>>) semaphore(%arg17 : memref<!tpu.dma_semaphore, #tpu.memory_space<semaphore_mem>>)
    %dma_wait3A_47 = arith.constant 400 : i32
    %dma_wait3A_48 = tpu.memref_slice %arg13[%dma_wait3A_47] : memref<800xi32, #tpu.memory_space<vmem>> -> memref<400xi32, #tpu.memory_space<vmem>>
    %dma_wait3A_49 = arith.constant 0 : i32
    %dma_wait3A_50 = arith.constant 0 : i32
    %dma_wait3A_51 = tpu.memref_slice %arg2[%dma_wait3A_49, %dma_wait3A_50] : memref<100000x128xf32, #tpu.memory_space<hbm>> -> memref<100000x128xf32, #tpu.memory_space<hbm>>
    tpu.wait_indirect_dma semaphore(%arg18 : memref<!tpu.dma_semaphore, #tpu.memory_space<semaphore_mem>>) src(%dma_wait3A_51 : memref<100000x128xf32, #tpu.memory_space<hbm>>) dst(%arg16 : memref<400x128xf32, #tpu.memory_space<vmem>>)
    %add3A_52 = arith.constant 400 : i32
    %add3A_53 = arith.addi %mul3A_2, %add3A_52 : i32
    "tpu.region"() ({
      %run_scoped3A = tpu.sem_alloc : memref<!tpu.dma_semaphore, #tpu.memory_space<semaphore_mem>>
      %dma_start3A_97 = arith.constant 0 : i32
      %dma_start3A_98 = tpu.memref_slice %arg9[%add3A_53, %dma_start3A_97] : memref<25600x128xf32, #tpu.memory_space<hbm>> -> memref<400x128xf32, #tpu.memory_space<hbm>>
      %dma_start3A_99 = arith.constant 0 : i32
      %dma_start3A_100 = tpu.memref_slice %arg9[%add3A_53, %dma_start3A_99] : memref<25600x128xf32, #tpu.memory_space<hbm>> -> memref<400x128xf32, #tpu.memory_space<hbm>>
      tpu.enqueue_dma source(%arg16 : memref<400x128xf32, #tpu.memory_space<vmem>>) target(%dma_start3A_100 : memref<400x128xf32, #tpu.memory_space<hbm>>) target_semaphore(%run_scoped3A : memref<!tpu.dma_semaphore, #tpu.memory_space<semaphore_mem>>)
      %dma_wait3A_101 = arith.constant 0 : i32
      %dma_wait3A_102 = tpu.memref_slice %arg9[%add3A_53, %dma_wait3A_101] : memref<25600x128xf32, #tpu.memory_space<hbm>> -> memref<400x128xf32, #tpu.memory_space<hbm>>
      %dma_wait3A_103 = arith.constant 0 : i32
      %dma_wait3A_104 = tpu.memref_slice %arg9[%add3A_53, %dma_wait3A_103] : memref<25600x128xf32, #tpu.memory_space<hbm>> -> memref<400x128xf32, #tpu.memory_space<hbm>>
      tpu.wait_dma2 semaphore(%run_scoped3A : memref<!tpu.dma_semaphore, #tpu.memory_space<semaphore_mem>>) src(%arg16 : memref<400x128xf32, #tpu.memory_space<vmem>>) dst(%dma_wait3A_104 : memref<400x128xf32, #tpu.memory_space<hbm>>)
      tpu.yield
    }) : () -> ()
    %dma_start3A_54 = arith.constant 400 : i32
    %dma_start3A_55 = tpu.memref_slice %arg14[%dma_start3A_54] : memref<800xi32, #tpu.memory_space<vmem>> -> memref<400xi32, #tpu.memory_space<vmem>>
    %dma_start3A_56 = arith.constant 0 : i32
    %dma_start3A_57 = arith.constant 0 : i32
    %dma_start3A_58 = tpu.memref_slice %arg4[%dma_start3A_56, %dma_start3A_57] : memref<1000x128xf32, #tpu.memory_space<hbm>> -> memref<1000x128xf32, #tpu.memory_space<hbm>>
    tpu.enqueue_indirect_dma source(%dma_start3A_58 : memref<1000x128xf32, #tpu.memory_space<hbm>>) target(%arg16 : memref<400x128xf32, #tpu.memory_space<vmem>>) offsets(%dma_start3A_55 : memref<400xi32, #tpu.memory_space<vmem>>) semaphore(%arg18 : memref<!tpu.dma_semaphore, #tpu.memory_space<semaphore_mem>>)
    %dma_wait3A_59 = arith.constant 400 : i32
    %dma_wait3A_60 = tpu.memref_slice %arg14[%dma_wait3A_59] : memref<800xi32, #tpu.memory_space<vmem>> -> memref<400xi32, #tpu.memory_space<vmem>>
    %dma_wait3A_61 = arith.constant 0 : i32
    %dma_wait3A_62 = arith.constant 0 : i32
    %dma_wait3A_63 = tpu.memref_slice %arg3[%dma_wait3A_61, %dma_wait3A_62] : memref<1000x128xf32, #tpu.memory_space<hbm>> -> memref<1000x128xf32, #tpu.memory_space<hbm>>
    tpu.wait_indirect_dma semaphore(%arg17 : memref<!tpu.dma_semaphore, #tpu.memory_space<semaphore_mem>>) src(%dma_wait3A_63 : memref<1000x128xf32, #tpu.memory_space<hbm>>) dst(%arg15 : memref<400x128xf32, #tpu.memory_space<vmem>>)
    %add3A_64 = arith.constant 400 : i32
    %add3A_65 = arith.addi %mul3A_2, %add3A_64 : i32
    "tpu.region"() ({
      %run_scoped3A = tpu.sem_alloc : memref<!tpu.dma_semaphore, #tpu.memory_space<semaphore_mem>>
      %dma_start3A_97 = arith.constant 0 : i32
      %dma_start3A_98 = tpu.memref_slice %arg10[%add3A_65, %dma_start3A_97] : memref<25600x128xf32, #tpu.memory_space<hbm>> -> memref<400x128xf32, #tpu.memory_space<hbm>>
      %dma_start3A_99 = arith.constant 0 : i32
      %dma_start3A_100 = tpu.memref_slice %arg10[%add3A_65, %dma_start3A_99] : memref<25600x128xf32, #tpu.memory_space<hbm>> -> memref<400x128xf32, #tpu.memory_space<hbm>>
      tpu.enqueue_dma source(%arg15 : memref<400x128xf32, #tpu.memory_space<vmem>>) target(%dma_start3A_100 : memref<400x128xf32, #tpu.memory_space<hbm>>) target_semaphore(%run_scoped3A : memref<!tpu.dma_semaphore, #tpu.memory_space<semaphore_mem>>)
      %dma_wait3A_101 = arith.constant 0 : i32
      %dma_wait3A_102 = tpu.memref_slice %arg10[%add3A_65, %dma_wait3A_101] : memref<25600x128xf32, #tpu.memory_space<hbm>> -> memref<400x128xf32, #tpu.memory_space<hbm>>
      %dma_wait3A_103 = arith.constant 0 : i32
      %dma_wait3A_104 = tpu.memref_slice %arg10[%add3A_65, %dma_wait3A_103] : memref<25600x128xf32, #tpu.memory_space<hbm>> -> memref<400x128xf32, #tpu.memory_space<hbm>>
      tpu.wait_dma2 semaphore(%run_scoped3A : memref<!tpu.dma_semaphore, #tpu.memory_space<semaphore_mem>>) src(%arg15 : memref<400x128xf32, #tpu.memory_space<vmem>>) dst(%dma_wait3A_104 : memref<400x128xf32, #tpu.memory_space<hbm>>)
      tpu.yield
    }) : () -> ()
    %dma_wait3A_66 = arith.constant 400 : i32
    %dma_wait3A_67 = tpu.memref_slice %arg14[%dma_wait3A_66] : memref<800xi32, #tpu.memory_space<vmem>> -> memref<400xi32, #tpu.memory_space<vmem>>
    %dma_wait3A_68 = arith.constant 0 : i32
    %dma_wait3A_69 = arith.constant 0 : i32
    %dma_wait3A_70 = tpu.memref_slice %arg4[%dma_wait3A_68, %dma_wait3A_69] : memref<1000x128xf32, #tpu.memory_space<hbm>> -> memref<1000x128xf32, #tpu.memory_space<hbm>>
    tpu.wait_indirect_dma semaphore(%arg18 : memref<!tpu.dma_semaphore, #tpu.memory_space<semaphore_mem>>) src(%dma_wait3A_70 : memref<1000x128xf32, #tpu.memory_space<hbm>>) dst(%arg16 : memref<400x128xf32, #tpu.memory_space<vmem>>)
    %add3A_71 = arith.constant 400 : i32
    %add3A_72 = arith.addi %mul3A_2, %add3A_71 : i32
    "tpu.region"() ({
      %run_scoped3A = tpu.sem_alloc : memref<!tpu.dma_semaphore, #tpu.memory_space<semaphore_mem>>
      %dma_start3A_97 = arith.constant 0 : i32
      %dma_start3A_98 = tpu.memref_slice %arg11[%add3A_72, %dma_start3A_97] : memref<25600x128xf32, #tpu.memory_space<hbm>> -> memref<400x128xf32, #tpu.memory_space<hbm>>
      %dma_start3A_99 = arith.constant 0 : i32
      %dma_start3A_100 = tpu.memref_slice %arg11[%add3A_72, %dma_start3A_99] : memref<25600x128xf32, #tpu.memory_space<hbm>> -> memref<400x128xf32, #tpu.memory_space<hbm>>
      tpu.enqueue_dma source(%arg16 : memref<400x128xf32, #tpu.memory_space<vmem>>) target(%dma_start3A_100 : memref<400x128xf32, #tpu.memory_space<hbm>>) target_semaphore(%run_scoped3A : memref<!tpu.dma_semaphore, #tpu.memory_space<semaphore_mem>>)
      %dma_wait3A_101 = arith.constant 0 : i32
      %dma_wait3A_102 = tpu.memref_slice %arg11[%add3A_72, %dma_wait3A_101] : memref<25600x128xf32, #tpu.memory_space<hbm>> -> memref<400x128xf32, #tpu.memory_space<hbm>>
      %dma_wait3A_103 = arith.constant 0 : i32
      %dma_wait3A_104 = tpu.memref_slice %arg11[%add3A_72, %dma_wait3A_103] : memref<25600x128xf32, #tpu.memory_space<hbm>> -> memref<400x128xf32, #tpu.memory_space<hbm>>
      tpu.wait_dma2 semaphore(%run_scoped3A : memref<!tpu.dma_semaphore, #tpu.memory_space<semaphore_mem>>) src(%arg16 : memref<400x128xf32, #tpu.memory_space<vmem>>) dst(%dma_wait3A_104 : memref<400x128xf32, #tpu.memory_space<hbm>>)
      tpu.yield
    }) : () -> ()
    "tpu.region"() ({
      %run_scoped3A = tpu.sem_alloc : memref<!tpu.dma_semaphore, #tpu.memory_space<semaphore_mem>>
      %dma_start3A_97 = tpu.memref_slice %arg7[%mul3A_2] : memref<25600xi32, #tpu.memory_space<hbm>> -> memref<800xi32, #tpu.memory_space<hbm>>
      %dma_start3A_98 = tpu.memref_slice %arg7[%mul3A_2] : memref<25600xi32, #tpu.memory_space<hbm>> -> memref<800xi32, #tpu.memory_space<hbm>>
      tpu.enqueue_dma source(%dma_start3A_98 : memref<800xi32, #tpu.memory_space<hbm>>) target(%arg13 : memref<800xi32, #tpu.memory_space<vmem>>) target_semaphore(%run_scoped3A : memref<!tpu.dma_semaphore, #tpu.memory_space<semaphore_mem>>)
      %dma_wait3A_99 = tpu.memref_slice %arg7[%mul3A_2] : memref<25600xi32, #tpu.memory_space<hbm>> -> memref<800xi32, #tpu.memory_space<hbm>>
      %dma_wait3A_100 = tpu.memref_slice %arg7[%mul3A_2] : memref<25600xi32, #tpu.memory_space<hbm>> -> memref<800xi32, #tpu.memory_space<hbm>>
      tpu.wait_dma2 semaphore(%run_scoped3A : memref<!tpu.dma_semaphore, #tpu.memory_space<semaphore_mem>>) src(%dma_wait3A_100 : memref<800xi32, #tpu.memory_space<hbm>>) dst(%arg13 : memref<800xi32, #tpu.memory_space<vmem>>)
      tpu.yield
    }) : () -> ()
    %dma_start3A_73 = arith.constant 0 : i32
    %dma_start3A_74 = tpu.memref_slice %arg13[%dma_start3A_73] : memref<800xi32, #tpu.memory_space<vmem>> -> memref<400xi32, #tpu.memory_space<vmem>>
    %dma_start3A_75 = arith.constant 0 : i32
    %dma_start3A_76 = arith.constant 0 : i32
    %dma_start3A_77 = tpu.memref_slice %arg5[%dma_start3A_75, %dma_start3A_76] : memref<782x128xf32, #tpu.memory_space<hbm>> -> memref<782x128xf32, #tpu.memory_space<hbm>>
    tpu.enqueue_indirect_dma source(%dma_start3A_77 : memref<782x128xf32, #tpu.memory_space<hbm>>) target(%arg15 : memref<400x128xf32, #tpu.memory_space<vmem>>) offsets(%dma_start3A_74 : memref<400xi32, #tpu.memory_space<vmem>>) semaphore(%arg17 : memref<!tpu.dma_semaphore, #tpu.memory_space<semaphore_mem>>)
    %dma_start3A_78 = arith.constant 400 : i32
    %dma_start3A_79 = tpu.memref_slice %arg13[%dma_start3A_78] : memref<800xi32, #tpu.memory_space<vmem>> -> memref<400xi32, #tpu.memory_space<vmem>>
    %dma_start3A_80 = arith.constant 0 : i32
    %dma_start3A_81 = arith.constant 0 : i32
    %dma_start3A_82 = tpu.memref_slice %arg5[%dma_start3A_80, %dma_start3A_81] : memref<782x128xf32, #tpu.memory_space<hbm>> -> memref<782x128xf32, #tpu.memory_space<hbm>>
    tpu.enqueue_indirect_dma source(%dma_start3A_82 : memref<782x128xf32, #tpu.memory_space<hbm>>) target(%arg16 : memref<400x128xf32, #tpu.memory_space<vmem>>) offsets(%dma_start3A_79 : memref<400xi32, #tpu.memory_space<vmem>>) semaphore(%arg18 : memref<!tpu.dma_semaphore, #tpu.memory_space<semaphore_mem>>)
    %dma_wait3A_83 = arith.constant 0 : i32
    %dma_wait3A_84 = tpu.memref_slice %arg13[%dma_wait3A_83] : memref<800xi32, #tpu.memory_space<vmem>> -> memref<400xi32, #tpu.memory_space<vmem>>
    %dma_wait3A_85 = arith.constant 0 : i32
    %dma_wait3A_86 = arith.constant 0 : i32
    %dma_wait3A_87 = tpu.memref_slice %arg5[%dma_wait3A_85, %dma_wait3A_86] : memref<782x128xf32, #tpu.memory_space<hbm>> -> memref<782x128xf32, #tpu.memory_space<hbm>>
    tpu.wait_indirect_dma semaphore(%arg17 : memref<!tpu.dma_semaphore, #tpu.memory_space<semaphore_mem>>) src(%dma_wait3A_87 : memref<782x128xf32, #tpu.memory_space<hbm>>) dst(%arg15 : memref<400x128xf32, #tpu.memory_space<vmem>>)
    %add3A_88 = arith.constant 0 : i32
    %add3A_89 = arith.addi %mul3A_2, %add3A_88 : i32
    "tpu.region"() ({
      %run_scoped3A = tpu.sem_alloc : memref<!tpu.dma_semaphore, #tpu.memory_space<semaphore_mem>>
      %dma_start3A_97 = arith.constant 0 : i32
      %dma_start3A_98 = tpu.memref_slice %arg12[%add3A_89, %dma_start3A_97] : memref<25600x128xf32, #tpu.memory_space<hbm>> -> memref<400x128xf32, #tpu.memory_space<hbm>>
      %dma_start3A_99 = arith.constant 0 : i32
      %dma_start3A_100 = tpu.memref_slice %arg12[%add3A_89, %dma_start3A_99] : memref<25600x128xf32, #tpu.memory_space<hbm>> -> memref<400x128xf32, #tpu.memory_space<hbm>>
      tpu.enqueue_dma source(%arg15 : memref<400x128xf32, #tpu.memory_space<vmem>>) target(%dma_start3A_100 : memref<400x128xf32, #tpu.memory_space<hbm>>) target_semaphore(%run_scoped3A : memref<!tpu.dma_semaphore, #tpu.memory_space<semaphore_mem>>)
      %dma_wait3A_101 = arith.constant 0 : i32
      %dma_wait3A_102 = tpu.memref_slice %arg12[%add3A_89, %dma_wait3A_101] : memref<25600x128xf32, #tpu.memory_space<hbm>> -> memref<400x128xf32, #tpu.memory_space<hbm>>
      %dma_wait3A_103 = arith.constant 0 : i32
      %dma_wait3A_104 = tpu.memref_slice %arg12[%add3A_89, %dma_wait3A_103] : memref<25600x128xf32, #tpu.memory_space<hbm>> -> memref<400x128xf32, #tpu.memory_space<hbm>>
      tpu.wait_dma2 semaphore(%run_scoped3A : memref<!tpu.dma_semaphore, #tpu.memory_space<semaphore_mem>>) src(%arg15 : memref<400x128xf32, #tpu.memory_space<vmem>>) dst(%dma_wait3A_104 : memref<400x128xf32, #tpu.memory_space<hbm>>)
      tpu.yield
    }) : () -> ()
    %dma_wait3A_90 = arith.constant 400 : i32
    %dma_wait3A_91 = tpu.memref_slice %arg13[%dma_wait3A_90] : memref<800xi32, #tpu.memory_space<vmem>> -> memref<400xi32, #tpu.memory_space<vmem>>
    %dma_wait3A_92 = arith.constant 0 : i32
    %dma_wait3A_93 = arith.constant 0 : i32
    %dma_wait3A_94 = tpu.memref_slice %arg5[%dma_wait3A_92, %dma_wait3A_93] : memref<782x128xf32, #tpu.memory_space<hbm>> -> memref<782x128xf32, #tpu.memory_space<hbm>>
    tpu.wait_indirect_dma semaphore(%arg18 : memref<!tpu.dma_semaphore, #tpu.memory_space<semaphore_mem>>) src(%dma_wait3A_94 : memref<782x128xf32, #tpu.memory_space<hbm>>) dst(%arg16 : memref<400x128xf32, #tpu.memory_space<vmem>>)
    %add3A_95 = arith.constant 400 : i32
    %add3A_96 = arith.addi %mul3A_2, %add3A_95 : i32
    "tpu.region"() ({
      %run_scoped3A = tpu.sem_alloc : memref<!tpu.dma_semaphore, #tpu.memory_space<semaphore_mem>>
      %dma_start3A_97 = arith.constant 0 : i32
      %dma_start3A_98 = tpu.memref_slice %arg12[%add3A_96, %dma_start3A_97] : memref<25600x128xf32, #tpu.memory_space<hbm>> -> memref<400x128xf32, #tpu.memory_space<hbm>>
      %dma_start3A_99 = arith.constant 0 : i32
      %dma_start3A_100 = tpu.memref_slice %arg12[%add3A_96, %dma_start3A_99] : memref<25600x128xf32, #tpu.memory_space<hbm>> -> memref<400x128xf32, #tpu.memory_space<hbm>>
      tpu.enqueue_dma source(%arg16 : memref<400x128xf32, #tpu.memory_space<vmem>>) target(%dma_start3A_100 : memref<400x128xf32, #tpu.memory_space<hbm>>) target_semaphore(%run_scoped3A : memref<!tpu.dma_semaphore, #tpu.memory_space<semaphore_mem>>)
      %dma_wait3A_101 = arith.constant 0 : i32
      %dma_wait3A_102 = tpu.memref_slice %arg12[%add3A_96, %dma_wait3A_101] : memref<25600x128xf32, #tpu.memory_space<hbm>> -> memref<400x128xf32, #tpu.memory_space<hbm>>
      %dma_wait3A_103 = arith.constant 0 : i32
      %dma_wait3A_104 = tpu.memref_slice %arg12[%add3A_96, %dma_wait3A_103] : memref<25600x128xf32, #tpu.memory_space<hbm>> -> memref<400x128xf32, #tpu.memory_space<hbm>>
      tpu.wait_dma2 semaphore(%run_scoped3A : memref<!tpu.dma_semaphore, #tpu.memory_space<semaphore_mem>>) src(%arg16 : memref<400x128xf32, #tpu.memory_space<vmem>>) dst(%dma_wait3A_104 : memref<400x128xf32, #tpu.memory_space<hbm>>)
      tpu.yield
    }) : () -> ()
    return
  }
}

module attributes {stable_mosaic.version = 14 : i64} {
  func.func @_scan_kernel(%arg0: i32, %arg1: memref<50x128x128xf32, #tpu.memory_space<vmem>>, %arg2: memref<50x128x128xf32, #tpu.memory_space<vmem>>, %arg3: memref<50x128x128xf32, #tpu.memory_space<vmem>>, %arg4: memref<50x128x128xf32, #tpu.memory_space<vmem>>, %arg5: memref<1x50x128xi32, #tpu.memory_space<vmem>>, %arg6: memref<1x50x128xf32, #tpu.memory_space<vmem>>, %arg7: memref<1x50x128xi32, #tpu.memory_space<vmem>>, %arg8: memref<1x50x128xi32, #tpu.memory_space<vmem>>, %arg9: memref<128x2xf32, #tpu.memory_space<vmem>>, %arg10: memref<128x200xf32, #tpu.memory_space<vmem>>, %arg11: memref<128x1xf32, #tpu.memory_space<vmem>>, %arg12: memref<128x1xf32, #tpu.memory_space<vmem>>, %arg13: memref<128x1xf32, #tpu.memory_space<vmem>>, %arg14: memref<128x128xf32, #tpu.memory_space<vmem>>, %arg15: memref<128x128xf32, #tpu.memory_space<vmem>>, %arg16: memref<128x1xf32, #tpu.memory_space<vmem>>, %arg17: memref<128x128xf32, #tpu.memory_space<vmem>>, %arg18: memref<128x128xf32, #tpu.memory_space<vmem>>, %arg19: memref<128x1xf32, #tpu.memory_space<vmem>>, %arg20: memref<128x128xf32, #tpu.memory_space<vmem>>, %arg21: memref<128x128xf32, #tpu.memory_space<vmem>>, %arg22: memref<128x1xf32, #tpu.memory_space<vmem>>, %arg23: memref<128x128xf32, #tpu.memory_space<vmem>>, %arg24: memref<128x128xf32, #tpu.memory_space<vmem>>, %arg25: memref<128x1xf32, #tpu.memory_space<vmem>>, %arg26: memref<128x128xf32, #tpu.memory_space<vmem>>, %arg27: memref<128x128xf32, #tpu.memory_space<vmem>>, %arg28: memref<128x1xf32, #tpu.memory_space<vmem>>, %arg29: memref<128x128xf32, #tpu.memory_space<vmem>>, %arg30: memref<128x128xf32, #tpu.memory_space<vmem>>, %arg31: memref<128x1xf32, #tpu.memory_space<vmem>>, %arg32: memref<128x128xf32, #tpu.memory_space<vmem>>, %arg33: memref<128x128xf32, #tpu.memory_space<vmem>>, %arg34: memref<128x128xf32, #tpu.memory_space<vmem>>, %arg35: memref<128x128xf32, #tpu.memory_space<vmem>>, %arg36: memref<128x1xf32, #tpu.memory_space<vmem>>, %arg37: memref<128x1xf32, #tpu.memory_space<vmem>>, %arg38: memref<1x1xf32, #tpu.memory_space<vmem>>, %arg39: memref<1x50x128xf32, #tpu.memory_space<vmem>>, %arg40: memref<50x128x128xf32, #tpu.memory_space<vmem>>, %arg41: memref<50x128x128xf32, #tpu.memory_space<vmem>>, %arg42: memref<50x128xi32, #tpu.memory_space<vmem>>, %arg43: memref<50x128xi32, #tpu.memory_space<vmem>>, %arg44: memref<50x128xf32, #tpu.memory_space<vmem>>) attributes {dimension_semantics = [#tpu.dimension_semantics<arbitrary>], iteration_bounds = array<i64: 4>, scalar_prefetch = 0 : i64, scratch_operands = 5 : i64, tpu.core_type = #tpu.core_type<tc>, window_params = [{transform_indices = @transform_0, window_bounds = array<i64: 50, 128, 128>}, {transform_indices = @transform_1, window_bounds = array<i64: 50, 128, 128>}, {transform_indices = @transform_2, window_bounds = array<i64: 50, 128, 128>}, {transform_indices = @transform_3, window_bounds = array<i64: 50, 128, 128>}, {transform_indices = @transform_4, window_bounds = array<i64: 1, 50, 128>}, {transform_indices = @transform_5, window_bounds = array<i64: 1, 50, 128>}, {transform_indices = @transform_6, window_bounds = array<i64: 1, 50, 128>}, {transform_indices = @transform_7, window_bounds = array<i64: 1, 50, 128>}, {pipeline_mode = #tpu.pipeline_mode<synchronous>, transform_indices = @transform_8, window_bounds = array<i64: 128, 2>}, {pipeline_mode = #tpu.pipeline_mode<synchronous>, transform_indices = @transform_9, window_bounds = array<i64: 128, 200>}, {pipeline_mode = #tpu.pipeline_mode<synchronous>, transform_indices = @transform_10, window_bounds = array<i64: 128, 1>}, {pipeline_mode = #tpu.pipeline_mode<synchronous>, transform_indices = @transform_11, window_bounds = array<i64: 128, 1>}, {pipeline_mode = #tpu.pipeline_mode<synchronous>, transform_indices = @transform_12, window_bounds = array<i64: 128, 1>}, {pipeline_mode = #tpu.pipeline_mode<synchronous>, transform_indices = @transform_13, window_bounds = array<i64: 128, 128>}, {pipeline_mode = #tpu.pipeline_mode<synchronous>, transform_indices = @transform_14, window_bounds = array<i64: 128, 128>}, {pipeline_mode = #tpu.pipeline_mode<synchronous>, transform_indices = @transform_15, window_bounds = array<i64: 128, 1>}, {pipeline_mode = #tpu.pipeline_mode<synchronous>, transform_indices = @transform_16, window_bounds = array<i64: 128, 128>}, {pipeline_mode = #tpu.pipeline_mode<synchronous>, transform_indices = @transform_17, window_bounds = array<i64: 128, 128>}, {pipeline_mode = #tpu.pipeline_mode<synchronous>, transform_indices = @transform_18, window_bounds = array<i64: 128, 1>}, {pipeline_mode = #tpu.pipeline_mode<synchronous>, transform_indices = @transform_19, window_bounds = array<i64: 128, 128>}, {pipeline_mode = #tpu.pipeline_mode<synchronous>, transform_indices = @transform_20, window_bounds = array<i64: 128, 128>}, {pipeline_mode = #tpu.pipeline_mode<synchronous>, transform_indices = @transform_21, window_bounds = array<i64: 128, 1>}, {pipeline_mode = #tpu.pipeline_mode<synchronous>, transform_indices = @transform_22, window_bounds = array<i64: 128, 128>}, {pipeline_mode = #tpu.pipeline_mode<synchronous>, transform_indices = @transform_23, window_bounds = array<i64: 128, 128>}, {pipeline_mode = #tpu.pipeline_mode<synchronous>, transform_indices = @transform_24, window_bounds = array<i64: 128, 1>}, {pipeline_mode = #tpu.pipeline_mode<synchronous>, transform_indices = @transform_25, window_bounds = array<i64: 128, 128>}, {pipeline_mode = #tpu.pipeline_mode<synchronous>, transform_indices = @transform_26, window_bounds = array<i64: 128, 128>}, {pipeline_mode = #tpu.pipeline_mode<synchronous>, transform_indices = @transform_27, window_bounds = array<i64: 128, 1>}, {pipeline_mode = #tpu.pipeline_mode<synchronous>, transform_indices = @transform_28, window_bounds = array<i64: 128, 128>}, {pipeline_mode = #tpu.pipeline_mode<synchronous>, transform_indices = @transform_29, window_bounds = array<i64: 128, 128>}, {pipeline_mode = #tpu.pipeline_mode<synchronous>, transform_indices = @transform_30, window_bounds = array<i64: 128, 1>}, {pipeline_mode = #tpu.pipeline_mode<synchronous>, transform_indices = @transform_31, window_bounds = array<i64: 128, 128>}, {pipeline_mode = #tpu.pipeline_mode<synchronous>, transform_indices = @transform_32, window_bounds = array<i64: 128, 128>}, {pipeline_mode = #tpu.pipeline_mode<synchronous>, transform_indices = @transform_33, window_bounds = array<i64: 128, 128>}, {pipeline_mode = #tpu.pipeline_mode<synchronous>, transform_indices = @transform_34, window_bounds = array<i64: 128, 128>}, {pipeline_mode = #tpu.pipeline_mode<synchronous>, transform_indices = @transform_35, window_bounds = array<i64: 128, 1>}, {pipeline_mode = #tpu.pipeline_mode<synchronous>, transform_indices = @transform_36, window_bounds = array<i64: 128, 1>}, {pipeline_mode = #tpu.pipeline_mode<synchronous>, transform_indices = @transform_37, window_bounds = array<i64: 1, 1>}, {transform_indices = @transform_38, window_bounds = array<i64: 1, 50, 128>}]} {
    %get3A = arith.constant 0 : index
    %get3A_0 = arith.constant 0 : index
    %get3A_1 = arith.constant 0 : index
    %get3A_2 = vector.load %arg7[%get3A, %get3A_0, %get3A_1] : memref<1x50x128xi32, #tpu.memory_space<vmem>>, vector<1x50x128xi32>
    %get3A_3 = vector.shape_cast %get3A_2 : vector<1x50x128xi32> to vector<50x128xi32>
    %get3A_4 = arith.constant 0 : index
    %get3A_5 = arith.constant 0 : index
    %get3A_6 = arith.constant 0 : index
    %get3A_7 = vector.load %arg8[%get3A_4, %get3A_5, %get3A_6] : memref<1x50x128xi32, #tpu.memory_space<vmem>>, vector<1x50x128xi32>
    %get3A_8 = vector.shape_cast %get3A_7 : vector<1x50x128xi32> to vector<50x128xi32>
    %iota3A = tpu.iota {dimensions = array<i32: 0>} : vector<50x50x128xi32>
    %iota3A_9 = tpu.iota {dimensions = array<i32: 1>} : vector<50x50x128xi32>
    %broadcast_in_dim3A = vector.shape_cast %get3A_3 : vector<50x128xi32> to vector<50x1x128xi32>
    %broadcast_in_dim3A_10 = vector.shape_cast %get3A_3 : vector<50x128xi32> to vector<1x50x128xi32>
    %eq3A = vector.broadcast %broadcast_in_dim3A : vector<50x1x128xi32> to vector<50x50x128xi32>
    %eq3A_11 = vector.broadcast %broadcast_in_dim3A_10 : vector<1x50x128xi32> to vector<50x50x128xi32>
    %eq3A_12 = arith.cmpi eq, %eq3A, %eq3A_11 : vector<50x50x128xi32>
    %lt3A = arith.cmpi slt, %iota3A, %iota3A_9 : vector<50x50x128xi32>
    %and3A = arith.andi %eq3A_12, %lt3A : vector<50x50x128xi1>
    %broadcast_in_dim3A_13 = vector.shape_cast %get3A_8 : vector<50x128xi32> to vector<50x1x128xi32>
    %broadcast_in_dim3A_14 = vector.shape_cast %get3A_8 : vector<50x128xi32> to vector<1x50x128xi32>
    %eq3A_15 = vector.broadcast %broadcast_in_dim3A_13 : vector<50x1x128xi32> to vector<50x50x128xi32>
    %eq3A_16 = vector.broadcast %broadcast_in_dim3A_14 : vector<1x50x128xi32> to vector<50x50x128xi32>
    %eq3A_17 = arith.cmpi eq, %eq3A_15, %eq3A_16 : vector<50x50x128xi32>
    %lt3A_18 = arith.cmpi slt, %iota3A, %iota3A_9 : vector<50x50x128xi32>
    %and3A_19 = arith.andi %eq3A_17, %lt3A_18 : vector<50x50x128xi1>
    %jit3A = arith.constant 0 : i32
    %broadcast_in_dim3A_20 = vector.broadcast %jit3A : i32 to vector<50x50x128xi32>
    %select_n3A = arith.select %and3A, %iota3A, %broadcast_in_dim3A_20 : vector<50x50x128xi1>, vector<50x50x128xi32>
    %reduce_max3A = arith.constant dense<-2147483648> : vector<50x128xi32>
    %reduce_max3A_21 = vector.multi_reduction <maxsi>, %select_n3A, %reduce_max3A [0] : vector<50x50x128xi32> to vector<50x128xi32>
    %swap3A = arith.constant 0 : index
    %swap3A_22 = arith.constant 0 : index
    %swap3A_23 = vector.load %arg42[%swap3A, %swap3A_22] : memref<50x128xi32, #tpu.memory_space<vmem>>, vector<50x128xi32>
    tpu.vector_store %arg42[%swap3A, %swap3A_22], %reduce_max3A_21 {strides = array<i32>} : memref<50x128xi32, #tpu.memory_space<vmem>>, vector<50x128xi32>,
    %jit3A_24 = arith.constant 0 : i32
    %broadcast_in_dim3A_25 = vector.broadcast %jit3A_24 : i32 to vector<50x50x128xi32>
    %select_n3A_26 = arith.select %and3A_19, %iota3A, %broadcast_in_dim3A_25 : vector<50x50x128xi1>, vector<50x50x128xi32>
    %reduce_max3A_27 = arith.constant dense<-2147483648> : vector<50x128xi32>
    %reduce_max3A_28 = vector.multi_reduction <maxsi>, %select_n3A_26, %reduce_max3A_27 [0] : vector<50x50x128xi32> to vector<50x128xi32>
    %swap3A_29 = arith.constant 0 : index
    %swap3A_30 = arith.constant 0 : index
    %swap3A_31 = vector.load %arg43[%swap3A_29, %swap3A_30] : memref<50x128xi32, #tpu.memory_space<vmem>>, vector<50x128xi32>
    tpu.vector_store %arg43[%swap3A_29, %swap3A_30], %reduce_max3A_28 {strides = array<i32>} : memref<50x128xi32, #tpu.memory_space<vmem>>, vector<50x128xi32>,
    %get3A_32 = arith.constant 0 : index
    %get3A_33 = arith.constant 0 : index
    %get3A_34 = vector.load %arg15[%get3A_32, %get3A_33] : memref<128x128xf32, #tpu.memory_space<vmem>>, vector<128x128xf32>
    %get3A_35 = arith.constant 0 : index
    %get3A_36 = arith.constant 0 : index
    %get3A_37 = vector.load %arg10[%get3A_35, %get3A_36] : memref<128x200xf32, #tpu.memory_space<vmem>>, vector<128x56xf32>
    %dot_general3A = arith.constant dense<0.000000e+00> : vector<128x56xf32>
    %dot_general3A_38 = tpu.matmul %get3A_34, %get3A_37, %dot_general3A {dimension_numbers = #tpu.dot_dimension_numbers<[1], [0], [0], [1], [0, 0, 1, 1], [], []>, transpose_lhs_hint = false} : vector<128x128xf32>, vector<128x56xf32>, vector<128x56xf32> -> vector<128x56xf32>
    %get3A_39 = arith.constant 0 : index
    %get3A_40 = arith.constant 0 : index
    %get3A_41 = vector.load %arg18[%get3A_39, %get3A_40] : memref<128x128xf32, #tpu.memory_space<vmem>>, vector<128x128xf32>
    %get3A_42 = arith.constant 0 : index
    %get3A_43 = arith.constant 0 : index
    %get3A_44 = vector.load %arg10[%get3A_42, %get3A_43] : memref<128x200xf32, #tpu.memory_space<vmem>>, vector<128x56xf32>
    %dot_general3A_45 = arith.constant dense<0.000000e+00> : vector<128x56xf32>
    %dot_general3A_46 = tpu.matmul %get3A_41, %get3A_44, %dot_general3A_45 {dimension_numbers = #tpu.dot_dimension_numbers<[1], [0], [0], [1], [0, 0, 1, 1], [], []>, transpose_lhs_hint = false} : vector<128x128xf32>, vector<128x56xf32>, vector<128x56xf32> -> vector<128x56xf32>
    %get3A_47 = arith.constant 0 : index
    %get3A_48 = arith.constant 0 : index
    %get3A_49 = vector.load %arg21[%get3A_47, %get3A_48] : memref<128x128xf32, #tpu.memory_space<vmem>>, vector<128x128xf32>
    %get3A_50 = arith.constant 0 : index
    %get3A_51 = arith.constant 1 : index
    %get3A_52 = vector.load %arg10[%get3A_50, %get3A_51] : memref<128x200xf32, #tpu.memory_space<vmem>>, vector<128x1xf32>
    %dot_general3A_53 = arith.constant dense<0.000000e+00> : vector<128x1xf32>
    %dot_general3A_54 = tpu.matmul %get3A_49, %get3A_52, %dot_general3A_53 {dimension_numbers = #tpu.dot_dimension_numbers<[1], [0], [0], [1], [0, 0, 1, 1], [], []>, transpose_lhs_hint = false} : vector<128x128xf32>, vector<128x1xf32>, vector<128x1xf32> -> vector<128x1xf32>
    %get3A_55 = arith.constant 0 : index
    %get3A_56 = arith.constant 0 : index
    %get3A_57 = vector.load %arg22[%get3A_55, %get3A_56] : memref<128x1xf32, #tpu.memory_space<vmem>>, vector<128x1xf32>
    %add3A = arith.addf %dot_general3A_54, %get3A_57 : vector<128x1xf32>
    %get3A_58 = arith.constant 0 : index
    %get3A_59 = arith.constant 0 : index
    %get3A_60 = vector.load %arg9[%get3A_58, %get3A_59] : memref<128x2xf32, #tpu.memory_space<vmem>>, vector<128x1xf32>
    %get3A_61 = arith.constant 0 : index
    %get3A_62 = arith.constant 1 : index
    %get3A_63 = vector.load %arg9[%get3A_61, %get3A_62] : memref<128x2xf32, #tpu.memory_space<vmem>>, vector<128x1xf32>
    %iota3A_64 = tpu.iota {dimensions = array<i32: 0>} : vector<50x1x128xi32>
    %iota3A_65 = tpu.iota {dimensions = array<i32: 0>} : vector<56x128xi32>
    %iota3A_66 = tpu.iota {dimensions = array<i32: 0>} : vector<128x128xi32>
    %broadcast_in_dim3A_67 = arith.constant 0.000000e+00 : f32
    %broadcast_in_dim3A_68 = vector.broadcast %broadcast_in_dim3A_67 : f32 to vector<50x128x128xf32>
    %swap3A_69 = arith.constant 0 : index
    %swap3A_70 = arith.constant 0 : index
    %swap3A_71 = arith.constant 0 : index
    %swap3A_72 = vector.load %arg40[%swap3A_69, %swap3A_70, %swap3A_71] : memref<50x128x128xf32, #tpu.memory_space<vmem>>, vector<50x128x128xf32>
    tpu.vector_store %arg40[%swap3A_69, %swap3A_70, %swap3A_71], %broadcast_in_dim3A_68 {strides = array<i32>} : memref<50x128x128xf32, #tpu.memory_space<vmem>>, vector<50x128x128xf32>,
    %broadcast_in_dim3A_73 = arith.constant 0.000000e+00 : f32
    %broadcast_in_dim3A_74 = vector.broadcast %broadcast_in_dim3A_73 : f32 to vector<50x128x128xf32>
    %swap3A_75 = arith.constant 0 : index
    %swap3A_76 = arith.constant 0 : index
    %swap3A_77 = arith.constant 0 : index
    %swap3A_78 = vector.load %arg41[%swap3A_75, %swap3A_76, %swap3A_77] : memref<50x128x128xf32, #tpu.memory_space<vmem>>, vector<50x128x128xf32>
    tpu.vector_store %arg41[%swap3A_75, %swap3A_76, %swap3A_77], %broadcast_in_dim3A_74 {strides = array<i32>} : memref<50x128x128xf32, #tpu.memory_space<vmem>>, vector<50x128x128xf32>,
    %get3A_79 = arith.constant 0 : index
    %get3A_80 = arith.constant 0 : index
    %get3A_81 = vector.load %arg12[%get3A_79, %get3A_80] : memref<128x1xf32, #tpu.memory_space<vmem>>, vector<128x1xf32>
    %broadcast_in_dim3A_82 = vector.shape_cast %get3A_81 : vector<128x1xf32> to vector<128x1xf32>
    %broadcast_in_dim3A_83 = vector.broadcast %broadcast_in_dim3A_82 : vector<128x1xf32> to vector<128x128xf32>
    %swap3A_84 = arith.constant 0 : index
    %swap3A_85 = arith.constant 0 : index
    %swap3A_86 = arith.constant 0 : index
    %swap3A_87 = vector.load %arg40[%swap3A_84, %swap3A_85, %swap3A_86] : memref<50x128x128xf32, #tpu.memory_space<vmem>>, vector<1x128x128xf32>
    %swap3A_88 = vector.shape_cast %swap3A_87 : vector<1x128x128xf32> to vector<128x128xf32>
    %swap3A_89 = vector.shape_cast %broadcast_in_dim3A_83 : vector<128x128xf32> to vector<1x128x128xf32>
    tpu.vector_store %arg40[%swap3A_84, %swap3A_85, %swap3A_86], %swap3A_89 {strides = array<i32>} : memref<50x128x128xf32, #tpu.memory_space<vmem>>, vector<1x128x128xf32>,
    %get3A_90 = arith.constant 0 : index
    %get3A_91 = arith.constant 0 : index
    %get3A_92 = vector.load %arg13[%get3A_90, %get3A_91] : memref<128x1xf32, #tpu.memory_space<vmem>>, vector<128x1xf32>
    %broadcast_in_dim3A_93 = vector.shape_cast %get3A_92 : vector<128x1xf32> to vector<128x1xf32>
    %broadcast_in_dim3A_94 = vector.broadcast %broadcast_in_dim3A_93 : vector<128x1xf32> to vector<128x128xf32>
    %swap3A_95 = arith.constant 0 : index
    %swap3A_96 = arith.constant 0 : index
    %swap3A_97 = arith.constant 0 : index
    %swap3A_98 = vector.load %arg41[%swap3A_95, %swap3A_96, %swap3A_97] : memref<50x128x128xf32, #tpu.memory_space<vmem>>, vector<1x128x128xf32>
    %swap3A_99 = vector.shape_cast %swap3A_98 : vector<1x128x128xf32> to vector<128x128xf32>
    %swap3A_100 = vector.shape_cast %broadcast_in_dim3A_94 : vector<128x128xf32> to vector<1x128x128xf32>
    tpu.vector_store %arg41[%swap3A_95, %swap3A_96, %swap3A_97], %swap3A_100 {strides = array<i32>} : memref<50x128x128xf32, #tpu.memory_space<vmem>>, vector<1x128x128xf32>,
    %get3A_101 = arith.constant 0 : index
    %get3A_102 = arith.constant 0 : index
    %get3A_103 = vector.load %arg11[%get3A_101, %get3A_102] : memref<128x1xf32, #tpu.memory_space<vmem>>, vector<128x1xf32>
    %broadcast_in_dim3A_104 = vector.shape_cast %get3A_103 : vector<128x1xf32> to vector<128x1xf32>
    %broadcast_in_dim3A_105 = vector.broadcast %broadcast_in_dim3A_104 : vector<128x1xf32> to vector<128x128xf32>
    %scan3A = arith.constant 0 : i32
    %scan3A_106 = arith.constant 8 : i32
    %scan3A_107 = arith.addi %scan3A, %scan3A_106 : i32
    %scan3A_108 = arith.constant 1 : i32
    %scan3A_109 = scf.for %scan3A_150 = %scan3A to %scan3A_107 step %scan3A_108 iter_args(%scan3A_151 = %broadcast_in_dim3A_105) -> (vector<128x128xf32>)  : i32 {
      %get3A_152 = arith.index_cast %scan3A_150 : i32 to index
      %get3A_153 = arith.constant 0 : index
      %get3A_154 = vector.load %arg42[%get3A_152, %get3A_153] : memref<50x128xi32, #tpu.memory_space<vmem>>, vector<1x128xi32>
      %get3A_155 = arith.index_cast %scan3A_150 : i32 to index
      %get3A_156 = arith.constant 0 : index
      %get3A_157 = vector.load %arg43[%get3A_155, %get3A_156] : memref<50x128xi32, #tpu.memory_space<vmem>>, vector<1x128xi32>
      %slice3A = vector.extract_strided_slice %iota3A_64 {offsets = [0, 0, 0], sizes = [8, 1, 128], strides = [1, 1, 1]} : vector<50x1x128xi32> to vector<8x1x128xi32>
      %broadcast_in_dim3A_158 = vector.shape_cast %get3A_154 : vector<1x128xi32> to vector<1x1x128xi32>
      %eq3A_159 = vector.broadcast %broadcast_in_dim3A_158 : vector<1x1x128xi32> to vector<8x1x128xi32>
      %eq3A_160 = arith.cmpi eq, %slice3A, %eq3A_159 : vector<8x1x128xi32>
      %convert_element_type3A = arith.extui %eq3A_160 : vector<8x1x128xi1> to vector<8x1x128xi32>
      %convert_element_type3A_161 = arith.sitofp %convert_element_type3A : vector<8x1x128xi32> to vector<8x1x128xf32>
      %slice3A_162 = vector.extract_strided_slice %iota3A_64 {offsets = [0, 0, 0], sizes = [8, 1, 128], strides = [1, 1, 1]} : vector<50x1x128xi32> to vector<8x1x128xi32>
      %broadcast_in_dim3A_163 = vector.shape_cast %get3A_157 : vector<1x128xi32> to vector<1x1x128xi32>
      %eq3A_164 = vector.broadcast %broadcast_in_dim3A_163 : vector<1x1x128xi32> to vector<8x1x128xi32>
      %eq3A_165 = arith.cmpi eq, %slice3A_162, %eq3A_164 : vector<8x1x128xi32>
      %convert_element_type3A_166 = arith.extui %eq3A_165 : vector<8x1x128xi1> to vector<8x1x128xi32>
      %convert_element_type3A_167 = arith.sitofp %convert_element_type3A_166 : vector<8x1x128xi32> to vector<8x1x128xf32>
      %get3A_168 = arith.constant 0 : index
      %get3A_169 = arith.constant 0 : index
      %get3A_170 = arith.constant 0 : index
      %get3A_171 = vector.load %arg40[%get3A_168, %get3A_169, %get3A_170] : memref<50x128x128xf32, #tpu.memory_space<vmem>>, vector<8x128x128xf32>
      %mul3A = vector.broadcast %convert_element_type3A_161 : vector<8x1x128xf32> to vector<8x128x128xf32>
      %mul3A_172 = arith.mulf %get3A_171, %mul3A : vector<8x128x128xf32>
      %reduce_sum3A = arith.constant dense<0.000000e+00> : vector<128x128xf32>
      %reduce_sum3A_173 = vector.multi_reduction <add>, %mul3A_172, %reduce_sum3A [0] : vector<8x128x128xf32> to vector<128x128xf32>
      %get3A_174 = arith.constant 0 : index
      %get3A_175 = arith.constant 0 : index
      %get3A_176 = arith.constant 0 : index
      %get3A_177 = vector.load %arg41[%get3A_174, %get3A_175, %get3A_176] : memref<50x128x128xf32, #tpu.memory_space<vmem>>, vector<8x128x128xf32>
      %mul3A_178 = vector.broadcast %convert_element_type3A_167 : vector<8x1x128xf32> to vector<8x128x128xf32>
      %mul3A_179 = arith.mulf %get3A_177, %mul3A_178 : vector<8x128x128xf32>
      %reduce_sum3A_180 = arith.constant dense<0.000000e+00> : vector<128x128xf32>
      %reduce_sum3A_181 = vector.multi_reduction <add>, %mul3A_179, %reduce_sum3A_180 [0] : vector<8x128x128xf32> to vector<128x128xf32>
      %sub3A = vector.broadcast %scan3A_150 : i32 to vector<1x128xi32>
      %sub3A_182 = arith.subi %sub3A, %get3A_154 : vector<1x128xi32>
      %eq3A_183 = vector.broadcast %sub3A_182 : vector<1x128xi32> to vector<56x128xi32>
      %eq3A_184 = arith.cmpi eq, %iota3A_65, %eq3A_183 : vector<56x128xi32>
      %convert_element_type3A_185 = arith.extui %eq3A_184 : vector<56x128xi1> to vector<56x128xi32>
      %convert_element_type3A_186 = arith.sitofp %convert_element_type3A_185 : vector<56x128xi32> to vector<56x128xf32>
      %sub3A_187 = vector.broadcast %scan3A_150 : i32 to vector<1x128xi32>
      %sub3A_188 = arith.subi %sub3A_187, %get3A_157 : vector<1x128xi32>
      %eq3A_189 = vector.broadcast %sub3A_188 : vector<1x128xi32> to vector<56x128xi32>
      %eq3A_190 = arith.cmpi eq, %iota3A_65, %eq3A_189 : vector<56x128xi32>
      %convert_element_type3A_191 = arith.extui %eq3A_190 : vector<56x128xi1> to vector<56x128xi32>
      %convert_element_type3A_192 = arith.sitofp %convert_element_type3A_191 : vector<56x128xi32> to vector<56x128xf32>
      %get3A_193 = arith.constant 0 : index
      %get3A_194 = arith.constant 0 : index
      %get3A_195 = vector.load %arg14[%get3A_193, %get3A_194] : memref<128x128xf32, #tpu.memory_space<vmem>>, vector<128x128xf32>
      %dot_general3A_196 = arith.constant dense<0.000000e+00> : vector<128x128xf32>
      %dot_general3A_197 = tpu.matmul %get3A_195, %reduce_sum3A_173, %dot_general3A_196 {dimension_numbers = #tpu.dot_dimension_numbers<[1], [0], [0], [1], [0, 0, 1, 1], [], []>, transpose_lhs_hint = false} : vector<128x128xf32>, vector<128x128xf32>, vector<128x128xf32> -> vector<128x128xf32>
      %dot_general3A_198 = arith.constant dense<0.000000e+00> : vector<128x128xf32>
      %dot_general3A_199 = tpu.matmul %dot_general3A_38, %convert_element_type3A_186, %dot_general3A_198 {dimension_numbers = #tpu.dot_dimension_numbers<[1], [0], [0], [1], [0, 0, 1, 1], [], []>, transpose_lhs_hint = false} : vector<128x56xf32>, vector<56x128xf32>, vector<128x128xf32> -> vector<128x128xf32>
      %add3A_200 = arith.addf %dot_general3A_197, %dot_general3A_199 : vector<128x128xf32>
      %get3A_201 = arith.constant 0 : index
      %get3A_202 = arith.constant 0 : index
      %get3A_203 = vector.load %arg16[%get3A_201, %get3A_202] : memref<128x1xf32, #tpu.memory_space<vmem>>, vector<128x1xf32>
      %add3A_204 = vector.broadcast %get3A_203 : vector<128x1xf32> to vector<128x128xf32>
      %add3A_205 = arith.addf %add3A_200, %add3A_204 : vector<128x128xf32>
      %logistic3A = arith.negf %add3A_205 : vector<128x128xf32>
      %logistic3A_206 = math.exp %logistic3A : vector<128x128xf32>
      %logistic3A_207 = arith.constant 1.000000e+00 : f32
      %logistic3A_208 = vector.broadcast %logistic3A_207 : f32 to vector<128x128xf32>
      %logistic3A_209 = arith.addf %logistic3A_208, %logistic3A_206 : vector<128x128xf32>
      %logistic3A_210 = arith.divf %logistic3A_208, %logistic3A_209 : vector<128x128xf32>
      %mul3A_211 = arith.mulf %reduce_sum3A_173, %logistic3A_210 : vector<128x128xf32>
      %get3A_212 = arith.constant 0 : index
      %get3A_213 = arith.constant 0 : index
      %get3A_214 = vector.load %arg17[%get3A_212, %get3A_213] : memref<128x128xf32, #tpu.memory_space<vmem>>, vector<128x128xf32>
      %dot_general3A_215 = arith.constant dense<0.000000e+00> : vector<128x128xf32>
      %dot_general3A_216 = tpu.matmul %get3A_214, %reduce_sum3A_181, %dot_general3A_215 {dimension_numbers = #tpu.dot_dimension_numbers<[1], [0], [0], [1], [0, 0, 1, 1], [], []>, transpose_lhs_hint = false} : vector<128x128xf32>, vector<128x128xf32>, vector<128x128xf32> -> vector<128x128xf32>
      %dot_general3A_217 = arith.constant dense<0.000000e+00> : vector<128x128xf32>
      %dot_general3A_218 = tpu.matmul %dot_general3A_46, %convert_element_type3A_192, %dot_general3A_217 {dimension_numbers = #tpu.dot_dimension_numbers<[1], [0], [0], [1], [0, 0, 1, 1], [], []>, transpose_lhs_hint = false} : vector<128x56xf32>, vector<56x128xf32>, vector<128x128xf32> -> vector<128x128xf32>
      %add3A_219 = arith.addf %dot_general3A_216, %dot_general3A_218 : vector<128x128xf32>
      %get3A_220 = arith.constant 0 : index
      %get3A_221 = arith.constant 0 : index
      %get3A_222 = vector.load %arg19[%get3A_220, %get3A_221] : memref<128x1xf32, #tpu.memory_space<vmem>>, vector<128x1xf32>
      %add3A_223 = vector.broadcast %get3A_222 : vector<128x1xf32> to vector<128x128xf32>
      %add3A_224 = arith.addf %add3A_219, %add3A_223 : vector<128x128xf32>
      %logistic3A_225 = arith.negf %add3A_224 : vector<128x128xf32>
      %logistic3A_226 = math.exp %logistic3A_225 : vector<128x128xf32>
      %logistic3A_227 = arith.constant 1.000000e+00 : f32
      %logistic3A_228 = vector.broadcast %logistic3A_227 : f32 to vector<128x128xf32>
      %logistic3A_229 = arith.addf %logistic3A_228, %logistic3A_226 : vector<128x128xf32>
      %logistic3A_230 = arith.divf %logistic3A_228, %logistic3A_229 : vector<128x128xf32>
      %mul3A_231 = arith.mulf %reduce_sum3A_181, %logistic3A_230 : vector<128x128xf32>
      %get3A_232 = arith.constant 0 : index
      %get3A_233 = arith.constant 0 : index
      %get3A_234 = vector.load %arg20[%get3A_232, %get3A_233] : memref<128x128xf32, #tpu.memory_space<vmem>>, vector<128x128xf32>
      %dot_general3A_235 = arith.constant dense<0.000000e+00> : vector<128x128xf32>
      %dot_general3A_236 = tpu.matmul %get3A_234, %scan3A_151, %dot_general3A_235 {dimension_numbers = #tpu.dot_dimension_numbers<[1], [0], [0], [1], [0, 0, 1, 1], [], []>, transpose_lhs_hint = false} : vector<128x128xf32>, vector<128x128xf32>, vector<128x128xf32> -> vector<128x128xf32>
      %add3A_237 = vector.broadcast %add3A : vector<128x1xf32> to vector<128x128xf32>
      %add3A_238 = arith.addf %dot_general3A_236, %add3A_237 : vector<128x128xf32>
      %logistic3A_239 = arith.negf %add3A_238 : vector<128x128xf32>
      %logistic3A_240 = math.exp %logistic3A_239 : vector<128x128xf32>
      %logistic3A_241 = arith.constant 1.000000e+00 : f32
      %logistic3A_242 = vector.broadcast %logistic3A_241 : f32 to vector<128x128xf32>
      %logistic3A_243 = arith.addf %logistic3A_242, %logistic3A_240 : vector<128x128xf32>
      %logistic3A_244 = arith.divf %logistic3A_242, %logistic3A_243 : vector<128x128xf32>
      %mul3A_245 = arith.mulf %scan3A_151, %logistic3A_244 : vector<128x128xf32>
      %get3A_246 = arith.index_cast %scan3A_150 : i32 to index
      %get3A_247 = arith.constant 0 : index
      %get3A_248 = arith.constant 0 : index
      %get3A_249 = vector.load %arg1[%get3A_246, %get3A_247, %get3A_248] : memref<50x128x128xf32, #tpu.memory_space<vmem>>, vector<1x128x128xf32>
      %squeeze3A = vector.shape_cast %get3A_249 : vector<1x128x128xf32> to vector<128x128xf32>
      %transpose3A = tpu.transpose %squeeze3A, [1, 0] : vector<128x128xf32> -> vector<128x128xf32>
      %get3A_250 = arith.index_cast %scan3A_150 : i32 to index
      %get3A_251 = arith.constant 0 : index
      %get3A_252 = arith.constant 0 : index
      %get3A_253 = vector.load %arg2[%get3A_250, %get3A_251, %get3A_252] : memref<50x128x128xf32, #tpu.memory_space<vmem>>, vector<1x128x128xf32>
      %squeeze3A_254 = vector.shape_cast %get3A_253 : vector<1x128x128xf32> to vector<128x128xf32>
      %transpose3A_255 = tpu.transpose %squeeze3A_254, [1, 0] : vector<128x128xf32> -> vector<128x128xf32>
      %get3A_256 = arith.index_cast %scan3A_150 : i32 to index
      %get3A_257 = arith.constant 0 : index
      %get3A_258 = arith.constant 0 : index
      %get3A_259 = vector.load %arg3[%get3A_256, %get3A_257, %get3A_258] : memref<50x128x128xf32, #tpu.memory_space<vmem>>, vector<1x128x128xf32>
      %squeeze3A_260 = vector.shape_cast %get3A_259 : vector<1x128x128xf32> to vector<128x128xf32>
      %transpose3A_261 = tpu.transpose %squeeze3A_260, [1, 0] : vector<128x128xf32> -> vector<128x128xf32>
      %get3A_262 = arith.index_cast %scan3A_150 : i32 to index
      %get3A_263 = arith.constant 0 : index
      %get3A_264 = arith.constant 0 : index
      %get3A_265 = vector.load %arg4[%get3A_262, %get3A_263, %get3A_264] : memref<50x128x128xf32, #tpu.memory_space<vmem>>, vector<1x128x128xf32>
      %squeeze3A_266 = vector.shape_cast %get3A_265 : vector<1x128x128xf32> to vector<128x128xf32>
      %transpose3A_267 = tpu.transpose %squeeze3A_266, [1, 0] : vector<128x128xf32> -> vector<128x128xf32>
      %get3A_268 = arith.constant 0 : index
      %get3A_269 = arith.index_cast %scan3A_150 : i32 to index
      %get3A_270 = arith.constant 0 : index
      %get3A_271 = vector.load %arg5[%get3A_268, %get3A_269, %get3A_270] : memref<1x50x128xi32, #tpu.memory_space<vmem>>, vector<1x1x128xi32>
      %squeeze3A_272 = vector.shape_cast %get3A_271 : vector<1x1x128xi32> to vector<1x128xi32>
      %eq3A_273 = vector.broadcast %squeeze3A_272 : vector<1x128xi32> to vector<128x128xi32>
      %eq3A_274 = arith.cmpi eq, %iota3A_66, %eq3A_273 : vector<128x128xi32>
      %jit3A_275 = arith.constant 0.000000e+00 : f32
      %broadcast_in_dim3A_276 = vector.broadcast %jit3A_275 : f32 to vector<128x128xf32>
      %select_n3A_277 = arith.select %eq3A_274, %transpose3A_267, %broadcast_in_dim3A_276 : vector<128x128xi1>, vector<128x128xf32>
      %reduce_sum3A_278 = arith.constant dense<0.000000e+00> : vector<128xf32>
      %reduce_sum3A_279 = vector.multi_reduction <add>, %select_n3A_277, %reduce_sum3A_278 [0] : vector<128x128xf32> to vector<128xf32>
      %broadcast_in_dim3A_280 = vector.shape_cast %reduce_sum3A_279 : vector<128xf32> to vector<1x128xf32>
      %get3A_281 = arith.constant 0 : index
      %get3A_282 = arith.index_cast %scan3A_150 : i32 to index
      %get3A_283 = arith.constant 0 : index
      %get3A_284 = vector.load %arg6[%get3A_281, %get3A_282, %get3A_283] : memref<1x50x128xf32, #tpu.memory_space<vmem>>, vector<1x1x128xf32>
      %squeeze3A_285 = vector.shape_cast %get3A_284 : vector<1x1x128xf32> to vector<1x128xf32>
      %add3A_286 = arith.addf %transpose3A, %transpose3A_255 : vector<128x128xf32>
      %mul3A_287 = vector.broadcast %broadcast_in_dim3A_280 : vector<1x128xf32> to vector<128x128xf32>
      %mul3A_288 = arith.mulf %mul3A_287, %transpose3A_261 : vector<128x128xf32>
      %add3A_289 = arith.addf %add3A_286, %mul3A_288 : vector<128x128xf32>
      %add3A_290 = vector.broadcast %get3A_60 : vector<128x1xf32> to vector<128x128xf32>
      %add3A_291 = arith.addf %add3A_289, %add3A_290 : vector<128x128xf32>
      %sub3A_292 = arith.subf %get3A_63, %get3A_60 : vector<128x1xf32>
      %mul3A_293 = vector.broadcast %squeeze3A_285 : vector<1x128xf32> to vector<128x128xf32>
      %mul3A_294 = vector.broadcast %sub3A_292 : vector<128x1xf32> to vector<128x128xf32>
      %mul3A_295 = arith.mulf %mul3A_293, %mul3A_294 : vector<128x128xf32>
      %add3A_296 = arith.addf %add3A_291, %mul3A_295 : vector<128x128xf32>
      %get3A_297 = arith.constant 0 : index
      %get3A_298 = arith.constant 0 : index
      %get3A_299 = vector.load %arg32[%get3A_297, %get3A_298] : memref<128x128xf32, #tpu.memory_space<vmem>>, vector<128x128xf32>
      %dot_general3A_300 = arith.constant dense<0.000000e+00> : vector<128x128xf32>
      %dot_general3A_301 = tpu.matmul %get3A_299, %mul3A_245, %dot_general3A_300 {dimension_numbers = #tpu.dot_dimension_numbers<[1], [0], [0], [1], [0, 0, 1, 1], [], []>, transpose_lhs_hint = false} : vector<128x128xf32>, vector<128x128xf32>, vector<128x128xf32> -> vector<128x128xf32>
      %get3A_302 = arith.constant 0 : index
      %get3A_303 = arith.constant 0 : index
      %get3A_304 = vector.load %arg33[%get3A_302, %get3A_303] : memref<128x128xf32, #tpu.memory_space<vmem>>, vector<128x128xf32>
      %dot_general3A_305 = arith.constant dense<0.000000e+00> : vector<128x128xf32>
      %dot_general3A_306 = tpu.matmul %get3A_304, %mul3A_211, %dot_general3A_305 {dimension_numbers = #tpu.dot_dimension_numbers<[1], [0], [0], [1], [0, 0, 1, 1], [], []>, transpose_lhs_hint = false} : vector<128x128xf32>, vector<128x128xf32>, vector<128x128xf32> -> vector<128x128xf32>
      %add3A_307 = arith.addf %dot_general3A_301, %dot_general3A_306 : vector<128x128xf32>
      %get3A_308 = arith.constant 0 : index
      %get3A_309 = arith.constant 0 : index
      %get3A_310 = vector.load %arg34[%get3A_308, %get3A_309] : memref<128x128xf32, #tpu.memory_space<vmem>>, vector<128x128xf32>
      %dot_general3A_311 = arith.constant dense<0.000000e+00> : vector<128x128xf32>
      %dot_general3A_312 = tpu.matmul %get3A_310, %mul3A_231, %dot_general3A_311 {dimension_numbers = #tpu.dot_dimension_numbers<[1], [0], [0], [1], [0, 0, 1, 1], [], []>, transpose_lhs_hint = false} : vector<128x128xf32>, vector<128x128xf32>, vector<128x128xf32> -> vector<128x128xf32>
      %add3A_313 = arith.addf %add3A_307, %dot_general3A_312 : vector<128x128xf32>
      %get3A_314 = arith.constant 0 : index
      %get3A_315 = arith.constant 0 : index
      %get3A_316 = vector.load %arg35[%get3A_314, %get3A_315] : memref<128x128xf32, #tpu.memory_space<vmem>>, vector<128x128xf32>
      %dot_general3A_317 = arith.constant dense<0.000000e+00> : vector<128x128xf32>
      %dot_general3A_318 = tpu.matmul %get3A_316, %add3A_289, %dot_general3A_317 {dimension_numbers = #tpu.dot_dimension_numbers<[1], [0], [0], [1], [0, 0, 1, 1], [], []>, transpose_lhs_hint = false} : vector<128x128xf32>, vector<128x128xf32>, vector<128x128xf32> -> vector<128x128xf32>
      %add3A_319 = arith.addf %add3A_313, %dot_general3A_318 : vector<128x128xf32>
      %get3A_320 = arith.constant 0 : index
      %get3A_321 = arith.constant 0 : index
      %get3A_322 = vector.load %arg36[%get3A_320, %get3A_321] : memref<128x1xf32, #tpu.memory_space<vmem>>, vector<128x1xf32>
      %add3A_323 = vector.broadcast %get3A_322 : vector<128x1xf32> to vector<128x128xf32>
      %add3A_324 = arith.addf %add3A_319, %add3A_323 : vector<128x128xf32>
      %max3A = arith.constant 0.000000e+00 : f32
      %max3A_325 = vector.broadcast %max3A : f32 to vector<128x128xf32>
      %max3A_326 = arith.maximumf %add3A_324, %max3A_325 : vector<128x128xf32>
      %get3A_327 = arith.constant 0 : index
      %get3A_328 = arith.constant 0 : index
      %get3A_329 = vector.load %arg37[%get3A_327, %get3A_328] : memref<128x1xf32, #tpu.memory_space<vmem>>, vector<128x1xf32>
      %mul3A_330 = vector.broadcast %get3A_329 : vector<128x1xf32> to vector<128x128xf32>
      %mul3A_331 = arith.mulf %max3A_326, %mul3A_330 : vector<128x128xf32>
      %reduce_sum3A_332 = arith.constant dense<0.000000e+00> : vector<128xf32>
      %reduce_sum3A_333 = vector.multi_reduction <add>, %mul3A_331, %reduce_sum3A_332 [0] : vector<128x128xf32> to vector<128xf32>
      %broadcast_in_dim3A_334 = vector.shape_cast %reduce_sum3A_333 : vector<128xf32> to vector<1x128xf32>
      %get3A_335 = arith.constant 0 : index
      %get3A_336 = arith.constant 0 : index
      %get3A_337 = vector.load %arg38[%get3A_335, %get3A_336] : memref<1x1xf32, #tpu.memory_space<vmem>>, vector<1x1xf32>
      %add3A_338 = vector.broadcast %get3A_337 : vector<1x1xf32> to vector<1x128xf32>
      %add3A_339 = arith.addf %broadcast_in_dim3A_334, %add3A_338 : vector<1x128xf32>
      %logistic3A_340 = arith.negf %add3A_339 : vector<1x128xf32>
      %logistic3A_341 = math.exp %logistic3A_340 : vector<1x128xf32>
      %logistic3A_342 = arith.constant 1.000000e+00 : f32
      %logistic3A_343 = vector.broadcast %logistic3A_342 : f32 to vector<1x128xf32>
      %logistic3A_344 = arith.addf %logistic3A_343, %logistic3A_341 : vector<1x128xf32>
      %logistic3A_345 = arith.divf %logistic3A_343, %logistic3A_344 : vector<1x128xf32>
      %swap3A_346 = arith.index_cast %scan3A_150 : i32 to index
      %swap3A_347 = arith.constant 0 : index
      %swap3A_348 = vector.load %arg44[%swap3A_346, %swap3A_347] : memref<50x128xf32, #tpu.memory_space<vmem>>, vector<1x128xf32>
      tpu.vector_store %arg44[%swap3A_346, %swap3A_347], %logistic3A_345 {strides = array<i32>} : memref<50x128xf32, #tpu.memory_space<vmem>>, vector<1x128xf32>,
      %get3A_349 = arith.constant 0 : index
      %get3A_350 = arith.constant 0 : index
      %get3A_351 = vector.load %arg29[%get3A_349, %get3A_350] : memref<128x128xf32, #tpu.memory_space<vmem>>, vector<128x128xf32>
      %dot_general3A_352 = arith.constant dense<0.000000e+00> : vector<128x128xf32>
      %dot_general3A_353 = tpu.matmul %get3A_351, %mul3A_245, %dot_general3A_352 {dimension_numbers = #tpu.dot_dimension_numbers<[1], [0], [0], [1], [0, 0, 1, 1], [], []>, transpose_lhs_hint = false} : vector<128x128xf32>, vector<128x128xf32>, vector<128x128xf32> -> vector<128x128xf32>
      %get3A_354 = arith.constant 0 : index
      %get3A_355 = arith.constant 0 : index
      %get3A_356 = vector.load %arg30[%get3A_354, %get3A_355] : memref<128x128xf32, #tpu.memory_space<vmem>>, vector<128x128xf32>
      %dot_general3A_357 = arith.constant dense<0.000000e+00> : vector<128x128xf32>
      %dot_general3A_358 = tpu.matmul %get3A_356, %add3A_296, %dot_general3A_357 {dimension_numbers = #tpu.dot_dimension_numbers<[1], [0], [0], [1], [0, 0, 1, 1], [], []>, transpose_lhs_hint = false} : vector<128x128xf32>, vector<128x128xf32>, vector<128x128xf32> -> vector<128x128xf32>
      %add3A_359 = arith.addf %dot_general3A_353, %dot_general3A_358 : vector<128x128xf32>
      %get3A_360 = arith.constant 0 : index
      %get3A_361 = arith.constant 0 : index
      %get3A_362 = vector.load %arg31[%get3A_360, %get3A_361] : memref<128x1xf32, #tpu.memory_space<vmem>>, vector<128x1xf32>
      %add3A_363 = vector.broadcast %get3A_362 : vector<128x1xf32> to vector<128x128xf32>
      %add3A_364 = arith.addf %add3A_359, %add3A_363 : vector<128x128xf32>
      %tanh3A = math.tanh %add3A_364 : vector<128x128xf32>
      %add3A_365 = arith.addf %mul3A_245, %tanh3A : vector<128x128xf32>
      %get3A_366 = arith.constant 0 : index
      %get3A_367 = arith.constant 0 : index
      %get3A_368 = vector.load %arg23[%get3A_366, %get3A_367] : memref<128x128xf32, #tpu.memory_space<vmem>>, vector<128x128xf32>
      %dot_general3A_369 = arith.constant dense<0.000000e+00> : vector<128x128xf32>
      %dot_general3A_370 = tpu.matmul %get3A_368, %mul3A_211, %dot_general3A_369 {dimension_numbers = #tpu.dot_dimension_numbers<[1], [0], [0], [1], [0, 0, 1, 1], [], []>, transpose_lhs_hint = false} : vector<128x128xf32>, vector<128x128xf32>, vector<128x128xf32> -> vector<128x128xf32>
      %get3A_371 = arith.constant 0 : index
      %get3A_372 = arith.constant 0 : index
      %get3A_373 = vector.load %arg24[%get3A_371, %get3A_372] : memref<128x128xf32, #tpu.memory_space<vmem>>, vector<128x128xf32>
      %dot_general3A_374 = arith.constant dense<0.000000e+00> : vector<128x128xf32>
      %dot_general3A_375 = tpu.matmul %get3A_373, %add3A_296, %dot_general3A_374 {dimension_numbers = #tpu.dot_dimension_numbers<[1], [0], [0], [1], [0, 0, 1, 1], [], []>, transpose_lhs_hint = false} : vector<128x128xf32>, vector<128x128xf32>, vector<128x128xf32> -> vector<128x128xf32>
      %add3A_376 = arith.addf %dot_general3A_370, %dot_general3A_375 : vector<128x128xf32>
      %get3A_377 = arith.constant 0 : index
      %get3A_378 = arith.constant 0 : index
      %get3A_379 = vector.load %arg25[%get3A_377, %get3A_378] : memref<128x1xf32, #tpu.memory_space<vmem>>, vector<128x1xf32>
      %add3A_380 = vector.broadcast %get3A_379 : vector<128x1xf32> to vector<128x128xf32>
      %add3A_381 = arith.addf %add3A_376, %add3A_380 : vector<128x128xf32>
      %tanh3A_382 = math.tanh %add3A_381 : vector<128x128xf32>
      %add3A_383 = arith.addf %mul3A_211, %tanh3A_382 : vector<128x128xf32>
      %get3A_384 = arith.constant 0 : index
      %get3A_385 = arith.constant 0 : index
      %get3A_386 = vector.load %arg26[%get3A_384, %get3A_385] : memref<128x128xf32, #tpu.memory_space<vmem>>, vector<128x128xf32>
      %dot_general3A_387 = arith.constant dense<0.000000e+00> : vector<128x128xf32>
      %dot_general3A_388 = tpu.matmul %get3A_386, %mul3A_231, %dot_general3A_387 {dimension_numbers = #tpu.dot_dimension_numbers<[1], [0], [0], [1], [0, 0, 1, 1], [], []>, transpose_lhs_hint = false} : vector<128x128xf32>, vector<128x128xf32>, vector<128x128xf32> -> vector<128x128xf32>
      %get3A_389 = arith.constant 0 : index
      %get3A_390 = arith.constant 0 : index
      %get3A_391 = vector.load %arg27[%get3A_389, %get3A_390] : memref<128x128xf32, #tpu.memory_space<vmem>>, vector<128x128xf32>
      %dot_general3A_392 = arith.constant dense<0.000000e+00> : vector<128x128xf32>
      %dot_general3A_393 = tpu.matmul %get3A_391, %add3A_296, %dot_general3A_392 {dimension_numbers = #tpu.dot_dimension_numbers<[1], [0], [0], [1], [0, 0, 1, 1], [], []>, transpose_lhs_hint = false} : vector<128x128xf32>, vector<128x128xf32>, vector<128x128xf32> -> vector<128x128xf32>
      %add3A_394 = arith.addf %dot_general3A_388, %dot_general3A_393 : vector<128x128xf32>
      %get3A_395 = arith.constant 0 : index
      %get3A_396 = arith.constant 0 : index
      %get3A_397 = vector.load %arg28[%get3A_395, %get3A_396] : memref<128x1xf32, #tpu.memory_space<vmem>>, vector<128x1xf32>
      %add3A_398 = vector.broadcast %get3A_397 : vector<128x1xf32> to vector<128x128xf32>
      %add3A_399 = arith.addf %add3A_394, %add3A_398 : vector<128x128xf32>
      %tanh3A_400 = math.tanh %add3A_399 : vector<128x128xf32>
      %add3A_401 = arith.addf %mul3A_231, %tanh3A_400 : vector<128x128xf32>
      %broadcast_in_dim3A_402 = vector.shape_cast %add3A_383 : vector<128x128xf32> to vector<1x128x128xf32>
      %swap3A_403 = arith.index_cast %scan3A_150 : i32 to index
      %swap3A_404 = arith.constant 0 : index
      %swap3A_405 = arith.constant 0 : index
      %swap3A_406 = vector.load %arg40[%swap3A_403, %swap3A_404, %swap3A_405] : memref<50x128x128xf32, #tpu.memory_space<vmem>>, vector<1x128x128xf32>
      tpu.vector_store %arg40[%swap3A_403, %swap3A_404, %swap3A_405], %broadcast_in_dim3A_402 {strides = array<i32>} : memref<50x128x128xf32, #tpu.memory_space<vmem>>, vector<1x128x128xf32>,
      %broadcast_in_dim3A_407 = vector.shape_cast %add3A_401 : vector<128x128xf32> to vector<1x128x128xf32>
      %swap3A_408 = arith.index_cast %scan3A_150 : i32 to index
      %swap3A_409 = arith.constant 0 : index
      %swap3A_410 = arith.constant 0 : index
      %swap3A_411 = vector.load %arg41[%swap3A_408, %swap3A_409, %swap3A_410] : memref<50x128x128xf32, #tpu.memory_space<vmem>>, vector<1x128x128xf32>
      tpu.vector_store %arg41[%swap3A_408, %swap3A_409, %swap3A_410], %broadcast_in_dim3A_407 {strides = array<i32>} : memref<50x128x128xf32, #tpu.memory_space<vmem>>, vector<1x128x128xf32>,
      scf.yield %add3A_365 : vector<128x128xf32>
    }
    %scan3A_110 = arith.constant 8 : i32
    %scan3A_111 = arith.constant 8 : i32
    %scan3A_112 = arith.constant 8 : i32
    %scan3A_113 = arith.addi %scan3A_111, %scan3A_112 : i32
    %scan3A_114 = arith.constant 1 : i32
    %scan3A_115 = scf.for %scan3A_150 = %scan3A_111 to %scan3A_113 step %scan3A_114 iter_args(%scan3A_151 = %scan3A_109) -> (vector<128x128xf32>)  : i32 {
      %get3A_152 = arith.index_cast %scan3A_150 : i32 to index
      %get3A_153 = arith.constant 0 : index
      %get3A_154 = vector.load %arg42[%get3A_152, %get3A_153] : memref<50x128xi32, #tpu.memory_space<vmem>>, vector<1x128xi32>
      %get3A_155 = arith.index_cast %scan3A_150 : i32 to index
      %get3A_156 = arith.constant 0 : index
      %get3A_157 = vector.load %arg43[%get3A_155, %get3A_156] : memref<50x128xi32, #tpu.memory_space<vmem>>, vector<1x128xi32>
      %slice3A = vector.extract_strided_slice %iota3A_64 {offsets = [0, 0, 0], sizes = [16, 1, 128], strides = [1, 1, 1]} : vector<50x1x128xi32> to vector<16x1x128xi32>
      %broadcast_in_dim3A_158 = vector.shape_cast %get3A_154 : vector<1x128xi32> to vector<1x1x128xi32>
      %eq3A_159 = vector.broadcast %broadcast_in_dim3A_158 : vector<1x1x128xi32> to vector<16x1x128xi32>
      %eq3A_160 = arith.cmpi eq, %slice3A, %eq3A_159 : vector<16x1x128xi32>
      %convert_element_type3A = arith.extui %eq3A_160 : vector<16x1x128xi1> to vector<16x1x128xi32>
      %convert_element_type3A_161 = arith.sitofp %convert_element_type3A : vector<16x1x128xi32> to vector<16x1x128xf32>
      %slice3A_162 = vector.extract_strided_slice %iota3A_64 {offsets = [0, 0, 0], sizes = [16, 1, 128], strides = [1, 1, 1]} : vector<50x1x128xi32> to vector<16x1x128xi32>
      %broadcast_in_dim3A_163 = vector.shape_cast %get3A_157 : vector<1x128xi32> to vector<1x1x128xi32>
      %eq3A_164 = vector.broadcast %broadcast_in_dim3A_163 : vector<1x1x128xi32> to vector<16x1x128xi32>
      %eq3A_165 = arith.cmpi eq, %slice3A_162, %eq3A_164 : vector<16x1x128xi32>
      %convert_element_type3A_166 = arith.extui %eq3A_165 : vector<16x1x128xi1> to vector<16x1x128xi32>
      %convert_element_type3A_167 = arith.sitofp %convert_element_type3A_166 : vector<16x1x128xi32> to vector<16x1x128xf32>
      %get3A_168 = arith.constant 0 : index
      %get3A_169 = arith.constant 0 : index
      %get3A_170 = arith.constant 0 : index
      %get3A_171 = vector.load %arg40[%get3A_168, %get3A_169, %get3A_170] : memref<50x128x128xf32, #tpu.memory_space<vmem>>, vector<16x128x128xf32>
      %mul3A = vector.broadcast %convert_element_type3A_161 : vector<16x1x128xf32> to vector<16x128x128xf32>
      %mul3A_172 = arith.mulf %get3A_171, %mul3A : vector<16x128x128xf32>
      %reduce_sum3A = arith.constant dense<0.000000e+00> : vector<128x128xf32>
      %reduce_sum3A_173 = vector.multi_reduction <add>, %mul3A_172, %reduce_sum3A [0] : vector<16x128x128xf32> to vector<128x128xf32>
      %get3A_174 = arith.constant 0 : index
      %get3A_175 = arith.constant 0 : index
      %get3A_176 = arith.constant 0 : index
      %get3A_177 = vector.load %arg41[%get3A_174, %get3A_175, %get3A_176] : memref<50x128x128xf32, #tpu.memory_space<vmem>>, vector<16x128x128xf32>
      %mul3A_178 = vector.broadcast %convert_element_type3A_167 : vector<16x1x128xf32> to vector<16x128x128xf32>
      %mul3A_179 = arith.mulf %get3A_177, %mul3A_178 : vector<16x128x128xf32>
      %reduce_sum3A_180 = arith.constant dense<0.000000e+00> : vector<128x128xf32>
      %reduce_sum3A_181 = vector.multi_reduction <add>, %mul3A_179, %reduce_sum3A_180 [0] : vector<16x128x128xf32> to vector<128x128xf32>
      %sub3A = vector.broadcast %scan3A_150 : i32 to vector<1x128xi32>
      %sub3A_182 = arith.subi %sub3A, %get3A_154 : vector<1x128xi32>
      %eq3A_183 = vector.broadcast %sub3A_182 : vector<1x128xi32> to vector<56x128xi32>
      %eq3A_184 = arith.cmpi eq, %iota3A_65, %eq3A_183 : vector<56x128xi32>
      %convert_element_type3A_185 = arith.extui %eq3A_184 : vector<56x128xi1> to vector<56x128xi32>
      %convert_element_type3A_186 = arith.sitofp %convert_element_type3A_185 : vector<56x128xi32> to vector<56x128xf32>
      %sub3A_187 = vector.broadcast %scan3A_150 : i32 to vector<1x128xi32>
      %sub3A_188 = arith.subi %sub3A_187, %get3A_157 : vector<1x128xi32>
      %eq3A_189 = vector.broadcast %sub3A_188 : vector<1x128xi32> to vector<56x128xi32>
      %eq3A_190 = arith.cmpi eq, %iota3A_65, %eq3A_189 : vector<56x128xi32>
      %convert_element_type3A_191 = arith.extui %eq3A_190 : vector<56x128xi1> to vector<56x128xi32>
      %convert_element_type3A_192 = arith.sitofp %convert_element_type3A_191 : vector<56x128xi32> to vector<56x128xf32>
      %get3A_193 = arith.constant 0 : index
      %get3A_194 = arith.constant 0 : index
      %get3A_195 = vector.load %arg14[%get3A_193, %get3A_194] : memref<128x128xf32, #tpu.memory_space<vmem>>, vector<128x128xf32>
      %dot_general3A_196 = arith.constant dense<0.000000e+00> : vector<128x128xf32>
      %dot_general3A_197 = tpu.matmul %get3A_195, %reduce_sum3A_173, %dot_general3A_196 {dimension_numbers = #tpu.dot_dimension_numbers<[1], [0], [0], [1], [0, 0, 1, 1], [], []>, transpose_lhs_hint = false} : vector<128x128xf32>, vector<128x128xf32>, vector<128x128xf32> -> vector<128x128xf32>
      %dot_general3A_198 = arith.constant dense<0.000000e+00> : vector<128x128xf32>
      %dot_general3A_199 = tpu.matmul %dot_general3A_38, %convert_element_type3A_186, %dot_general3A_198 {dimension_numbers = #tpu.dot_dimension_numbers<[1], [0], [0], [1], [0, 0, 1, 1], [], []>, transpose_lhs_hint = false} : vector<128x56xf32>, vector<56x128xf32>, vector<128x128xf32> -> vector<128x128xf32>
      %add3A_200 = arith.addf %dot_general3A_197, %dot_general3A_199 : vector<128x128xf32>
      %get3A_201 = arith.constant 0 : index
      %get3A_202 = arith.constant 0 : index
      %get3A_203 = vector.load %arg16[%get3A_201, %get3A_202] : memref<128x1xf32, #tpu.memory_space<vmem>>, vector<128x1xf32>
      %add3A_204 = vector.broadcast %get3A_203 : vector<128x1xf32> to vector<128x128xf32>
      %add3A_205 = arith.addf %add3A_200, %add3A_204 : vector<128x128xf32>
      %logistic3A = arith.negf %add3A_205 : vector<128x128xf32>
      %logistic3A_206 = math.exp %logistic3A : vector<128x128xf32>
      %logistic3A_207 = arith.constant 1.000000e+00 : f32
      %logistic3A_208 = vector.broadcast %logistic3A_207 : f32 to vector<128x128xf32>
      %logistic3A_209 = arith.addf %logistic3A_208, %logistic3A_206 : vector<128x128xf32>
      %logistic3A_210 = arith.divf %logistic3A_208, %logistic3A_209 : vector<128x128xf32>
      %mul3A_211 = arith.mulf %reduce_sum3A_173, %logistic3A_210 : vector<128x128xf32>
      %get3A_212 = arith.constant 0 : index
      %get3A_213 = arith.constant 0 : index
      %get3A_214 = vector.load %arg17[%get3A_212, %get3A_213] : memref<128x128xf32, #tpu.memory_space<vmem>>, vector<128x128xf32>
      %dot_general3A_215 = arith.constant dense<0.000000e+00> : vector<128x128xf32>
      %dot_general3A_216 = tpu.matmul %get3A_214, %reduce_sum3A_181, %dot_general3A_215 {dimension_numbers = #tpu.dot_dimension_numbers<[1], [0], [0], [1], [0, 0, 1, 1], [], []>, transpose_lhs_hint = false} : vector<128x128xf32>, vector<128x128xf32>, vector<128x128xf32> -> vector<128x128xf32>
      %dot_general3A_217 = arith.constant dense<0.000000e+00> : vector<128x128xf32>
      %dot_general3A_218 = tpu.matmul %dot_general3A_46, %convert_element_type3A_192, %dot_general3A_217 {dimension_numbers = #tpu.dot_dimension_numbers<[1], [0], [0], [1], [0, 0, 1, 1], [], []>, transpose_lhs_hint = false} : vector<128x56xf32>, vector<56x128xf32>, vector<128x128xf32> -> vector<128x128xf32>
      %add3A_219 = arith.addf %dot_general3A_216, %dot_general3A_218 : vector<128x128xf32>
      %get3A_220 = arith.constant 0 : index
      %get3A_221 = arith.constant 0 : index
      %get3A_222 = vector.load %arg19[%get3A_220, %get3A_221] : memref<128x1xf32, #tpu.memory_space<vmem>>, vector<128x1xf32>
      %add3A_223 = vector.broadcast %get3A_222 : vector<128x1xf32> to vector<128x128xf32>
      %add3A_224 = arith.addf %add3A_219, %add3A_223 : vector<128x128xf32>
      %logistic3A_225 = arith.negf %add3A_224 : vector<128x128xf32>
      %logistic3A_226 = math.exp %logistic3A_225 : vector<128x128xf32>
      %logistic3A_227 = arith.constant 1.000000e+00 : f32
      %logistic3A_228 = vector.broadcast %logistic3A_227 : f32 to vector<128x128xf32>
      %logistic3A_229 = arith.addf %logistic3A_228, %logistic3A_226 : vector<128x128xf32>
      %logistic3A_230 = arith.divf %logistic3A_228, %logistic3A_229 : vector<128x128xf32>
      %mul3A_231 = arith.mulf %reduce_sum3A_181, %logistic3A_230 : vector<128x128xf32>
      %get3A_232 = arith.constant 0 : index
      %get3A_233 = arith.constant 0 : index
      %get3A_234 = vector.load %arg20[%get3A_232, %get3A_233] : memref<128x128xf32, #tpu.memory_space<vmem>>, vector<128x128xf32>
      %dot_general3A_235 = arith.constant dense<0.000000e+00> : vector<128x128xf32>
      %dot_general3A_236 = tpu.matmul %get3A_234, %scan3A_151, %dot_general3A_235 {dimension_numbers = #tpu.dot_dimension_numbers<[1], [0], [0], [1], [0, 0, 1, 1], [], []>, transpose_lhs_hint = false} : vector<128x128xf32>, vector<128x128xf32>, vector<128x128xf32> -> vector<128x128xf32>
      %add3A_237 = vector.broadcast %add3A : vector<128x1xf32> to vector<128x128xf32>
      %add3A_238 = arith.addf %dot_general3A_236, %add3A_237 : vector<128x128xf32>
      %logistic3A_239 = arith.negf %add3A_238 : vector<128x128xf32>
      %logistic3A_240 = math.exp %logistic3A_239 : vector<128x128xf32>
      %logistic3A_241 = arith.constant 1.000000e+00 : f32
      %logistic3A_242 = vector.broadcast %logistic3A_241 : f32 to vector<128x128xf32>
      %logistic3A_243 = arith.addf %logistic3A_242, %logistic3A_240 : vector<128x128xf32>
      %logistic3A_244 = arith.divf %logistic3A_242, %logistic3A_243 : vector<128x128xf32>
      %mul3A_245 = arith.mulf %scan3A_151, %logistic3A_244 : vector<128x128xf32>
      %get3A_246 = arith.index_cast %scan3A_150 : i32 to index
      %get3A_247 = arith.constant 0 : index
      %get3A_248 = arith.constant 0 : index
      %get3A_249 = vector.load %arg1[%get3A_246, %get3A_247, %get3A_248] : memref<50x128x128xf32, #tpu.memory_space<vmem>>, vector<1x128x128xf32>
      %squeeze3A = vector.shape_cast %get3A_249 : vector<1x128x128xf32> to vector<128x128xf32>
      %transpose3A = tpu.transpose %squeeze3A, [1, 0] : vector<128x128xf32> -> vector<128x128xf32>
      %get3A_250 = arith.index_cast %scan3A_150 : i32 to index
      %get3A_251 = arith.constant 0 : index
      %get3A_252 = arith.constant 0 : index
      %get3A_253 = vector.load %arg2[%get3A_250, %get3A_251, %get3A_252] : memref<50x128x128xf32, #tpu.memory_space<vmem>>, vector<1x128x128xf32>
      %squeeze3A_254 = vector.shape_cast %get3A_253 : vector<1x128x128xf32> to vector<128x128xf32>
      %transpose3A_255 = tpu.transpose %squeeze3A_254, [1, 0] : vector<128x128xf32> -> vector<128x128xf32>
      %get3A_256 = arith.index_cast %scan3A_150 : i32 to index
      %get3A_257 = arith.constant 0 : index
      %get3A_258 = arith.constant 0 : index
      %get3A_259 = vector.load %arg3[%get3A_256, %get3A_257, %get3A_258] : memref<50x128x128xf32, #tpu.memory_space<vmem>>, vector<1x128x128xf32>
      %squeeze3A_260 = vector.shape_cast %get3A_259 : vector<1x128x128xf32> to vector<128x128xf32>
      %transpose3A_261 = tpu.transpose %squeeze3A_260, [1, 0] : vector<128x128xf32> -> vector<128x128xf32>
      %get3A_262 = arith.index_cast %scan3A_150 : i32 to index
      %get3A_263 = arith.constant 0 : index
      %get3A_264 = arith.constant 0 : index
      %get3A_265 = vector.load %arg4[%get3A_262, %get3A_263, %get3A_264] : memref<50x128x128xf32, #tpu.memory_space<vmem>>, vector<1x128x128xf32>
      %squeeze3A_266 = vector.shape_cast %get3A_265 : vector<1x128x128xf32> to vector<128x128xf32>
      %transpose3A_267 = tpu.transpose %squeeze3A_266, [1, 0] : vector<128x128xf32> -> vector<128x128xf32>
      %get3A_268 = arith.constant 0 : index
      %get3A_269 = arith.index_cast %scan3A_150 : i32 to index
      %get3A_270 = arith.constant 0 : index
      %get3A_271 = vector.load %arg5[%get3A_268, %get3A_269, %get3A_270] : memref<1x50x128xi32, #tpu.memory_space<vmem>>, vector<1x1x128xi32>
      %squeeze3A_272 = vector.shape_cast %get3A_271 : vector<1x1x128xi32> to vector<1x128xi32>
      %eq3A_273 = vector.broadcast %squeeze3A_272 : vector<1x128xi32> to vector<128x128xi32>
      %eq3A_274 = arith.cmpi eq, %iota3A_66, %eq3A_273 : vector<128x128xi32>
      %jit3A_275 = arith.constant 0.000000e+00 : f32
      %broadcast_in_dim3A_276 = vector.broadcast %jit3A_275 : f32 to vector<128x128xf32>
      %select_n3A_277 = arith.select %eq3A_274, %transpose3A_267, %broadcast_in_dim3A_276 : vector<128x128xi1>, vector<128x128xf32>
      %reduce_sum3A_278 = arith.constant dense<0.000000e+00> : vector<128xf32>
      %reduce_sum3A_279 = vector.multi_reduction <add>, %select_n3A_277, %reduce_sum3A_278 [0] : vector<128x128xf32> to vector<128xf32>
      %broadcast_in_dim3A_280 = vector.shape_cast %reduce_sum3A_279 : vector<128xf32> to vector<1x128xf32>
      %get3A_281 = arith.constant 0 : index
      %get3A_282 = arith.index_cast %scan3A_150 : i32 to index
      %get3A_283 = arith.constant 0 : index
      %get3A_284 = vector.load %arg6[%get3A_281, %get3A_282, %get3A_283] : memref<1x50x128xf32, #tpu.memory_space<vmem>>, vector<1x1x128xf32>
      %squeeze3A_285 = vector.shape_cast %get3A_284 : vector<1x1x128xf32> to vector<1x128xf32>
      %add3A_286 = arith.addf %transpose3A, %transpose3A_255 : vector<128x128xf32>
      %mul3A_287 = vector.broadcast %broadcast_in_dim3A_280 : vector<1x128xf32> to vector<128x128xf32>
      %mul3A_288 = arith.mulf %mul3A_287, %transpose3A_261 : vector<128x128xf32>
      %add3A_289 = arith.addf %add3A_286, %mul3A_288 : vector<128x128xf32>
      %add3A_290 = vector.broadcast %get3A_60 : vector<128x1xf32> to vector<128x128xf32>
      %add3A_291 = arith.addf %add3A_289, %add3A_290 : vector<128x128xf32>
      %sub3A_292 = arith.subf %get3A_63, %get3A_60 : vector<128x1xf32>
      %mul3A_293 = vector.broadcast %squeeze3A_285 : vector<1x128xf32> to vector<128x128xf32>
      %mul3A_294 = vector.broadcast %sub3A_292 : vector<128x1xf32> to vector<128x128xf32>
      %mul3A_295 = arith.mulf %mul3A_293, %mul3A_294 : vector<128x128xf32>
      %add3A_296 = arith.addf %add3A_291, %mul3A_295 : vector<128x128xf32>
      %get3A_297 = arith.constant 0 : index
      %get3A_298 = arith.constant 0 : index
      %get3A_299 = vector.load %arg32[%get3A_297, %get3A_298] : memref<128x128xf32, #tpu.memory_space<vmem>>, vector<128x128xf32>
      %dot_general3A_300 = arith.constant dense<0.000000e+00> : vector<128x128xf32>
      %dot_general3A_301 = tpu.matmul %get3A_299, %mul3A_245, %dot_general3A_300 {dimension_numbers = #tpu.dot_dimension_numbers<[1], [0], [0], [1], [0, 0, 1, 1], [], []>, transpose_lhs_hint = false} : vector<128x128xf32>, vector<128x128xf32>, vector<128x128xf32> -> vector<128x128xf32>
      %get3A_302 = arith.constant 0 : index
      %get3A_303 = arith.constant 0 : index
      %get3A_304 = vector.load %arg33[%get3A_302, %get3A_303] : memref<128x128xf32, #tpu.memory_space<vmem>>, vector<128x128xf32>
      %dot_general3A_305 = arith.constant dense<0.000000e+00> : vector<128x128xf32>
      %dot_general3A_306 = tpu.matmul %get3A_304, %mul3A_211, %dot_general3A_305 {dimension_numbers = #tpu.dot_dimension_numbers<[1], [0], [0], [1], [0, 0, 1, 1], [], []>, transpose_lhs_hint = false} : vector<128x128xf32>, vector<128x128xf32>, vector<128x128xf32> -> vector<128x128xf32>
      %add3A_307 = arith.addf %dot_general3A_301, %dot_general3A_306 : vector<128x128xf32>
      %get3A_308 = arith.constant 0 : index
      %get3A_309 = arith.constant 0 : index
      %get3A_310 = vector.load %arg34[%get3A_308, %get3A_309] : memref<128x128xf32, #tpu.memory_space<vmem>>, vector<128x128xf32>
      %dot_general3A_311 = arith.constant dense<0.000000e+00> : vector<128x128xf32>
      %dot_general3A_312 = tpu.matmul %get3A_310, %mul3A_231, %dot_general3A_311 {dimension_numbers = #tpu.dot_dimension_numbers<[1], [0], [0], [1], [0, 0, 1, 1], [], []>, transpose_lhs_hint = false} : vector<128x128xf32>, vector<128x128xf32>, vector<128x128xf32> -> vector<128x128xf32>
      %add3A_313 = arith.addf %add3A_307, %dot_general3A_312 : vector<128x128xf32>
      %get3A_314 = arith.constant 0 : index
      %get3A_315 = arith.constant 0 : index
      %get3A_316 = vector.load %arg35[%get3A_314, %get3A_315] : memref<128x128xf32, #tpu.memory_space<vmem>>, vector<128x128xf32>
      %dot_general3A_317 = arith.constant dense<0.000000e+00> : vector<128x128xf32>
      %dot_general3A_318 = tpu.matmul %get3A_316, %add3A_289, %dot_general3A_317 {dimension_numbers = #tpu.dot_dimension_numbers<[1], [0], [0], [1], [0, 0, 1, 1], [], []>, transpose_lhs_hint = false} : vector<128x128xf32>, vector<128x128xf32>, vector<128x128xf32> -> vector<128x128xf32>
      %add3A_319 = arith.addf %add3A_313, %dot_general3A_318 : vector<128x128xf32>
      %get3A_320 = arith.constant 0 : index
      %get3A_321 = arith.constant 0 : index
      %get3A_322 = vector.load %arg36[%get3A_320, %get3A_321] : memref<128x1xf32, #tpu.memory_space<vmem>>, vector<128x1xf32>
      %add3A_323 = vector.broadcast %get3A_322 : vector<128x1xf32> to vector<128x128xf32>
      %add3A_324 = arith.addf %add3A_319, %add3A_323 : vector<128x128xf32>
      %max3A = arith.constant 0.000000e+00 : f32
      %max3A_325 = vector.broadcast %max3A : f32 to vector<128x128xf32>
      %max3A_326 = arith.maximumf %add3A_324, %max3A_325 : vector<128x128xf32>
      %get3A_327 = arith.constant 0 : index
      %get3A_328 = arith.constant 0 : index
      %get3A_329 = vector.load %arg37[%get3A_327, %get3A_328] : memref<128x1xf32, #tpu.memory_space<vmem>>, vector<128x1xf32>
      %mul3A_330 = vector.broadcast %get3A_329 : vector<128x1xf32> to vector<128x128xf32>
      %mul3A_331 = arith.mulf %max3A_326, %mul3A_330 : vector<128x128xf32>
      %reduce_sum3A_332 = arith.constant dense<0.000000e+00> : vector<128xf32>
      %reduce_sum3A_333 = vector.multi_reduction <add>, %mul3A_331, %reduce_sum3A_332 [0] : vector<128x128xf32> to vector<128xf32>
      %broadcast_in_dim3A_334 = vector.shape_cast %reduce_sum3A_333 : vector<128xf32> to vector<1x128xf32>
      %get3A_335 = arith.constant 0 : index
      %get3A_336 = arith.constant 0 : index
      %get3A_337 = vector.load %arg38[%get3A_335, %get3A_336] : memref<1x1xf32, #tpu.memory_space<vmem>>, vector<1x1xf32>
      %add3A_338 = vector.broadcast %get3A_337 : vector<1x1xf32> to vector<1x128xf32>
      %add3A_339 = arith.addf %broadcast_in_dim3A_334, %add3A_338 : vector<1x128xf32>
      %logistic3A_340 = arith.negf %add3A_339 : vector<1x128xf32>
      %logistic3A_341 = math.exp %logistic3A_340 : vector<1x128xf32>
      %logistic3A_342 = arith.constant 1.000000e+00 : f32
      %logistic3A_343 = vector.broadcast %logistic3A_342 : f32 to vector<1x128xf32>
      %logistic3A_344 = arith.addf %logistic3A_343, %logistic3A_341 : vector<1x128xf32>
      %logistic3A_345 = arith.divf %logistic3A_343, %logistic3A_344 : vector<1x128xf32>
      %swap3A_346 = arith.index_cast %scan3A_150 : i32 to index
      %swap3A_347 = arith.constant 0 : index
      %swap3A_348 = vector.load %arg44[%swap3A_346, %swap3A_347] : memref<50x128xf32, #tpu.memory_space<vmem>>, vector<1x128xf32>
      tpu.vector_store %arg44[%swap3A_346, %swap3A_347], %logistic3A_345 {strides = array<i32>} : memref<50x128xf32, #tpu.memory_space<vmem>>, vector<1x128xf32>,
      %get3A_349 = arith.constant 0 : index
      %get3A_350 = arith.constant 0 : index
      %get3A_351 = vector.load %arg29[%get3A_349, %get3A_350] : memref<128x128xf32, #tpu.memory_space<vmem>>, vector<128x128xf32>
      %dot_general3A_352 = arith.constant dense<0.000000e+00> : vector<128x128xf32>
      %dot_general3A_353 = tpu.matmul %get3A_351, %mul3A_245, %dot_general3A_352 {dimension_numbers = #tpu.dot_dimension_numbers<[1], [0], [0], [1], [0, 0, 1, 1], [], []>, transpose_lhs_hint = false} : vector<128x128xf32>, vector<128x128xf32>, vector<128x128xf32> -> vector<128x128xf32>
      %get3A_354 = arith.constant 0 : index
      %get3A_355 = arith.constant 0 : index
      %get3A_356 = vector.load %arg30[%get3A_354, %get3A_355] : memref<128x128xf32, #tpu.memory_space<vmem>>, vector<128x128xf32>
      %dot_general3A_357 = arith.constant dense<0.000000e+00> : vector<128x128xf32>
      %dot_general3A_358 = tpu.matmul %get3A_356, %add3A_296, %dot_general3A_357 {dimension_numbers = #tpu.dot_dimension_numbers<[1], [0], [0], [1], [0, 0, 1, 1], [], []>, transpose_lhs_hint = false} : vector<128x128xf32>, vector<128x128xf32>, vector<128x128xf32> -> vector<128x128xf32>
      %add3A_359 = arith.addf %dot_general3A_353, %dot_general3A_358 : vector<128x128xf32>
      %get3A_360 = arith.constant 0 : index
      %get3A_361 = arith.constant 0 : index
      %get3A_362 = vector.load %arg31[%get3A_360, %get3A_361] : memref<128x1xf32, #tpu.memory_space<vmem>>, vector<128x1xf32>
      %add3A_363 = vector.broadcast %get3A_362 : vector<128x1xf32> to vector<128x128xf32>
      %add3A_364 = arith.addf %add3A_359, %add3A_363 : vector<128x128xf32>
      %tanh3A = math.tanh %add3A_364 : vector<128x128xf32>
      %add3A_365 = arith.addf %mul3A_245, %tanh3A : vector<128x128xf32>
      %get3A_366 = arith.constant 0 : index
      %get3A_367 = arith.constant 0 : index
      %get3A_368 = vector.load %arg23[%get3A_366, %get3A_367] : memref<128x128xf32, #tpu.memory_space<vmem>>, vector<128x128xf32>
      %dot_general3A_369 = arith.constant dense<0.000000e+00> : vector<128x128xf32>
      %dot_general3A_370 = tpu.matmul %get3A_368, %mul3A_211, %dot_general3A_369 {dimension_numbers = #tpu.dot_dimension_numbers<[1], [0], [0], [1], [0, 0, 1, 1], [], []>, transpose_lhs_hint = false} : vector<128x128xf32>, vector<128x128xf32>, vector<128x128xf32> -> vector<128x128xf32>
      %get3A_371 = arith.constant 0 : index
      %get3A_372 = arith.constant 0 : index
      %get3A_373 = vector.load %arg24[%get3A_371, %get3A_372] : memref<128x128xf32, #tpu.memory_space<vmem>>, vector<128x128xf32>
      %dot_general3A_374 = arith.constant dense<0.000000e+00> : vector<128x128xf32>
      %dot_general3A_375 = tpu.matmul %get3A_373, %add3A_296, %dot_general3A_374 {dimension_numbers = #tpu.dot_dimension_numbers<[1], [0], [0], [1], [0, 0, 1, 1], [], []>, transpose_lhs_hint = false} : vector<128x128xf32>, vector<128x128xf32>, vector<128x128xf32> -> vector<128x128xf32>
      %add3A_376 = arith.addf %dot_general3A_370, %dot_general3A_375 : vector<128x128xf32>
      %get3A_377 = arith.constant 0 : index
      %get3A_378 = arith.constant 0 : index
      %get3A_379 = vector.load %arg25[%get3A_377, %get3A_378] : memref<128x1xf32, #tpu.memory_space<vmem>>, vector<128x1xf32>
      %add3A_380 = vector.broadcast %get3A_379 : vector<128x1xf32> to vector<128x128xf32>
      %add3A_381 = arith.addf %add3A_376, %add3A_380 : vector<128x128xf32>
      %tanh3A_382 = math.tanh %add3A_381 : vector<128x128xf32>
      %add3A_383 = arith.addf %mul3A_211, %tanh3A_382 : vector<128x128xf32>
      %get3A_384 = arith.constant 0 : index
      %get3A_385 = arith.constant 0 : index
      %get3A_386 = vector.load %arg26[%get3A_384, %get3A_385] : memref<128x128xf32, #tpu.memory_space<vmem>>, vector<128x128xf32>
      %dot_general3A_387 = arith.constant dense<0.000000e+00> : vector<128x128xf32>
      %dot_general3A_388 = tpu.matmul %get3A_386, %mul3A_231, %dot_general3A_387 {dimension_numbers = #tpu.dot_dimension_numbers<[1], [0], [0], [1], [0, 0, 1, 1], [], []>, transpose_lhs_hint = false} : vector<128x128xf32>, vector<128x128xf32>, vector<128x128xf32> -> vector<128x128xf32>
      %get3A_389 = arith.constant 0 : index
      %get3A_390 = arith.constant 0 : index
      %get3A_391 = vector.load %arg27[%get3A_389, %get3A_390] : memref<128x128xf32, #tpu.memory_space<vmem>>, vector<128x128xf32>
      %dot_general3A_392 = arith.constant dense<0.000000e+00> : vector<128x128xf32>
      %dot_general3A_393 = tpu.matmul %get3A_391, %add3A_296, %dot_general3A_392 {dimension_numbers = #tpu.dot_dimension_numbers<[1], [0], [0], [1], [0, 0, 1, 1], [], []>, transpose_lhs_hint = false} : vector<128x128xf32>, vector<128x128xf32>, vector<128x128xf32> -> vector<128x128xf32>
      %add3A_394 = arith.addf %dot_general3A_388, %dot_general3A_393 : vector<128x128xf32>
      %get3A_395 = arith.constant 0 : index
      %get3A_396 = arith.constant 0 : index
      %get3A_397 = vector.load %arg28[%get3A_395, %get3A_396] : memref<128x1xf32, #tpu.memory_space<vmem>>, vector<128x1xf32>
      %add3A_398 = vector.broadcast %get3A_397 : vector<128x1xf32> to vector<128x128xf32>
      %add3A_399 = arith.addf %add3A_394, %add3A_398 : vector<128x128xf32>
      %tanh3A_400 = math.tanh %add3A_399 : vector<128x128xf32>
      %add3A_401 = arith.addf %mul3A_231, %tanh3A_400 : vector<128x128xf32>
      %broadcast_in_dim3A_402 = vector.shape_cast %add3A_383 : vector<128x128xf32> to vector<1x128x128xf32>
      %swap3A_403 = arith.index_cast %scan3A_150 : i32 to index
      %swap3A_404 = arith.constant 0 : index
      %swap3A_405 = arith.constant 0 : index
      %swap3A_406 = vector.load %arg40[%swap3A_403, %swap3A_404, %swap3A_405] : memref<50x128x128xf32, #tpu.memory_space<vmem>>, vector<1x128x128xf32>
      tpu.vector_store %arg40[%swap3A_403, %swap3A_404, %swap3A_405], %broadcast_in_dim3A_402 {strides = array<i32>} : memref<50x128x128xf32, #tpu.memory_space<vmem>>, vector<1x128x128xf32>,
      %broadcast_in_dim3A_407 = vector.shape_cast %add3A_401 : vector<128x128xf32> to vector<1x128x128xf32>
      %swap3A_408 = arith.index_cast %scan3A_150 : i32 to index
      %swap3A_409 = arith.constant 0 : index
      %swap3A_410 = arith.constant 0 : index
      %swap3A_411 = vector.load %arg41[%swap3A_408, %swap3A_409, %swap3A_410] : memref<50x128x128xf32, #tpu.memory_space<vmem>>, vector<1x128x128xf32>
      tpu.vector_store %arg41[%swap3A_408, %swap3A_409, %swap3A_410], %broadcast_in_dim3A_407 {strides = array<i32>} : memref<50x128x128xf32, #tpu.memory_space<vmem>>, vector<1x128x128xf32>,
      scf.yield %add3A_365 : vector<128x128xf32>
    }
    %scan3A_116 = arith.constant 8 : i32
    %scan3A_117 = arith.constant 16 : i32
    %scan3A_118 = arith.constant 8 : i32
    %scan3A_119 = arith.addi %scan3A_117, %scan3A_118 : i32
    %scan3A_120 = arith.constant 1 : i32
    %scan3A_121 = scf.for %scan3A_150 = %scan3A_117 to %scan3A_119 step %scan3A_120 iter_args(%scan3A_151 = %scan3A_115) -> (vector<128x128xf32>)  : i32 {
      %get3A_152 = arith.index_cast %scan3A_150 : i32 to index
      %get3A_153 = arith.constant 0 : index
      %get3A_154 = vector.load %arg42[%get3A_152, %get3A_153] : memref<50x128xi32, #tpu.memory_space<vmem>>, vector<1x128xi32>
      %get3A_155 = arith.index_cast %scan3A_150 : i32 to index
      %get3A_156 = arith.constant 0 : index
      %get3A_157 = vector.load %arg43[%get3A_155, %get3A_156] : memref<50x128xi32, #tpu.memory_space<vmem>>, vector<1x128xi32>
      %slice3A = vector.extract_strided_slice %iota3A_64 {offsets = [0, 0, 0], sizes = [24, 1, 128], strides = [1, 1, 1]} : vector<50x1x128xi32> to vector<24x1x128xi32>
      %broadcast_in_dim3A_158 = vector.shape_cast %get3A_154 : vector<1x128xi32> to vector<1x1x128xi32>
      %eq3A_159 = vector.broadcast %broadcast_in_dim3A_158 : vector<1x1x128xi32> to vector<24x1x128xi32>
      %eq3A_160 = arith.cmpi eq, %slice3A, %eq3A_159 : vector<24x1x128xi32>
      %convert_element_type3A = arith.extui %eq3A_160 : vector<24x1x128xi1> to vector<24x1x128xi32>
      %convert_element_type3A_161 = arith.sitofp %convert_element_type3A : vector<24x1x128xi32> to vector<24x1x128xf32>
      %slice3A_162 = vector.extract_strided_slice %iota3A_64 {offsets = [0, 0, 0], sizes = [24, 1, 128], strides = [1, 1, 1]} : vector<50x1x128xi32> to vector<24x1x128xi32>
      %broadcast_in_dim3A_163 = vector.shape_cast %get3A_157 : vector<1x128xi32> to vector<1x1x128xi32>
      %eq3A_164 = vector.broadcast %broadcast_in_dim3A_163 : vector<1x1x128xi32> to vector<24x1x128xi32>
      %eq3A_165 = arith.cmpi eq, %slice3A_162, %eq3A_164 : vector<24x1x128xi32>
      %convert_element_type3A_166 = arith.extui %eq3A_165 : vector<24x1x128xi1> to vector<24x1x128xi32>
      %convert_element_type3A_167 = arith.sitofp %convert_element_type3A_166 : vector<24x1x128xi32> to vector<24x1x128xf32>
      %get3A_168 = arith.constant 0 : index
      %get3A_169 = arith.constant 0 : index
      %get3A_170 = arith.constant 0 : index
      %get3A_171 = vector.load %arg40[%get3A_168, %get3A_169, %get3A_170] : memref<50x128x128xf32, #tpu.memory_space<vmem>>, vector<24x128x128xf32>
      %mul3A = vector.broadcast %convert_element_type3A_161 : vector<24x1x128xf32> to vector<24x128x128xf32>
      %mul3A_172 = arith.mulf %get3A_171, %mul3A : vector<24x128x128xf32>
      %reduce_sum3A = arith.constant dense<0.000000e+00> : vector<128x128xf32>
      %reduce_sum3A_173 = vector.multi_reduction <add>, %mul3A_172, %reduce_sum3A [0] : vector<24x128x128xf32> to vector<128x128xf32>
      %get3A_174 = arith.constant 0 : index
      %get3A_175 = arith.constant 0 : index
      %get3A_176 = arith.constant 0 : index
      %get3A_177 = vector.load %arg41[%get3A_174, %get3A_175, %get3A_176] : memref<50x128x128xf32, #tpu.memory_space<vmem>>, vector<24x128x128xf32>
      %mul3A_178 = vector.broadcast %convert_element_type3A_167 : vector<24x1x128xf32> to vector<24x128x128xf32>
      %mul3A_179 = arith.mulf %get3A_177, %mul3A_178 : vector<24x128x128xf32>
      %reduce_sum3A_180 = arith.constant dense<0.000000e+00> : vector<128x128xf32>
      %reduce_sum3A_181 = vector.multi_reduction <add>, %mul3A_179, %reduce_sum3A_180 [0] : vector<24x128x128xf32> to vector<128x128xf32>
      %sub3A = vector.broadcast %scan3A_150 : i32 to vector<1x128xi32>
      %sub3A_182 = arith.subi %sub3A, %get3A_154 : vector<1x128xi32>
      %eq3A_183 = vector.broadcast %sub3A_182 : vector<1x128xi32> to vector<56x128xi32>
      %eq3A_184 = arith.cmpi eq, %iota3A_65, %eq3A_183 : vector<56x128xi32>
      %convert_element_type3A_185 = arith.extui %eq3A_184 : vector<56x128xi1> to vector<56x128xi32>
      %convert_element_type3A_186 = arith.sitofp %convert_element_type3A_185 : vector<56x128xi32> to vector<56x128xf32>
      %sub3A_187 = vector.broadcast %scan3A_150 : i32 to vector<1x128xi32>
      %sub3A_188 = arith.subi %sub3A_187, %get3A_157 : vector<1x128xi32>
      %eq3A_189 = vector.broadcast %sub3A_188 : vector<1x128xi32> to vector<56x128xi32>
      %eq3A_190 = arith.cmpi eq, %iota3A_65, %eq3A_189 : vector<56x128xi32>
      %convert_element_type3A_191 = arith.extui %eq3A_190 : vector<56x128xi1> to vector<56x128xi32>
      %convert_element_type3A_192 = arith.sitofp %convert_element_type3A_191 : vector<56x128xi32> to vector<56x128xf32>
      %get3A_193 = arith.constant 0 : index
      %get3A_194 = arith.constant 0 : index
      %get3A_195 = vector.load %arg14[%get3A_193, %get3A_194] : memref<128x128xf32, #tpu.memory_space<vmem>>, vector<128x128xf32>
      %dot_general3A_196 = arith.constant dense<0.000000e+00> : vector<128x128xf32>
      %dot_general3A_197 = tpu.matmul %get3A_195, %reduce_sum3A_173, %dot_general3A_196 {dimension_numbers = #tpu.dot_dimension_numbers<[1], [0], [0], [1], [0, 0, 1, 1], [], []>, transpose_lhs_hint = false} : vector<128x128xf32>, vector<128x128xf32>, vector<128x128xf32> -> vector<128x128xf32>
      %dot_general3A_198 = arith.constant dense<0.000000e+00> : vector<128x128xf32>
      %dot_general3A_199 = tpu.matmul %dot_general3A_38, %convert_element_type3A_186, %dot_general3A_198 {dimension_numbers = #tpu.dot_dimension_numbers<[1], [0], [0], [1], [0, 0, 1, 1], [], []>, transpose_lhs_hint = false} : vector<128x56xf32>, vector<56x128xf32>, vector<128x128xf32> -> vector<128x128xf32>
      %add3A_200 = arith.addf %dot_general3A_197, %dot_general3A_199 : vector<128x128xf32>
      %get3A_201 = arith.constant 0 : index
      %get3A_202 = arith.constant 0 : index
      %get3A_203 = vector.load %arg16[%get3A_201, %get3A_202] : memref<128x1xf32, #tpu.memory_space<vmem>>, vector<128x1xf32>
      %add3A_204 = vector.broadcast %get3A_203 : vector<128x1xf32> to vector<128x128xf32>
      %add3A_205 = arith.addf %add3A_200, %add3A_204 : vector<128x128xf32>
      %logistic3A = arith.negf %add3A_205 : vector<128x128xf32>
      %logistic3A_206 = math.exp %logistic3A : vector<128x128xf32>
      %logistic3A_207 = arith.constant 1.000000e+00 : f32
      %logistic3A_208 = vector.broadcast %logistic3A_207 : f32 to vector<128x128xf32>
      %logistic3A_209 = arith.addf %logistic3A_208, %logistic3A_206 : vector<128x128xf32>
      %logistic3A_210 = arith.divf %logistic3A_208, %logistic3A_209 : vector<128x128xf32>
      %mul3A_211 = arith.mulf %reduce_sum3A_173, %logistic3A_210 : vector<128x128xf32>
      %get3A_212 = arith.constant 0 : index
      %get3A_213 = arith.constant 0 : index
      %get3A_214 = vector.load %arg17[%get3A_212, %get3A_213] : memref<128x128xf32, #tpu.memory_space<vmem>>, vector<128x128xf32>
      %dot_general3A_215 = arith.constant dense<0.000000e+00> : vector<128x128xf32>
      %dot_general3A_216 = tpu.matmul %get3A_214, %reduce_sum3A_181, %dot_general3A_215 {dimension_numbers = #tpu.dot_dimension_numbers<[1], [0], [0], [1], [0, 0, 1, 1], [], []>, transpose_lhs_hint = false} : vector<128x128xf32>, vector<128x128xf32>, vector<128x128xf32> -> vector<128x128xf32>
      %dot_general3A_217 = arith.constant dense<0.000000e+00> : vector<128x128xf32>
      %dot_general3A_218 = tpu.matmul %dot_general3A_46, %convert_element_type3A_192, %dot_general3A_217 {dimension_numbers = #tpu.dot_dimension_numbers<[1], [0], [0], [1], [0, 0, 1, 1], [], []>, transpose_lhs_hint = false} : vector<128x56xf32>, vector<56x128xf32>, vector<128x128xf32> -> vector<128x128xf32>
      %add3A_219 = arith.addf %dot_general3A_216, %dot_general3A_218 : vector<128x128xf32>
      %get3A_220 = arith.constant 0 : index
      %get3A_221 = arith.constant 0 : index
      %get3A_222 = vector.load %arg19[%get3A_220, %get3A_221] : memref<128x1xf32, #tpu.memory_space<vmem>>, vector<128x1xf32>
      %add3A_223 = vector.broadcast %get3A_222 : vector<128x1xf32> to vector<128x128xf32>
      %add3A_224 = arith.addf %add3A_219, %add3A_223 : vector<128x128xf32>
      %logistic3A_225 = arith.negf %add3A_224 : vector<128x128xf32>
      %logistic3A_226 = math.exp %logistic3A_225 : vector<128x128xf32>
      %logistic3A_227 = arith.constant 1.000000e+00 : f32
      %logistic3A_228 = vector.broadcast %logistic3A_227 : f32 to vector<128x128xf32>
      %logistic3A_229 = arith.addf %logistic3A_228, %logistic3A_226 : vector<128x128xf32>
      %logistic3A_230 = arith.divf %logistic3A_228, %logistic3A_229 : vector<128x128xf32>
      %mul3A_231 = arith.mulf %reduce_sum3A_181, %logistic3A_230 : vector<128x128xf32>
      %get3A_232 = arith.constant 0 : index
      %get3A_233 = arith.constant 0 : index
      %get3A_234 = vector.load %arg20[%get3A_232, %get3A_233] : memref<128x128xf32, #tpu.memory_space<vmem>>, vector<128x128xf32>
      %dot_general3A_235 = arith.constant dense<0.000000e+00> : vector<128x128xf32>
      %dot_general3A_236 = tpu.matmul %get3A_234, %scan3A_151, %dot_general3A_235 {dimension_numbers = #tpu.dot_dimension_numbers<[1], [0], [0], [1], [0, 0, 1, 1], [], []>, transpose_lhs_hint = false} : vector<128x128xf32>, vector<128x128xf32>, vector<128x128xf32> -> vector<128x128xf32>
      %add3A_237 = vector.broadcast %add3A : vector<128x1xf32> to vector<128x128xf32>
      %add3A_238 = arith.addf %dot_general3A_236, %add3A_237 : vector<128x128xf32>
      %logistic3A_239 = arith.negf %add3A_238 : vector<128x128xf32>
      %logistic3A_240 = math.exp %logistic3A_239 : vector<128x128xf32>
      %logistic3A_241 = arith.constant 1.000000e+00 : f32
      %logistic3A_242 = vector.broadcast %logistic3A_241 : f32 to vector<128x128xf32>
      %logistic3A_243 = arith.addf %logistic3A_242, %logistic3A_240 : vector<128x128xf32>
      %logistic3A_244 = arith.divf %logistic3A_242, %logistic3A_243 : vector<128x128xf32>
      %mul3A_245 = arith.mulf %scan3A_151, %logistic3A_244 : vector<128x128xf32>
      %get3A_246 = arith.index_cast %scan3A_150 : i32 to index
      %get3A_247 = arith.constant 0 : index
      %get3A_248 = arith.constant 0 : index
      %get3A_249 = vector.load %arg1[%get3A_246, %get3A_247, %get3A_248] : memref<50x128x128xf32, #tpu.memory_space<vmem>>, vector<1x128x128xf32>
      %squeeze3A = vector.shape_cast %get3A_249 : vector<1x128x128xf32> to vector<128x128xf32>
      %transpose3A = tpu.transpose %squeeze3A, [1, 0] : vector<128x128xf32> -> vector<128x128xf32>
      %get3A_250 = arith.index_cast %scan3A_150 : i32 to index
      %get3A_251 = arith.constant 0 : index
      %get3A_252 = arith.constant 0 : index
      %get3A_253 = vector.load %arg2[%get3A_250, %get3A_251, %get3A_252] : memref<50x128x128xf32, #tpu.memory_space<vmem>>, vector<1x128x128xf32>
      %squeeze3A_254 = vector.shape_cast %get3A_253 : vector<1x128x128xf32> to vector<128x128xf32>
      %transpose3A_255 = tpu.transpose %squeeze3A_254, [1, 0] : vector<128x128xf32> -> vector<128x128xf32>
      %get3A_256 = arith.index_cast %scan3A_150 : i32 to index
      %get3A_257 = arith.constant 0 : index
      %get3A_258 = arith.constant 0 : index
      %get3A_259 = vector.load %arg3[%get3A_256, %get3A_257, %get3A_258] : memref<50x128x128xf32, #tpu.memory_space<vmem>>, vector<1x128x128xf32>
      %squeeze3A_260 = vector.shape_cast %get3A_259 : vector<1x128x128xf32> to vector<128x128xf32>
      %transpose3A_261 = tpu.transpose %squeeze3A_260, [1, 0] : vector<128x128xf32> -> vector<128x128xf32>
      %get3A_262 = arith.index_cast %scan3A_150 : i32 to index
      %get3A_263 = arith.constant 0 : index
      %get3A_264 = arith.constant 0 : index
      %get3A_265 = vector.load %arg4[%get3A_262, %get3A_263, %get3A_264] : memref<50x128x128xf32, #tpu.memory_space<vmem>>, vector<1x128x128xf32>
      %squeeze3A_266 = vector.shape_cast %get3A_265 : vector<1x128x128xf32> to vector<128x128xf32>
      %transpose3A_267 = tpu.transpose %squeeze3A_266, [1, 0] : vector<128x128xf32> -> vector<128x128xf32>
      %get3A_268 = arith.constant 0 : index
      %get3A_269 = arith.index_cast %scan3A_150 : i32 to index
      %get3A_270 = arith.constant 0 : index
      %get3A_271 = vector.load %arg5[%get3A_268, %get3A_269, %get3A_270] : memref<1x50x128xi32, #tpu.memory_space<vmem>>, vector<1x1x128xi32>
      %squeeze3A_272 = vector.shape_cast %get3A_271 : vector<1x1x128xi32> to vector<1x128xi32>
      %eq3A_273 = vector.broadcast %squeeze3A_272 : vector<1x128xi32> to vector<128x128xi32>
      %eq3A_274 = arith.cmpi eq, %iota3A_66, %eq3A_273 : vector<128x128xi32>
      %jit3A_275 = arith.constant 0.000000e+00 : f32
      %broadcast_in_dim3A_276 = vector.broadcast %jit3A_275 : f32 to vector<128x128xf32>
      %select_n3A_277 = arith.select %eq3A_274, %transpose3A_267, %broadcast_in_dim3A_276 : vector<128x128xi1>, vector<128x128xf32>
      %reduce_sum3A_278 = arith.constant dense<0.000000e+00> : vector<128xf32>
      %reduce_sum3A_279 = vector.multi_reduction <add>, %select_n3A_277, %reduce_sum3A_278 [0] : vector<128x128xf32> to vector<128xf32>
      %broadcast_in_dim3A_280 = vector.shape_cast %reduce_sum3A_279 : vector<128xf32> to vector<1x128xf32>
      %get3A_281 = arith.constant 0 : index
      %get3A_282 = arith.index_cast %scan3A_150 : i32 to index
      %get3A_283 = arith.constant 0 : index
      %get3A_284 = vector.load %arg6[%get3A_281, %get3A_282, %get3A_283] : memref<1x50x128xf32, #tpu.memory_space<vmem>>, vector<1x1x128xf32>
      %squeeze3A_285 = vector.shape_cast %get3A_284 : vector<1x1x128xf32> to vector<1x128xf32>
      %add3A_286 = arith.addf %transpose3A, %transpose3A_255 : vector<128x128xf32>
      %mul3A_287 = vector.broadcast %broadcast_in_dim3A_280 : vector<1x128xf32> to vector<128x128xf32>
      %mul3A_288 = arith.mulf %mul3A_287, %transpose3A_261 : vector<128x128xf32>
      %add3A_289 = arith.addf %add3A_286, %mul3A_288 : vector<128x128xf32>
      %add3A_290 = vector.broadcast %get3A_60 : vector<128x1xf32> to vector<128x128xf32>
      %add3A_291 = arith.addf %add3A_289, %add3A_290 : vector<128x128xf32>
      %sub3A_292 = arith.subf %get3A_63, %get3A_60 : vector<128x1xf32>
      %mul3A_293 = vector.broadcast %squeeze3A_285 : vector<1x128xf32> to vector<128x128xf32>
      %mul3A_294 = vector.broadcast %sub3A_292 : vector<128x1xf32> to vector<128x128xf32>
      %mul3A_295 = arith.mulf %mul3A_293, %mul3A_294 : vector<128x128xf32>
      %add3A_296 = arith.addf %add3A_291, %mul3A_295 : vector<128x128xf32>
      %get3A_297 = arith.constant 0 : index
      %get3A_298 = arith.constant 0 : index
      %get3A_299 = vector.load %arg32[%get3A_297, %get3A_298] : memref<128x128xf32, #tpu.memory_space<vmem>>, vector<128x128xf32>
      %dot_general3A_300 = arith.constant dense<0.000000e+00> : vector<128x128xf32>
      %dot_general3A_301 = tpu.matmul %get3A_299, %mul3A_245, %dot_general3A_300 {dimension_numbers = #tpu.dot_dimension_numbers<[1], [0], [0], [1], [0, 0, 1, 1], [], []>, transpose_lhs_hint = false} : vector<128x128xf32>, vector<128x128xf32>, vector<128x128xf32> -> vector<128x128xf32>
      %get3A_302 = arith.constant 0 : index
      %get3A_303 = arith.constant 0 : index
      %get3A_304 = vector.load %arg33[%get3A_302, %get3A_303] : memref<128x128xf32, #tpu.memory_space<vmem>>, vector<128x128xf32>
      %dot_general3A_305 = arith.constant dense<0.000000e+00> : vector<128x128xf32>
      %dot_general3A_306 = tpu.matmul %get3A_304, %mul3A_211, %dot_general3A_305 {dimension_numbers = #tpu.dot_dimension_numbers<[1], [0], [0], [1], [0, 0, 1, 1], [], []>, transpose_lhs_hint = false} : vector<128x128xf32>, vector<128x128xf32>, vector<128x128xf32> -> vector<128x128xf32>
      %add3A_307 = arith.addf %dot_general3A_301, %dot_general3A_306 : vector<128x128xf32>
      %get3A_308 = arith.constant 0 : index
      %get3A_309 = arith.constant 0 : index
      %get3A_310 = vector.load %arg34[%get3A_308, %get3A_309] : memref<128x128xf32, #tpu.memory_space<vmem>>, vector<128x128xf32>
      %dot_general3A_311 = arith.constant dense<0.000000e+00> : vector<128x128xf32>
      %dot_general3A_312 = tpu.matmul %get3A_310, %mul3A_231, %dot_general3A_311 {dimension_numbers = #tpu.dot_dimension_numbers<[1], [0], [0], [1], [0, 0, 1, 1], [], []>, transpose_lhs_hint = false} : vector<128x128xf32>, vector<128x128xf32>, vector<128x128xf32> -> vector<128x128xf32>
      %add3A_313 = arith.addf %add3A_307, %dot_general3A_312 : vector<128x128xf32>
      %get3A_314 = arith.constant 0 : index
      %get3A_315 = arith.constant 0 : index
      %get3A_316 = vector.load %arg35[%get3A_314, %get3A_315] : memref<128x128xf32, #tpu.memory_space<vmem>>, vector<128x128xf32>
      %dot_general3A_317 = arith.constant dense<0.000000e+00> : vector<128x128xf32>
      %dot_general3A_318 = tpu.matmul %get3A_316, %add3A_289, %dot_general3A_317 {dimension_numbers = #tpu.dot_dimension_numbers<[1], [0], [0], [1], [0, 0, 1, 1], [], []>, transpose_lhs_hint = false} : vector<128x128xf32>, vector<128x128xf32>, vector<128x128xf32> -> vector<128x128xf32>
      %add3A_319 = arith.addf %add3A_313, %dot_general3A_318 : vector<128x128xf32>
      %get3A_320 = arith.constant 0 : index
      %get3A_321 = arith.constant 0 : index
      %get3A_322 = vector.load %arg36[%get3A_320, %get3A_321] : memref<128x1xf32, #tpu.memory_space<vmem>>, vector<128x1xf32>
      %add3A_323 = vector.broadcast %get3A_322 : vector<128x1xf32> to vector<128x128xf32>
      %add3A_324 = arith.addf %add3A_319, %add3A_323 : vector<128x128xf32>
      %max3A = arith.constant 0.000000e+00 : f32
      %max3A_325 = vector.broadcast %max3A : f32 to vector<128x128xf32>
      %max3A_326 = arith.maximumf %add3A_324, %max3A_325 : vector<128x128xf32>
      %get3A_327 = arith.constant 0 : index
      %get3A_328 = arith.constant 0 : index
      %get3A_329 = vector.load %arg37[%get3A_327, %get3A_328] : memref<128x1xf32, #tpu.memory_space<vmem>>, vector<128x1xf32>
      %mul3A_330 = vector.broadcast %get3A_329 : vector<128x1xf32> to vector<128x128xf32>
      %mul3A_331 = arith.mulf %max3A_326, %mul3A_330 : vector<128x128xf32>
      %reduce_sum3A_332 = arith.constant dense<0.000000e+00> : vector<128xf32>
      %reduce_sum3A_333 = vector.multi_reduction <add>, %mul3A_331, %reduce_sum3A_332 [0] : vector<128x128xf32> to vector<128xf32>
      %broadcast_in_dim3A_334 = vector.shape_cast %reduce_sum3A_333 : vector<128xf32> to vector<1x128xf32>
      %get3A_335 = arith.constant 0 : index
      %get3A_336 = arith.constant 0 : index
      %get3A_337 = vector.load %arg38[%get3A_335, %get3A_336] : memref<1x1xf32, #tpu.memory_space<vmem>>, vector<1x1xf32>
      %add3A_338 = vector.broadcast %get3A_337 : vector<1x1xf32> to vector<1x128xf32>
      %add3A_339 = arith.addf %broadcast_in_dim3A_334, %add3A_338 : vector<1x128xf32>
      %logistic3A_340 = arith.negf %add3A_339 : vector<1x128xf32>
      %logistic3A_341 = math.exp %logistic3A_340 : vector<1x128xf32>
      %logistic3A_342 = arith.constant 1.000000e+00 : f32
      %logistic3A_343 = vector.broadcast %logistic3A_342 : f32 to vector<1x128xf32>
      %logistic3A_344 = arith.addf %logistic3A_343, %logistic3A_341 : vector<1x128xf32>
      %logistic3A_345 = arith.divf %logistic3A_343, %logistic3A_344 : vector<1x128xf32>
      %swap3A_346 = arith.index_cast %scan3A_150 : i32 to index
      %swap3A_347 = arith.constant 0 : index
      %swap3A_348 = vector.load %arg44[%swap3A_346, %swap3A_347] : memref<50x128xf32, #tpu.memory_space<vmem>>, vector<1x128xf32>
      tpu.vector_store %arg44[%swap3A_346, %swap3A_347], %logistic3A_345 {strides = array<i32>} : memref<50x128xf32, #tpu.memory_space<vmem>>, vector<1x128xf32>,
      %get3A_349 = arith.constant 0 : index
      %get3A_350 = arith.constant 0 : index
      %get3A_351 = vector.load %arg29[%get3A_349, %get3A_350] : memref<128x128xf32, #tpu.memory_space<vmem>>, vector<128x128xf32>
      %dot_general3A_352 = arith.constant dense<0.000000e+00> : vector<128x128xf32>
      %dot_general3A_353 = tpu.matmul %get3A_351, %mul3A_245, %dot_general3A_352 {dimension_numbers = #tpu.dot_dimension_numbers<[1], [0], [0], [1], [0, 0, 1, 1], [], []>, transpose_lhs_hint = false} : vector<128x128xf32>, vector<128x128xf32>, vector<128x128xf32> -> vector<128x128xf32>
      %get3A_354 = arith.constant 0 : index
      %get3A_355 = arith.constant 0 : index
      %get3A_356 = vector.load %arg30[%get3A_354, %get3A_355] : memref<128x128xf32, #tpu.memory_space<vmem>>, vector<128x128xf32>
      %dot_general3A_357 = arith.constant dense<0.000000e+00> : vector<128x128xf32>
      %dot_general3A_358 = tpu.matmul %get3A_356, %add3A_296, %dot_general3A_357 {dimension_numbers = #tpu.dot_dimension_numbers<[1], [0], [0], [1], [0, 0, 1, 1], [], []>, transpose_lhs_hint = false} : vector<128x128xf32>, vector<128x128xf32>, vector<128x128xf32> -> vector<128x128xf32>
      %add3A_359 = arith.addf %dot_general3A_353, %dot_general3A_358 : vector<128x128xf32>
      %get3A_360 = arith.constant 0 : index
      %get3A_361 = arith.constant 0 : index
      %get3A_362 = vector.load %arg31[%get3A_360, %get3A_361] : memref<128x1xf32, #tpu.memory_space<vmem>>, vector<128x1xf32>
      %add3A_363 = vector.broadcast %get3A_362 : vector<128x1xf32> to vector<128x128xf32>
      %add3A_364 = arith.addf %add3A_359, %add3A_363 : vector<128x128xf32>
      %tanh3A = math.tanh %add3A_364 : vector<128x128xf32>
      %add3A_365 = arith.addf %mul3A_245, %tanh3A : vector<128x128xf32>
      %get3A_366 = arith.constant 0 : index
      %get3A_367 = arith.constant 0 : index
      %get3A_368 = vector.load %arg23[%get3A_366, %get3A_367] : memref<128x128xf32, #tpu.memory_space<vmem>>, vector<128x128xf32>
      %dot_general3A_369 = arith.constant dense<0.000000e+00> : vector<128x128xf32>
      %dot_general3A_370 = tpu.matmul %get3A_368, %mul3A_211, %dot_general3A_369 {dimension_numbers = #tpu.dot_dimension_numbers<[1], [0], [0], [1], [0, 0, 1, 1], [], []>, transpose_lhs_hint = false} : vector<128x128xf32>, vector<128x128xf32>, vector<128x128xf32> -> vector<128x128xf32>
      %get3A_371 = arith.constant 0 : index
      %get3A_372 = arith.constant 0 : index
      %get3A_373 = vector.load %arg24[%get3A_371, %get3A_372] : memref<128x128xf32, #tpu.memory_space<vmem>>, vector<128x128xf32>
      %dot_general3A_374 = arith.constant dense<0.000000e+00> : vector<128x128xf32>
      %dot_general3A_375 = tpu.matmul %get3A_373, %add3A_296, %dot_general3A_374 {dimension_numbers = #tpu.dot_dimension_numbers<[1], [0], [0], [1], [0, 0, 1, 1], [], []>, transpose_lhs_hint = false} : vector<128x128xf32>, vector<128x128xf32>, vector<128x128xf32> -> vector<128x128xf32>
      %add3A_376 = arith.addf %dot_general3A_370, %dot_general3A_375 : vector<128x128xf32>
      %get3A_377 = arith.constant 0 : index
      %get3A_378 = arith.constant 0 : index
      %get3A_379 = vector.load %arg25[%get3A_377, %get3A_378] : memref<128x1xf32, #tpu.memory_space<vmem>>, vector<128x1xf32>
      %add3A_380 = vector.broadcast %get3A_379 : vector<128x1xf32> to vector<128x128xf32>
      %add3A_381 = arith.addf %add3A_376, %add3A_380 : vector<128x128xf32>
      %tanh3A_382 = math.tanh %add3A_381 : vector<128x128xf32>
      %add3A_383 = arith.addf %mul3A_211, %tanh3A_382 : vector<128x128xf32>
      %get3A_384 = arith.constant 0 : index
      %get3A_385 = arith.constant 0 : index
      %get3A_386 = vector.load %arg26[%get3A_384, %get3A_385] : memref<128x128xf32, #tpu.memory_space<vmem>>, vector<128x128xf32>
      %dot_general3A_387 = arith.constant dense<0.000000e+00> : vector<128x128xf32>
      %dot_general3A_388 = tpu.matmul %get3A_386, %mul3A_231, %dot_general3A_387 {dimension_numbers = #tpu.dot_dimension_numbers<[1], [0], [0], [1], [0, 0, 1, 1], [], []>, transpose_lhs_hint = false} : vector<128x128xf32>, vector<128x128xf32>, vector<128x128xf32> -> vector<128x128xf32>
      %get3A_389 = arith.constant 0 : index
      %get3A_390 = arith.constant 0 : index
      %get3A_391 = vector.load %arg27[%get3A_389, %get3A_390] : memref<128x128xf32, #tpu.memory_space<vmem>>, vector<128x128xf32>
      %dot_general3A_392 = arith.constant dense<0.000000e+00> : vector<128x128xf32>
      %dot_general3A_393 = tpu.matmul %get3A_391, %add3A_296, %dot_general3A_392 {dimension_numbers = #tpu.dot_dimension_numbers<[1], [0], [0], [1], [0, 0, 1, 1], [], []>, transpose_lhs_hint = false} : vector<128x128xf32>, vector<128x128xf32>, vector<128x128xf32> -> vector<128x128xf32>
      %add3A_394 = arith.addf %dot_general3A_388, %dot_general3A_393 : vector<128x128xf32>
      %get3A_395 = arith.constant 0 : index
      %get3A_396 = arith.constant 0 : index
      %get3A_397 = vector.load %arg28[%get3A_395, %get3A_396] : memref<128x1xf32, #tpu.memory_space<vmem>>, vector<128x1xf32>
      %add3A_398 = vector.broadcast %get3A_397 : vector<128x1xf32> to vector<128x128xf32>
      %add3A_399 = arith.addf %add3A_394, %add3A_398 : vector<128x128xf32>
      %tanh3A_400 = math.tanh %add3A_399 : vector<128x128xf32>
      %add3A_401 = arith.addf %mul3A_231, %tanh3A_400 : vector<128x128xf32>
      %broadcast_in_dim3A_402 = vector.shape_cast %add3A_383 : vector<128x128xf32> to vector<1x128x128xf32>
      %swap3A_403 = arith.index_cast %scan3A_150 : i32 to index
      %swap3A_404 = arith.constant 0 : index
      %swap3A_405 = arith.constant 0 : index
      %swap3A_406 = vector.load %arg40[%swap3A_403, %swap3A_404, %swap3A_405] : memref<50x128x128xf32, #tpu.memory_space<vmem>>, vector<1x128x128xf32>
      tpu.vector_store %arg40[%swap3A_403, %swap3A_404, %swap3A_405], %broadcast_in_dim3A_402 {strides = array<i32>} : memref<50x128x128xf32, #tpu.memory_space<vmem>>, vector<1x128x128xf32>,
      %broadcast_in_dim3A_407 = vector.shape_cast %add3A_401 : vector<128x128xf32> to vector<1x128x128xf32>
      %swap3A_408 = arith.index_cast %scan3A_150 : i32 to index
      %swap3A_409 = arith.constant 0 : index
      %swap3A_410 = arith.constant 0 : index
      %swap3A_411 = vector.load %arg41[%swap3A_408, %swap3A_409, %swap3A_410] : memref<50x128x128xf32, #tpu.memory_space<vmem>>, vector<1x128x128xf32>
      tpu.vector_store %arg41[%swap3A_408, %swap3A_409, %swap3A_410], %broadcast_in_dim3A_407 {strides = array<i32>} : memref<50x128x128xf32, #tpu.memory_space<vmem>>, vector<1x128x128xf32>,
      scf.yield %add3A_365 : vector<128x128xf32>
    }
    %scan3A_122 = arith.constant 8 : i32
    %scan3A_123 = arith.constant 24 : i32
    %scan3A_124 = arith.constant 8 : i32
    %scan3A_125 = arith.addi %scan3A_123, %scan3A_124 : i32
    %scan3A_126 = arith.constant 1 : i32
    %scan3A_127 = scf.for %scan3A_150 = %scan3A_123 to %scan3A_125 step %scan3A_126 iter_args(%scan3A_151 = %scan3A_121) -> (vector<128x128xf32>)  : i32 {
      %get3A_152 = arith.index_cast %scan3A_150 : i32 to index
      %get3A_153 = arith.constant 0 : index
      %get3A_154 = vector.load %arg42[%get3A_152, %get3A_153] : memref<50x128xi32, #tpu.memory_space<vmem>>, vector<1x128xi32>
      %get3A_155 = arith.index_cast %scan3A_150 : i32 to index
      %get3A_156 = arith.constant 0 : index
      %get3A_157 = vector.load %arg43[%get3A_155, %get3A_156] : memref<50x128xi32, #tpu.memory_space<vmem>>, vector<1x128xi32>
      %slice3A = vector.extract_strided_slice %iota3A_64 {offsets = [0, 0, 0], sizes = [32, 1, 128], strides = [1, 1, 1]} : vector<50x1x128xi32> to vector<32x1x128xi32>
      %broadcast_in_dim3A_158 = vector.shape_cast %get3A_154 : vector<1x128xi32> to vector<1x1x128xi32>
      %eq3A_159 = vector.broadcast %broadcast_in_dim3A_158 : vector<1x1x128xi32> to vector<32x1x128xi32>
      %eq3A_160 = arith.cmpi eq, %slice3A, %eq3A_159 : vector<32x1x128xi32>
      %convert_element_type3A = arith.extui %eq3A_160 : vector<32x1x128xi1> to vector<32x1x128xi32>
      %convert_element_type3A_161 = arith.sitofp %convert_element_type3A : vector<32x1x128xi32> to vector<32x1x128xf32>
      %slice3A_162 = vector.extract_strided_slice %iota3A_64 {offsets = [0, 0, 0], sizes = [32, 1, 128], strides = [1, 1, 1]} : vector<50x1x128xi32> to vector<32x1x128xi32>
      %broadcast_in_dim3A_163 = vector.shape_cast %get3A_157 : vector<1x128xi32> to vector<1x1x128xi32>
      %eq3A_164 = vector.broadcast %broadcast_in_dim3A_163 : vector<1x1x128xi32> to vector<32x1x128xi32>
      %eq3A_165 = arith.cmpi eq, %slice3A_162, %eq3A_164 : vector<32x1x128xi32>
      %convert_element_type3A_166 = arith.extui %eq3A_165 : vector<32x1x128xi1> to vector<32x1x128xi32>
      %convert_element_type3A_167 = arith.sitofp %convert_element_type3A_166 : vector<32x1x128xi32> to vector<32x1x128xf32>
      %get3A_168 = arith.constant 0 : index
      %get3A_169 = arith.constant 0 : index
      %get3A_170 = arith.constant 0 : index
      %get3A_171 = vector.load %arg40[%get3A_168, %get3A_169, %get3A_170] : memref<50x128x128xf32, #tpu.memory_space<vmem>>, vector<32x128x128xf32>
      %mul3A = vector.broadcast %convert_element_type3A_161 : vector<32x1x128xf32> to vector<32x128x128xf32>
      %mul3A_172 = arith.mulf %get3A_171, %mul3A : vector<32x128x128xf32>
      %reduce_sum3A = arith.constant dense<0.000000e+00> : vector<128x128xf32>
      %reduce_sum3A_173 = vector.multi_reduction <add>, %mul3A_172, %reduce_sum3A [0] : vector<32x128x128xf32> to vector<128x128xf32>
      %get3A_174 = arith.constant 0 : index
      %get3A_175 = arith.constant 0 : index
      %get3A_176 = arith.constant 0 : index
      %get3A_177 = vector.load %arg41[%get3A_174, %get3A_175, %get3A_176] : memref<50x128x128xf32, #tpu.memory_space<vmem>>, vector<32x128x128xf32>
      %mul3A_178 = vector.broadcast %convert_element_type3A_167 : vector<32x1x128xf32> to vector<32x128x128xf32>
      %mul3A_179 = arith.mulf %get3A_177, %mul3A_178 : vector<32x128x128xf32>
      %reduce_sum3A_180 = arith.constant dense<0.000000e+00> : vector<128x128xf32>
      %reduce_sum3A_181 = vector.multi_reduction <add>, %mul3A_179, %reduce_sum3A_180 [0] : vector<32x128x128xf32> to vector<128x128xf32>
      %sub3A = vector.broadcast %scan3A_150 : i32 to vector<1x128xi32>
      %sub3A_182 = arith.subi %sub3A, %get3A_154 : vector<1x128xi32>
      %eq3A_183 = vector.broadcast %sub3A_182 : vector<1x128xi32> to vector<56x128xi32>
      %eq3A_184 = arith.cmpi eq, %iota3A_65, %eq3A_183 : vector<56x128xi32>
      %convert_element_type3A_185 = arith.extui %eq3A_184 : vector<56x128xi1> to vector<56x128xi32>
      %convert_element_type3A_186 = arith.sitofp %convert_element_type3A_185 : vector<56x128xi32> to vector<56x128xf32>
      %sub3A_187 = vector.broadcast %scan3A_150 : i32 to vector<1x128xi32>
      %sub3A_188 = arith.subi %sub3A_187, %get3A_157 : vector<1x128xi32>
      %eq3A_189 = vector.broadcast %sub3A_188 : vector<1x128xi32> to vector<56x128xi32>
      %eq3A_190 = arith.cmpi eq, %iota3A_65, %eq3A_189 : vector<56x128xi32>
      %convert_element_type3A_191 = arith.extui %eq3A_190 : vector<56x128xi1> to vector<56x128xi32>
      %convert_element_type3A_192 = arith.sitofp %convert_element_type3A_191 : vector<56x128xi32> to vector<56x128xf32>
      %get3A_193 = arith.constant 0 : index
      %get3A_194 = arith.constant 0 : index
      %get3A_195 = vector.load %arg14[%get3A_193, %get3A_194] : memref<128x128xf32, #tpu.memory_space<vmem>>, vector<128x128xf32>
      %dot_general3A_196 = arith.constant dense<0.000000e+00> : vector<128x128xf32>
      %dot_general3A_197 = tpu.matmul %get3A_195, %reduce_sum3A_173, %dot_general3A_196 {dimension_numbers = #tpu.dot_dimension_numbers<[1], [0], [0], [1], [0, 0, 1, 1], [], []>, transpose_lhs_hint = false} : vector<128x128xf32>, vector<128x128xf32>, vector<128x128xf32> -> vector<128x128xf32>
      %dot_general3A_198 = arith.constant dense<0.000000e+00> : vector<128x128xf32>
      %dot_general3A_199 = tpu.matmul %dot_general3A_38, %convert_element_type3A_186, %dot_general3A_198 {dimension_numbers = #tpu.dot_dimension_numbers<[1], [0], [0], [1], [0, 0, 1, 1], [], []>, transpose_lhs_hint = false} : vector<128x56xf32>, vector<56x128xf32>, vector<128x128xf32> -> vector<128x128xf32>
      %add3A_200 = arith.addf %dot_general3A_197, %dot_general3A_199 : vector<128x128xf32>
      %get3A_201 = arith.constant 0 : index
      %get3A_202 = arith.constant 0 : index
      %get3A_203 = vector.load %arg16[%get3A_201, %get3A_202] : memref<128x1xf32, #tpu.memory_space<vmem>>, vector<128x1xf32>
      %add3A_204 = vector.broadcast %get3A_203 : vector<128x1xf32> to vector<128x128xf32>
      %add3A_205 = arith.addf %add3A_200, %add3A_204 : vector<128x128xf32>
      %logistic3A = arith.negf %add3A_205 : vector<128x128xf32>
      %logistic3A_206 = math.exp %logistic3A : vector<128x128xf32>
      %logistic3A_207 = arith.constant 1.000000e+00 : f32
      %logistic3A_208 = vector.broadcast %logistic3A_207 : f32 to vector<128x128xf32>
      %logistic3A_209 = arith.addf %logistic3A_208, %logistic3A_206 : vector<128x128xf32>
      %logistic3A_210 = arith.divf %logistic3A_208, %logistic3A_209 : vector<128x128xf32>
      %mul3A_211 = arith.mulf %reduce_sum3A_173, %logistic3A_210 : vector<128x128xf32>
      %get3A_212 = arith.constant 0 : index
      %get3A_213 = arith.constant 0 : index
      %get3A_214 = vector.load %arg17[%get3A_212, %get3A_213] : memref<128x128xf32, #tpu.memory_space<vmem>>, vector<128x128xf32>
      %dot_general3A_215 = arith.constant dense<0.000000e+00> : vector<128x128xf32>
      %dot_general3A_216 = tpu.matmul %get3A_214, %reduce_sum3A_181, %dot_general3A_215 {dimension_numbers = #tpu.dot_dimension_numbers<[1], [0], [0], [1], [0, 0, 1, 1], [], []>, transpose_lhs_hint = false} : vector<128x128xf32>, vector<128x128xf32>, vector<128x128xf32> -> vector<128x128xf32>
      %dot_general3A_217 = arith.constant dense<0.000000e+00> : vector<128x128xf32>
      %dot_general3A_218 = tpu.matmul %dot_general3A_46, %convert_element_type3A_192, %dot_general3A_217 {dimension_numbers = #tpu.dot_dimension_numbers<[1], [0], [0], [1], [0, 0, 1, 1], [], []>, transpose_lhs_hint = false} : vector<128x56xf32>, vector<56x128xf32>, vector<128x128xf32> -> vector<128x128xf32>
      %add3A_219 = arith.addf %dot_general3A_216, %dot_general3A_218 : vector<128x128xf32>
      %get3A_220 = arith.constant 0 : index
      %get3A_221 = arith.constant 0 : index
      %get3A_222 = vector.load %arg19[%get3A_220, %get3A_221] : memref<128x1xf32, #tpu.memory_space<vmem>>, vector<128x1xf32>
      %add3A_223 = vector.broadcast %get3A_222 : vector<128x1xf32> to vector<128x128xf32>
      %add3A_224 = arith.addf %add3A_219, %add3A_223 : vector<128x128xf32>
      %logistic3A_225 = arith.negf %add3A_224 : vector<128x128xf32>
      %logistic3A_226 = math.exp %logistic3A_225 : vector<128x128xf32>
      %logistic3A_227 = arith.constant 1.000000e+00 : f32
      %logistic3A_228 = vector.broadcast %logistic3A_227 : f32 to vector<128x128xf32>
      %logistic3A_229 = arith.addf %logistic3A_228, %logistic3A_226 : vector<128x128xf32>
      %logistic3A_230 = arith.divf %logistic3A_228, %logistic3A_229 : vector<128x128xf32>
      %mul3A_231 = arith.mulf %reduce_sum3A_181, %logistic3A_230 : vector<128x128xf32>
      %get3A_232 = arith.constant 0 : index
      %get3A_233 = arith.constant 0 : index
      %get3A_234 = vector.load %arg20[%get3A_232, %get3A_233] : memref<128x128xf32, #tpu.memory_space<vmem>>, vector<128x128xf32>
      %dot_general3A_235 = arith.constant dense<0.000000e+00> : vector<128x128xf32>
      %dot_general3A_236 = tpu.matmul %get3A_234, %scan3A_151, %dot_general3A_235 {dimension_numbers = #tpu.dot_dimension_numbers<[1], [0], [0], [1], [0, 0, 1, 1], [], []>, transpose_lhs_hint = false} : vector<128x128xf32>, vector<128x128xf32>, vector<128x128xf32> -> vector<128x128xf32>
      %add3A_237 = vector.broadcast %add3A : vector<128x1xf32> to vector<128x128xf32>
      %add3A_238 = arith.addf %dot_general3A_236, %add3A_237 : vector<128x128xf32>
      %logistic3A_239 = arith.negf %add3A_238 : vector<128x128xf32>
      %logistic3A_240 = math.exp %logistic3A_239 : vector<128x128xf32>
      %logistic3A_241 = arith.constant 1.000000e+00 : f32
      %logistic3A_242 = vector.broadcast %logistic3A_241 : f32 to vector<128x128xf32>
      %logistic3A_243 = arith.addf %logistic3A_242, %logistic3A_240 : vector<128x128xf32>
      %logistic3A_244 = arith.divf %logistic3A_242, %logistic3A_243 : vector<128x128xf32>
      %mul3A_245 = arith.mulf %scan3A_151, %logistic3A_244 : vector<128x128xf32>
      %get3A_246 = arith.index_cast %scan3A_150 : i32 to index
      %get3A_247 = arith.constant 0 : index
      %get3A_248 = arith.constant 0 : index
      %get3A_249 = vector.load %arg1[%get3A_246, %get3A_247, %get3A_248] : memref<50x128x128xf32, #tpu.memory_space<vmem>>, vector<1x128x128xf32>
      %squeeze3A = vector.shape_cast %get3A_249 : vector<1x128x128xf32> to vector<128x128xf32>
      %transpose3A = tpu.transpose %squeeze3A, [1, 0] : vector<128x128xf32> -> vector<128x128xf32>
      %get3A_250 = arith.index_cast %scan3A_150 : i32 to index
      %get3A_251 = arith.constant 0 : index
      %get3A_252 = arith.constant 0 : index
      %get3A_253 = vector.load %arg2[%get3A_250, %get3A_251, %get3A_252] : memref<50x128x128xf32, #tpu.memory_space<vmem>>, vector<1x128x128xf32>
      %squeeze3A_254 = vector.shape_cast %get3A_253 : vector<1x128x128xf32> to vector<128x128xf32>
      %transpose3A_255 = tpu.transpose %squeeze3A_254, [1, 0] : vector<128x128xf32> -> vector<128x128xf32>
      %get3A_256 = arith.index_cast %scan3A_150 : i32 to index
      %get3A_257 = arith.constant 0 : index
      %get3A_258 = arith.constant 0 : index
      %get3A_259 = vector.load %arg3[%get3A_256, %get3A_257, %get3A_258] : memref<50x128x128xf32, #tpu.memory_space<vmem>>, vector<1x128x128xf32>
      %squeeze3A_260 = vector.shape_cast %get3A_259 : vector<1x128x128xf32> to vector<128x128xf32>
      %transpose3A_261 = tpu.transpose %squeeze3A_260, [1, 0] : vector<128x128xf32> -> vector<128x128xf32>
      %get3A_262 = arith.index_cast %scan3A_150 : i32 to index
      %get3A_263 = arith.constant 0 : index
      %get3A_264 = arith.constant 0 : index
      %get3A_265 = vector.load %arg4[%get3A_262, %get3A_263, %get3A_264] : memref<50x128x128xf32, #tpu.memory_space<vmem>>, vector<1x128x128xf32>
      %squeeze3A_266 = vector.shape_cast %get3A_265 : vector<1x128x128xf32> to vector<128x128xf32>
      %transpose3A_267 = tpu.transpose %squeeze3A_266, [1, 0] : vector<128x128xf32> -> vector<128x128xf32>
      %get3A_268 = arith.constant 0 : index
      %get3A_269 = arith.index_cast %scan3A_150 : i32 to index
      %get3A_270 = arith.constant 0 : index
      %get3A_271 = vector.load %arg5[%get3A_268, %get3A_269, %get3A_270] : memref<1x50x128xi32, #tpu.memory_space<vmem>>, vector<1x1x128xi32>
      %squeeze3A_272 = vector.shape_cast %get3A_271 : vector<1x1x128xi32> to vector<1x128xi32>
      %eq3A_273 = vector.broadcast %squeeze3A_272 : vector<1x128xi32> to vector<128x128xi32>
      %eq3A_274 = arith.cmpi eq, %iota3A_66, %eq3A_273 : vector<128x128xi32>
      %jit3A_275 = arith.constant 0.000000e+00 : f32
      %broadcast_in_dim3A_276 = vector.broadcast %jit3A_275 : f32 to vector<128x128xf32>
      %select_n3A_277 = arith.select %eq3A_274, %transpose3A_267, %broadcast_in_dim3A_276 : vector<128x128xi1>, vector<128x128xf32>
      %reduce_sum3A_278 = arith.constant dense<0.000000e+00> : vector<128xf32>
      %reduce_sum3A_279 = vector.multi_reduction <add>, %select_n3A_277, %reduce_sum3A_278 [0] : vector<128x128xf32> to vector<128xf32>
      %broadcast_in_dim3A_280 = vector.shape_cast %reduce_sum3A_279 : vector<128xf32> to vector<1x128xf32>
      %get3A_281 = arith.constant 0 : index
      %get3A_282 = arith.index_cast %scan3A_150 : i32 to index
      %get3A_283 = arith.constant 0 : index
      %get3A_284 = vector.load %arg6[%get3A_281, %get3A_282, %get3A_283] : memref<1x50x128xf32, #tpu.memory_space<vmem>>, vector<1x1x128xf32>
      %squeeze3A_285 = vector.shape_cast %get3A_284 : vector<1x1x128xf32> to vector<1x128xf32>
      %add3A_286 = arith.addf %transpose3A, %transpose3A_255 : vector<128x128xf32>
      %mul3A_287 = vector.broadcast %broadcast_in_dim3A_280 : vector<1x128xf32> to vector<128x128xf32>
      %mul3A_288 = arith.mulf %mul3A_287, %transpose3A_261 : vector<128x128xf32>
      %add3A_289 = arith.addf %add3A_286, %mul3A_288 : vector<128x128xf32>
      %add3A_290 = vector.broadcast %get3A_60 : vector<128x1xf32> to vector<128x128xf32>
      %add3A_291 = arith.addf %add3A_289, %add3A_290 : vector<128x128xf32>
      %sub3A_292 = arith.subf %get3A_63, %get3A_60 : vector<128x1xf32>
      %mul3A_293 = vector.broadcast %squeeze3A_285 : vector<1x128xf32> to vector<128x128xf32>
      %mul3A_294 = vector.broadcast %sub3A_292 : vector<128x1xf32> to vector<128x128xf32>
      %mul3A_295 = arith.mulf %mul3A_293, %mul3A_294 : vector<128x128xf32>
      %add3A_296 = arith.addf %add3A_291, %mul3A_295 : vector<128x128xf32>
      %get3A_297 = arith.constant 0 : index
      %get3A_298 = arith.constant 0 : index
      %get3A_299 = vector.load %arg32[%get3A_297, %get3A_298] : memref<128x128xf32, #tpu.memory_space<vmem>>, vector<128x128xf32>
      %dot_general3A_300 = arith.constant dense<0.000000e+00> : vector<128x128xf32>
      %dot_general3A_301 = tpu.matmul %get3A_299, %mul3A_245, %dot_general3A_300 {dimension_numbers = #tpu.dot_dimension_numbers<[1], [0], [0], [1], [0, 0, 1, 1], [], []>, transpose_lhs_hint = false} : vector<128x128xf32>, vector<128x128xf32>, vector<128x128xf32> -> vector<128x128xf32>
      %get3A_302 = arith.constant 0 : index
      %get3A_303 = arith.constant 0 : index
      %get3A_304 = vector.load %arg33[%get3A_302, %get3A_303] : memref<128x128xf32, #tpu.memory_space<vmem>>, vector<128x128xf32>
      %dot_general3A_305 = arith.constant dense<0.000000e+00> : vector<128x128xf32>
      %dot_general3A_306 = tpu.matmul %get3A_304, %mul3A_211, %dot_general3A_305 {dimension_numbers = #tpu.dot_dimension_numbers<[1], [0], [0], [1], [0, 0, 1, 1], [], []>, transpose_lhs_hint = false} : vector<128x128xf32>, vector<128x128xf32>, vector<128x128xf32> -> vector<128x128xf32>
      %add3A_307 = arith.addf %dot_general3A_301, %dot_general3A_306 : vector<128x128xf32>
      %get3A_308 = arith.constant 0 : index
      %get3A_309 = arith.constant 0 : index
      %get3A_310 = vector.load %arg34[%get3A_308, %get3A_309] : memref<128x128xf32, #tpu.memory_space<vmem>>, vector<128x128xf32>
      %dot_general3A_311 = arith.constant dense<0.000000e+00> : vector<128x128xf32>
      %dot_general3A_312 = tpu.matmul %get3A_310, %mul3A_231, %dot_general3A_311 {dimension_numbers = #tpu.dot_dimension_numbers<[1], [0], [0], [1], [0, 0, 1, 1], [], []>, transpose_lhs_hint = false} : vector<128x128xf32>, vector<128x128xf32>, vector<128x128xf32> -> vector<128x128xf32>
      %add3A_313 = arith.addf %add3A_307, %dot_general3A_312 : vector<128x128xf32>
      %get3A_314 = arith.constant 0 : index
      %get3A_315 = arith.constant 0 : index
      %get3A_316 = vector.load %arg35[%get3A_314, %get3A_315] : memref<128x128xf32, #tpu.memory_space<vmem>>, vector<128x128xf32>
      %dot_general3A_317 = arith.constant dense<0.000000e+00> : vector<128x128xf32>
      %dot_general3A_318 = tpu.matmul %get3A_316, %add3A_289, %dot_general3A_317 {dimension_numbers = #tpu.dot_dimension_numbers<[1], [0], [0], [1], [0, 0, 1, 1], [], []>, transpose_lhs_hint = false} : vector<128x128xf32>, vector<128x128xf32>, vector<128x128xf32> -> vector<128x128xf32>
      %add3A_319 = arith.addf %add3A_313, %dot_general3A_318 : vector<128x128xf32>
      %get3A_320 = arith.constant 0 : index
      %get3A_321 = arith.constant 0 : index
      %get3A_322 = vector.load %arg36[%get3A_320, %get3A_321] : memref<128x1xf32, #tpu.memory_space<vmem>>, vector<128x1xf32>
      %add3A_323 = vector.broadcast %get3A_322 : vector<128x1xf32> to vector<128x128xf32>
      %add3A_324 = arith.addf %add3A_319, %add3A_323 : vector<128x128xf32>
      %max3A = arith.constant 0.000000e+00 : f32
      %max3A_325 = vector.broadcast %max3A : f32 to vector<128x128xf32>
      %max3A_326 = arith.maximumf %add3A_324, %max3A_325 : vector<128x128xf32>
      %get3A_327 = arith.constant 0 : index
      %get3A_328 = arith.constant 0 : index
      %get3A_329 = vector.load %arg37[%get3A_327, %get3A_328] : memref<128x1xf32, #tpu.memory_space<vmem>>, vector<128x1xf32>
      %mul3A_330 = vector.broadcast %get3A_329 : vector<128x1xf32> to vector<128x128xf32>
      %mul3A_331 = arith.mulf %max3A_326, %mul3A_330 : vector<128x128xf32>
      %reduce_sum3A_332 = arith.constant dense<0.000000e+00> : vector<128xf32>
      %reduce_sum3A_333 = vector.multi_reduction <add>, %mul3A_331, %reduce_sum3A_332 [0] : vector<128x128xf32> to vector<128xf32>
      %broadcast_in_dim3A_334 = vector.shape_cast %reduce_sum3A_333 : vector<128xf32> to vector<1x128xf32>
      %get3A_335 = arith.constant 0 : index
      %get3A_336 = arith.constant 0 : index
      %get3A_337 = vector.load %arg38[%get3A_335, %get3A_336] : memref<1x1xf32, #tpu.memory_space<vmem>>, vector<1x1xf32>
      %add3A_338 = vector.broadcast %get3A_337 : vector<1x1xf32> to vector<1x128xf32>
      %add3A_339 = arith.addf %broadcast_in_dim3A_334, %add3A_338 : vector<1x128xf32>
      %logistic3A_340 = arith.negf %add3A_339 : vector<1x128xf32>
      %logistic3A_341 = math.exp %logistic3A_340 : vector<1x128xf32>
      %logistic3A_342 = arith.constant 1.000000e+00 : f32
      %logistic3A_343 = vector.broadcast %logistic3A_342 : f32 to vector<1x128xf32>
      %logistic3A_344 = arith.addf %logistic3A_343, %logistic3A_341 : vector<1x128xf32>
      %logistic3A_345 = arith.divf %logistic3A_343, %logistic3A_344 : vector<1x128xf32>
      %swap3A_346 = arith.index_cast %scan3A_150 : i32 to index
      %swap3A_347 = arith.constant 0 : index
      %swap3A_348 = vector.load %arg44[%swap3A_346, %swap3A_347] : memref<50x128xf32, #tpu.memory_space<vmem>>, vector<1x128xf32>
      tpu.vector_store %arg44[%swap3A_346, %swap3A_347], %logistic3A_345 {strides = array<i32>} : memref<50x128xf32, #tpu.memory_space<vmem>>, vector<1x128xf32>,
      %get3A_349 = arith.constant 0 : index
      %get3A_350 = arith.constant 0 : index
      %get3A_351 = vector.load %arg29[%get3A_349, %get3A_350] : memref<128x128xf32, #tpu.memory_space<vmem>>, vector<128x128xf32>
      %dot_general3A_352 = arith.constant dense<0.000000e+00> : vector<128x128xf32>
      %dot_general3A_353 = tpu.matmul %get3A_351, %mul3A_245, %dot_general3A_352 {dimension_numbers = #tpu.dot_dimension_numbers<[1], [0], [0], [1], [0, 0, 1, 1], [], []>, transpose_lhs_hint = false} : vector<128x128xf32>, vector<128x128xf32>, vector<128x128xf32> -> vector<128x128xf32>
      %get3A_354 = arith.constant 0 : index
      %get3A_355 = arith.constant 0 : index
      %get3A_356 = vector.load %arg30[%get3A_354, %get3A_355] : memref<128x128xf32, #tpu.memory_space<vmem>>, vector<128x128xf32>
      %dot_general3A_357 = arith.constant dense<0.000000e+00> : vector<128x128xf32>
      %dot_general3A_358 = tpu.matmul %get3A_356, %add3A_296, %dot_general3A_357 {dimension_numbers = #tpu.dot_dimension_numbers<[1], [0], [0], [1], [0, 0, 1, 1], [], []>, transpose_lhs_hint = false} : vector<128x128xf32>, vector<128x128xf32>, vector<128x128xf32> -> vector<128x128xf32>
      %add3A_359 = arith.addf %dot_general3A_353, %dot_general3A_358 : vector<128x128xf32>
      %get3A_360 = arith.constant 0 : index
      %get3A_361 = arith.constant 0 : index
      %get3A_362 = vector.load %arg31[%get3A_360, %get3A_361] : memref<128x1xf32, #tpu.memory_space<vmem>>, vector<128x1xf32>
      %add3A_363 = vector.broadcast %get3A_362 : vector<128x1xf32> to vector<128x128xf32>
      %add3A_364 = arith.addf %add3A_359, %add3A_363 : vector<128x128xf32>
      %tanh3A = math.tanh %add3A_364 : vector<128x128xf32>
      %add3A_365 = arith.addf %mul3A_245, %tanh3A : vector<128x128xf32>
      %get3A_366 = arith.constant 0 : index
      %get3A_367 = arith.constant 0 : index
      %get3A_368 = vector.load %arg23[%get3A_366, %get3A_367] : memref<128x128xf32, #tpu.memory_space<vmem>>, vector<128x128xf32>
      %dot_general3A_369 = arith.constant dense<0.000000e+00> : vector<128x128xf32>
      %dot_general3A_370 = tpu.matmul %get3A_368, %mul3A_211, %dot_general3A_369 {dimension_numbers = #tpu.dot_dimension_numbers<[1], [0], [0], [1], [0, 0, 1, 1], [], []>, transpose_lhs_hint = false} : vector<128x128xf32>, vector<128x128xf32>, vector<128x128xf32> -> vector<128x128xf32>
      %get3A_371 = arith.constant 0 : index
      %get3A_372 = arith.constant 0 : index
      %get3A_373 = vector.load %arg24[%get3A_371, %get3A_372] : memref<128x128xf32, #tpu.memory_space<vmem>>, vector<128x128xf32>
      %dot_general3A_374 = arith.constant dense<0.000000e+00> : vector<128x128xf32>
      %dot_general3A_375 = tpu.matmul %get3A_373, %add3A_296, %dot_general3A_374 {dimension_numbers = #tpu.dot_dimension_numbers<[1], [0], [0], [1], [0, 0, 1, 1], [], []>, transpose_lhs_hint = false} : vector<128x128xf32>, vector<128x128xf32>, vector<128x128xf32> -> vector<128x128xf32>
      %add3A_376 = arith.addf %dot_general3A_370, %dot_general3A_375 : vector<128x128xf32>
      %get3A_377 = arith.constant 0 : index
      %get3A_378 = arith.constant 0 : index
      %get3A_379 = vector.load %arg25[%get3A_377, %get3A_378] : memref<128x1xf32, #tpu.memory_space<vmem>>, vector<128x1xf32>
      %add3A_380 = vector.broadcast %get3A_379 : vector<128x1xf32> to vector<128x128xf32>
      %add3A_381 = arith.addf %add3A_376, %add3A_380 : vector<128x128xf32>
      %tanh3A_382 = math.tanh %add3A_381 : vector<128x128xf32>
      %add3A_383 = arith.addf %mul3A_211, %tanh3A_382 : vector<128x128xf32>
      %get3A_384 = arith.constant 0 : index
      %get3A_385 = arith.constant 0 : index
      %get3A_386 = vector.load %arg26[%get3A_384, %get3A_385] : memref<128x128xf32, #tpu.memory_space<vmem>>, vector<128x128xf32>
      %dot_general3A_387 = arith.constant dense<0.000000e+00> : vector<128x128xf32>
      %dot_general3A_388 = tpu.matmul %get3A_386, %mul3A_231, %dot_general3A_387 {dimension_numbers = #tpu.dot_dimension_numbers<[1], [0], [0], [1], [0, 0, 1, 1], [], []>, transpose_lhs_hint = false} : vector<128x128xf32>, vector<128x128xf32>, vector<128x128xf32> -> vector<128x128xf32>
      %get3A_389 = arith.constant 0 : index
      %get3A_390 = arith.constant 0 : index
      %get3A_391 = vector.load %arg27[%get3A_389, %get3A_390] : memref<128x128xf32, #tpu.memory_space<vmem>>, vector<128x128xf32>
      %dot_general3A_392 = arith.constant dense<0.000000e+00> : vector<128x128xf32>
      %dot_general3A_393 = tpu.matmul %get3A_391, %add3A_296, %dot_general3A_392 {dimension_numbers = #tpu.dot_dimension_numbers<[1], [0], [0], [1], [0, 0, 1, 1], [], []>, transpose_lhs_hint = false} : vector<128x128xf32>, vector<128x128xf32>, vector<128x128xf32> -> vector<128x128xf32>
      %add3A_394 = arith.addf %dot_general3A_388, %dot_general3A_393 : vector<128x128xf32>
      %get3A_395 = arith.constant 0 : index
      %get3A_396 = arith.constant 0 : index
      %get3A_397 = vector.load %arg28[%get3A_395, %get3A_396] : memref<128x1xf32, #tpu.memory_space<vmem>>, vector<128x1xf32>
      %add3A_398 = vector.broadcast %get3A_397 : vector<128x1xf32> to vector<128x128xf32>
      %add3A_399 = arith.addf %add3A_394, %add3A_398 : vector<128x128xf32>
      %tanh3A_400 = math.tanh %add3A_399 : vector<128x128xf32>
      %add3A_401 = arith.addf %mul3A_231, %tanh3A_400 : vector<128x128xf32>
      %broadcast_in_dim3A_402 = vector.shape_cast %add3A_383 : vector<128x128xf32> to vector<1x128x128xf32>
      %swap3A_403 = arith.index_cast %scan3A_150 : i32 to index
      %swap3A_404 = arith.constant 0 : index
      %swap3A_405 = arith.constant 0 : index
      %swap3A_406 = vector.load %arg40[%swap3A_403, %swap3A_404, %swap3A_405] : memref<50x128x128xf32, #tpu.memory_space<vmem>>, vector<1x128x128xf32>
      tpu.vector_store %arg40[%swap3A_403, %swap3A_404, %swap3A_405], %broadcast_in_dim3A_402 {strides = array<i32>} : memref<50x128x128xf32, #tpu.memory_space<vmem>>, vector<1x128x128xf32>,
      %broadcast_in_dim3A_407 = vector.shape_cast %add3A_401 : vector<128x128xf32> to vector<1x128x128xf32>
      %swap3A_408 = arith.index_cast %scan3A_150 : i32 to index
      %swap3A_409 = arith.constant 0 : index
      %swap3A_410 = arith.constant 0 : index
      %swap3A_411 = vector.load %arg41[%swap3A_408, %swap3A_409, %swap3A_410] : memref<50x128x128xf32, #tpu.memory_space<vmem>>, vector<1x128x128xf32>
      tpu.vector_store %arg41[%swap3A_408, %swap3A_409, %swap3A_410], %broadcast_in_dim3A_407 {strides = array<i32>} : memref<50x128x128xf32, #tpu.memory_space<vmem>>, vector<1x128x128xf32>,
      scf.yield %add3A_365 : vector<128x128xf32>
    }
    %scan3A_128 = arith.constant 8 : i32
    %scan3A_129 = arith.constant 32 : i32
    %scan3A_130 = arith.constant 8 : i32
    %scan3A_131 = arith.addi %scan3A_129, %scan3A_130 : i32
    %scan3A_132 = arith.constant 1 : i32
    %scan3A_133 = scf.for %scan3A_150 = %scan3A_129 to %scan3A_131 step %scan3A_132 iter_args(%scan3A_151 = %scan3A_127) -> (vector<128x128xf32>)  : i32 {
      %get3A_152 = arith.index_cast %scan3A_150 : i32 to index
      %get3A_153 = arith.constant 0 : index
      %get3A_154 = vector.load %arg42[%get3A_152, %get3A_153] : memref<50x128xi32, #tpu.memory_space<vmem>>, vector<1x128xi32>
      %get3A_155 = arith.index_cast %scan3A_150 : i32 to index
      %get3A_156 = arith.constant 0 : index
      %get3A_157 = vector.load %arg43[%get3A_155, %get3A_156] : memref<50x128xi32, #tpu.memory_space<vmem>>, vector<1x128xi32>
      %slice3A = vector.extract_strided_slice %iota3A_64 {offsets = [0, 0, 0], sizes = [40, 1, 128], strides = [1, 1, 1]} : vector<50x1x128xi32> to vector<40x1x128xi32>
      %broadcast_in_dim3A_158 = vector.shape_cast %get3A_154 : vector<1x128xi32> to vector<1x1x128xi32>
      %eq3A_159 = vector.broadcast %broadcast_in_dim3A_158 : vector<1x1x128xi32> to vector<40x1x128xi32>
      %eq3A_160 = arith.cmpi eq, %slice3A, %eq3A_159 : vector<40x1x128xi32>
      %convert_element_type3A = arith.extui %eq3A_160 : vector<40x1x128xi1> to vector<40x1x128xi32>
      %convert_element_type3A_161 = arith.sitofp %convert_element_type3A : vector<40x1x128xi32> to vector<40x1x128xf32>
      %slice3A_162 = vector.extract_strided_slice %iota3A_64 {offsets = [0, 0, 0], sizes = [40, 1, 128], strides = [1, 1, 1]} : vector<50x1x128xi32> to vector<40x1x128xi32>
      %broadcast_in_dim3A_163 = vector.shape_cast %get3A_157 : vector<1x128xi32> to vector<1x1x128xi32>
      %eq3A_164 = vector.broadcast %broadcast_in_dim3A_163 : vector<1x1x128xi32> to vector<40x1x128xi32>
      %eq3A_165 = arith.cmpi eq, %slice3A_162, %eq3A_164 : vector<40x1x128xi32>
      %convert_element_type3A_166 = arith.extui %eq3A_165 : vector<40x1x128xi1> to vector<40x1x128xi32>
      %convert_element_type3A_167 = arith.sitofp %convert_element_type3A_166 : vector<40x1x128xi32> to vector<40x1x128xf32>
      %get3A_168 = arith.constant 0 : index
      %get3A_169 = arith.constant 0 : index
      %get3A_170 = arith.constant 0 : index
      %get3A_171 = vector.load %arg40[%get3A_168, %get3A_169, %get3A_170] : memref<50x128x128xf32, #tpu.memory_space<vmem>>, vector<40x128x128xf32>
      %mul3A = vector.broadcast %convert_element_type3A_161 : vector<40x1x128xf32> to vector<40x128x128xf32>
      %mul3A_172 = arith.mulf %get3A_171, %mul3A : vector<40x128x128xf32>
      %reduce_sum3A = arith.constant dense<0.000000e+00> : vector<128x128xf32>
      %reduce_sum3A_173 = vector.multi_reduction <add>, %mul3A_172, %reduce_sum3A [0] : vector<40x128x128xf32> to vector<128x128xf32>
      %get3A_174 = arith.constant 0 : index
      %get3A_175 = arith.constant 0 : index
      %get3A_176 = arith.constant 0 : index
      %get3A_177 = vector.load %arg41[%get3A_174, %get3A_175, %get3A_176] : memref<50x128x128xf32, #tpu.memory_space<vmem>>, vector<40x128x128xf32>
      %mul3A_178 = vector.broadcast %convert_element_type3A_167 : vector<40x1x128xf32> to vector<40x128x128xf32>
      %mul3A_179 = arith.mulf %get3A_177, %mul3A_178 : vector<40x128x128xf32>
      %reduce_sum3A_180 = arith.constant dense<0.000000e+00> : vector<128x128xf32>
      %reduce_sum3A_181 = vector.multi_reduction <add>, %mul3A_179, %reduce_sum3A_180 [0] : vector<40x128x128xf32> to vector<128x128xf32>
      %sub3A = vector.broadcast %scan3A_150 : i32 to vector<1x128xi32>
      %sub3A_182 = arith.subi %sub3A, %get3A_154 : vector<1x128xi32>
      %eq3A_183 = vector.broadcast %sub3A_182 : vector<1x128xi32> to vector<56x128xi32>
      %eq3A_184 = arith.cmpi eq, %iota3A_65, %eq3A_183 : vector<56x128xi32>
      %convert_element_type3A_185 = arith.extui %eq3A_184 : vector<56x128xi1> to vector<56x128xi32>
      %convert_element_type3A_186 = arith.sitofp %convert_element_type3A_185 : vector<56x128xi32> to vector<56x128xf32>
      %sub3A_187 = vector.broadcast %scan3A_150 : i32 to vector<1x128xi32>
      %sub3A_188 = arith.subi %sub3A_187, %get3A_157 : vector<1x128xi32>
      %eq3A_189 = vector.broadcast %sub3A_188 : vector<1x128xi32> to vector<56x128xi32>
      %eq3A_190 = arith.cmpi eq, %iota3A_65, %eq3A_189 : vector<56x128xi32>
      %convert_element_type3A_191 = arith.extui %eq3A_190 : vector<56x128xi1> to vector<56x128xi32>
      %convert_element_type3A_192 = arith.sitofp %convert_element_type3A_191 : vector<56x128xi32> to vector<56x128xf32>
      %get3A_193 = arith.constant 0 : index
      %get3A_194 = arith.constant 0 : index
      %get3A_195 = vector.load %arg14[%get3A_193, %get3A_194] : memref<128x128xf32, #tpu.memory_space<vmem>>, vector<128x128xf32>
      %dot_general3A_196 = arith.constant dense<0.000000e+00> : vector<128x128xf32>
      %dot_general3A_197 = tpu.matmul %get3A_195, %reduce_sum3A_173, %dot_general3A_196 {dimension_numbers = #tpu.dot_dimension_numbers<[1], [0], [0], [1], [0, 0, 1, 1], [], []>, transpose_lhs_hint = false} : vector<128x128xf32>, vector<128x128xf32>, vector<128x128xf32> -> vector<128x128xf32>
      %dot_general3A_198 = arith.constant dense<0.000000e+00> : vector<128x128xf32>
      %dot_general3A_199 = tpu.matmul %dot_general3A_38, %convert_element_type3A_186, %dot_general3A_198 {dimension_numbers = #tpu.dot_dimension_numbers<[1], [0], [0], [1], [0, 0, 1, 1], [], []>, transpose_lhs_hint = false} : vector<128x56xf32>, vector<56x128xf32>, vector<128x128xf32> -> vector<128x128xf32>
      %add3A_200 = arith.addf %dot_general3A_197, %dot_general3A_199 : vector<128x128xf32>
      %get3A_201 = arith.constant 0 : index
      %get3A_202 = arith.constant 0 : index
      %get3A_203 = vector.load %arg16[%get3A_201, %get3A_202] : memref<128x1xf32, #tpu.memory_space<vmem>>, vector<128x1xf32>
      %add3A_204 = vector.broadcast %get3A_203 : vector<128x1xf32> to vector<128x128xf32>
      %add3A_205 = arith.addf %add3A_200, %add3A_204 : vector<128x128xf32>
      %logistic3A = arith.negf %add3A_205 : vector<128x128xf32>
      %logistic3A_206 = math.exp %logistic3A : vector<128x128xf32>
      %logistic3A_207 = arith.constant 1.000000e+00 : f32
      %logistic3A_208 = vector.broadcast %logistic3A_207 : f32 to vector<128x128xf32>
      %logistic3A_209 = arith.addf %logistic3A_208, %logistic3A_206 : vector<128x128xf32>
      %logistic3A_210 = arith.divf %logistic3A_208, %logistic3A_209 : vector<128x128xf32>
      %mul3A_211 = arith.mulf %reduce_sum3A_173, %logistic3A_210 : vector<128x128xf32>
      %get3A_212 = arith.constant 0 : index
      %get3A_213 = arith.constant 0 : index
      %get3A_214 = vector.load %arg17[%get3A_212, %get3A_213] : memref<128x128xf32, #tpu.memory_space<vmem>>, vector<128x128xf32>
      %dot_general3A_215 = arith.constant dense<0.000000e+00> : vector<128x128xf32>
      %dot_general3A_216 = tpu.matmul %get3A_214, %reduce_sum3A_181, %dot_general3A_215 {dimension_numbers = #tpu.dot_dimension_numbers<[1], [0], [0], [1], [0, 0, 1, 1], [], []>, transpose_lhs_hint = false} : vector<128x128xf32>, vector<128x128xf32>, vector<128x128xf32> -> vector<128x128xf32>
      %dot_general3A_217 = arith.constant dense<0.000000e+00> : vector<128x128xf32>
      %dot_general3A_218 = tpu.matmul %dot_general3A_46, %convert_element_type3A_192, %dot_general3A_217 {dimension_numbers = #tpu.dot_dimension_numbers<[1], [0], [0], [1], [0, 0, 1, 1], [], []>, transpose_lhs_hint = false} : vector<128x56xf32>, vector<56x128xf32>, vector<128x128xf32> -> vector<128x128xf32>
      %add3A_219 = arith.addf %dot_general3A_216, %dot_general3A_218 : vector<128x128xf32>
      %get3A_220 = arith.constant 0 : index
      %get3A_221 = arith.constant 0 : index
      %get3A_222 = vector.load %arg19[%get3A_220, %get3A_221] : memref<128x1xf32, #tpu.memory_space<vmem>>, vector<128x1xf32>
      %add3A_223 = vector.broadcast %get3A_222 : vector<128x1xf32> to vector<128x128xf32>
      %add3A_224 = arith.addf %add3A_219, %add3A_223 : vector<128x128xf32>
      %logistic3A_225 = arith.negf %add3A_224 : vector<128x128xf32>
      %logistic3A_226 = math.exp %logistic3A_225 : vector<128x128xf32>
      %logistic3A_227 = arith.constant 1.000000e+00 : f32
      %logistic3A_228 = vector.broadcast %logistic3A_227 : f32 to vector<128x128xf32>
      %logistic3A_229 = arith.addf %logistic3A_228, %logistic3A_226 : vector<128x128xf32>
      %logistic3A_230 = arith.divf %logistic3A_228, %logistic3A_229 : vector<128x128xf32>
      %mul3A_231 = arith.mulf %reduce_sum3A_181, %logistic3A_230 : vector<128x128xf32>
      %get3A_232 = arith.constant 0 : index
      %get3A_233 = arith.constant 0 : index
      %get3A_234 = vector.load %arg20[%get3A_232, %get3A_233] : memref<128x128xf32, #tpu.memory_space<vmem>>, vector<128x128xf32>
      %dot_general3A_235 = arith.constant dense<0.000000e+00> : vector<128x128xf32>
      %dot_general3A_236 = tpu.matmul %get3A_234, %scan3A_151, %dot_general3A_235 {dimension_numbers = #tpu.dot_dimension_numbers<[1], [0], [0], [1], [0, 0, 1, 1], [], []>, transpose_lhs_hint = false} : vector<128x128xf32>, vector<128x128xf32>, vector<128x128xf32> -> vector<128x128xf32>
      %add3A_237 = vector.broadcast %add3A : vector<128x1xf32> to vector<128x128xf32>
      %add3A_238 = arith.addf %dot_general3A_236, %add3A_237 : vector<128x128xf32>
      %logistic3A_239 = arith.negf %add3A_238 : vector<128x128xf32>
      %logistic3A_240 = math.exp %logistic3A_239 : vector<128x128xf32>
      %logistic3A_241 = arith.constant 1.000000e+00 : f32
      %logistic3A_242 = vector.broadcast %logistic3A_241 : f32 to vector<128x128xf32>
      %logistic3A_243 = arith.addf %logistic3A_242, %logistic3A_240 : vector<128x128xf32>
      %logistic3A_244 = arith.divf %logistic3A_242, %logistic3A_243 : vector<128x128xf32>
      %mul3A_245 = arith.mulf %scan3A_151, %logistic3A_244 : vector<128x128xf32>
      %get3A_246 = arith.index_cast %scan3A_150 : i32 to index
      %get3A_247 = arith.constant 0 : index
      %get3A_248 = arith.constant 0 : index
      %get3A_249 = vector.load %arg1[%get3A_246, %get3A_247, %get3A_248] : memref<50x128x128xf32, #tpu.memory_space<vmem>>, vector<1x128x128xf32>
      %squeeze3A = vector.shape_cast %get3A_249 : vector<1x128x128xf32> to vector<128x128xf32>
      %transpose3A = tpu.transpose %squeeze3A, [1, 0] : vector<128x128xf32> -> vector<128x128xf32>
      %get3A_250 = arith.index_cast %scan3A_150 : i32 to index
      %get3A_251 = arith.constant 0 : index
      %get3A_252 = arith.constant 0 : index
      %get3A_253 = vector.load %arg2[%get3A_250, %get3A_251, %get3A_252] : memref<50x128x128xf32, #tpu.memory_space<vmem>>, vector<1x128x128xf32>
      %squeeze3A_254 = vector.shape_cast %get3A_253 : vector<1x128x128xf32> to vector<128x128xf32>
      %transpose3A_255 = tpu.transpose %squeeze3A_254, [1, 0] : vector<128x128xf32> -> vector<128x128xf32>
      %get3A_256 = arith.index_cast %scan3A_150 : i32 to index
      %get3A_257 = arith.constant 0 : index
      %get3A_258 = arith.constant 0 : index
      %get3A_259 = vector.load %arg3[%get3A_256, %get3A_257, %get3A_258] : memref<50x128x128xf32, #tpu.memory_space<vmem>>, vector<1x128x128xf32>
      %squeeze3A_260 = vector.shape_cast %get3A_259 : vector<1x128x128xf32> to vector<128x128xf32>
      %transpose3A_261 = tpu.transpose %squeeze3A_260, [1, 0] : vector<128x128xf32> -> vector<128x128xf32>
      %get3A_262 = arith.index_cast %scan3A_150 : i32 to index
      %get3A_263 = arith.constant 0 : index
      %get3A_264 = arith.constant 0 : index
      %get3A_265 = vector.load %arg4[%get3A_262, %get3A_263, %get3A_264] : memref<50x128x128xf32, #tpu.memory_space<vmem>>, vector<1x128x128xf32>
      %squeeze3A_266 = vector.shape_cast %get3A_265 : vector<1x128x128xf32> to vector<128x128xf32>
      %transpose3A_267 = tpu.transpose %squeeze3A_266, [1, 0] : vector<128x128xf32> -> vector<128x128xf32>
      %get3A_268 = arith.constant 0 : index
      %get3A_269 = arith.index_cast %scan3A_150 : i32 to index
      %get3A_270 = arith.constant 0 : index
      %get3A_271 = vector.load %arg5[%get3A_268, %get3A_269, %get3A_270] : memref<1x50x128xi32, #tpu.memory_space<vmem>>, vector<1x1x128xi32>
      %squeeze3A_272 = vector.shape_cast %get3A_271 : vector<1x1x128xi32> to vector<1x128xi32>
      %eq3A_273 = vector.broadcast %squeeze3A_272 : vector<1x128xi32> to vector<128x128xi32>
      %eq3A_274 = arith.cmpi eq, %iota3A_66, %eq3A_273 : vector<128x128xi32>
      %jit3A_275 = arith.constant 0.000000e+00 : f32
      %broadcast_in_dim3A_276 = vector.broadcast %jit3A_275 : f32 to vector<128x128xf32>
      %select_n3A_277 = arith.select %eq3A_274, %transpose3A_267, %broadcast_in_dim3A_276 : vector<128x128xi1>, vector<128x128xf32>
      %reduce_sum3A_278 = arith.constant dense<0.000000e+00> : vector<128xf32>
      %reduce_sum3A_279 = vector.multi_reduction <add>, %select_n3A_277, %reduce_sum3A_278 [0] : vector<128x128xf32> to vector<128xf32>
      %broadcast_in_dim3A_280 = vector.shape_cast %reduce_sum3A_279 : vector<128xf32> to vector<1x128xf32>
      %get3A_281 = arith.constant 0 : index
      %get3A_282 = arith.index_cast %scan3A_150 : i32 to index
      %get3A_283 = arith.constant 0 : index
      %get3A_284 = vector.load %arg6[%get3A_281, %get3A_282, %get3A_283] : memref<1x50x128xf32, #tpu.memory_space<vmem>>, vector<1x1x128xf32>
      %squeeze3A_285 = vector.shape_cast %get3A_284 : vector<1x1x128xf32> to vector<1x128xf32>
      %add3A_286 = arith.addf %transpose3A, %transpose3A_255 : vector<128x128xf32>
      %mul3A_287 = vector.broadcast %broadcast_in_dim3A_280 : vector<1x128xf32> to vector<128x128xf32>
      %mul3A_288 = arith.mulf %mul3A_287, %transpose3A_261 : vector<128x128xf32>
      %add3A_289 = arith.addf %add3A_286, %mul3A_288 : vector<128x128xf32>
      %add3A_290 = vector.broadcast %get3A_60 : vector<128x1xf32> to vector<128x128xf32>
      %add3A_291 = arith.addf %add3A_289, %add3A_290 : vector<128x128xf32>
      %sub3A_292 = arith.subf %get3A_63, %get3A_60 : vector<128x1xf32>
      %mul3A_293 = vector.broadcast %squeeze3A_285 : vector<1x128xf32> to vector<128x128xf32>
      %mul3A_294 = vector.broadcast %sub3A_292 : vector<128x1xf32> to vector<128x128xf32>
      %mul3A_295 = arith.mulf %mul3A_293, %mul3A_294 : vector<128x128xf32>
      %add3A_296 = arith.addf %add3A_291, %mul3A_295 : vector<128x128xf32>
      %get3A_297 = arith.constant 0 : index
      %get3A_298 = arith.constant 0 : index
      %get3A_299 = vector.load %arg32[%get3A_297, %get3A_298] : memref<128x128xf32, #tpu.memory_space<vmem>>, vector<128x128xf32>
      %dot_general3A_300 = arith.constant dense<0.000000e+00> : vector<128x128xf32>
      %dot_general3A_301 = tpu.matmul %get3A_299, %mul3A_245, %dot_general3A_300 {dimension_numbers = #tpu.dot_dimension_numbers<[1], [0], [0], [1], [0, 0, 1, 1], [], []>, transpose_lhs_hint = false} : vector<128x128xf32>, vector<128x128xf32>, vector<128x128xf32> -> vector<128x128xf32>
      %get3A_302 = arith.constant 0 : index
      %get3A_303 = arith.constant 0 : index
      %get3A_304 = vector.load %arg33[%get3A_302, %get3A_303] : memref<128x128xf32, #tpu.memory_space<vmem>>, vector<128x128xf32>
      %dot_general3A_305 = arith.constant dense<0.000000e+00> : vector<128x128xf32>
      %dot_general3A_306 = tpu.matmul %get3A_304, %mul3A_211, %dot_general3A_305 {dimension_numbers = #tpu.dot_dimension_numbers<[1], [0], [0], [1], [0, 0, 1, 1], [], []>, transpose_lhs_hint = false} : vector<128x128xf32>, vector<128x128xf32>, vector<128x128xf32> -> vector<128x128xf32>
      %add3A_307 = arith.addf %dot_general3A_301, %dot_general3A_306 : vector<128x128xf32>
      %get3A_308 = arith.constant 0 : index
      %get3A_309 = arith.constant 0 : index
      %get3A_310 = vector.load %arg34[%get3A_308, %get3A_309] : memref<128x128xf32, #tpu.memory_space<vmem>>, vector<128x128xf32>
      %dot_general3A_311 = arith.constant dense<0.000000e+00> : vector<128x128xf32>
      %dot_general3A_312 = tpu.matmul %get3A_310, %mul3A_231, %dot_general3A_311 {dimension_numbers = #tpu.dot_dimension_numbers<[1], [0], [0], [1], [0, 0, 1, 1], [], []>, transpose_lhs_hint = false} : vector<128x128xf32>, vector<128x128xf32>, vector<128x128xf32> -> vector<128x128xf32>
      %add3A_313 = arith.addf %add3A_307, %dot_general3A_312 : vector<128x128xf32>
      %get3A_314 = arith.constant 0 : index
      %get3A_315 = arith.constant 0 : index
      %get3A_316 = vector.load %arg35[%get3A_314, %get3A_315] : memref<128x128xf32, #tpu.memory_space<vmem>>, vector<128x128xf32>
      %dot_general3A_317 = arith.constant dense<0.000000e+00> : vector<128x128xf32>
      %dot_general3A_318 = tpu.matmul %get3A_316, %add3A_289, %dot_general3A_317 {dimension_numbers = #tpu.dot_dimension_numbers<[1], [0], [0], [1], [0, 0, 1, 1], [], []>, transpose_lhs_hint = false} : vector<128x128xf32>, vector<128x128xf32>, vector<128x128xf32> -> vector<128x128xf32>
      %add3A_319 = arith.addf %add3A_313, %dot_general3A_318 : vector<128x128xf32>
      %get3A_320 = arith.constant 0 : index
      %get3A_321 = arith.constant 0 : index
      %get3A_322 = vector.load %arg36[%get3A_320, %get3A_321] : memref<128x1xf32, #tpu.memory_space<vmem>>, vector<128x1xf32>
      %add3A_323 = vector.broadcast %get3A_322 : vector<128x1xf32> to vector<128x128xf32>
      %add3A_324 = arith.addf %add3A_319, %add3A_323 : vector<128x128xf32>
      %max3A = arith.constant 0.000000e+00 : f32
      %max3A_325 = vector.broadcast %max3A : f32 to vector<128x128xf32>
      %max3A_326 = arith.maximumf %add3A_324, %max3A_325 : vector<128x128xf32>
      %get3A_327 = arith.constant 0 : index
      %get3A_328 = arith.constant 0 : index
      %get3A_329 = vector.load %arg37[%get3A_327, %get3A_328] : memref<128x1xf32, #tpu.memory_space<vmem>>, vector<128x1xf32>
      %mul3A_330 = vector.broadcast %get3A_329 : vector<128x1xf32> to vector<128x128xf32>
      %mul3A_331 = arith.mulf %max3A_326, %mul3A_330 : vector<128x128xf32>
      %reduce_sum3A_332 = arith.constant dense<0.000000e+00> : vector<128xf32>
      %reduce_sum3A_333 = vector.multi_reduction <add>, %mul3A_331, %reduce_sum3A_332 [0] : vector<128x128xf32> to vector<128xf32>
      %broadcast_in_dim3A_334 = vector.shape_cast %reduce_sum3A_333 : vector<128xf32> to vector<1x128xf32>
      %get3A_335 = arith.constant 0 : index
      %get3A_336 = arith.constant 0 : index
      %get3A_337 = vector.load %arg38[%get3A_335, %get3A_336] : memref<1x1xf32, #tpu.memory_space<vmem>>, vector<1x1xf32>
      %add3A_338 = vector.broadcast %get3A_337 : vector<1x1xf32> to vector<1x128xf32>
      %add3A_339 = arith.addf %broadcast_in_dim3A_334, %add3A_338 : vector<1x128xf32>
      %logistic3A_340 = arith.negf %add3A_339 : vector<1x128xf32>
      %logistic3A_341 = math.exp %logistic3A_340 : vector<1x128xf32>
      %logistic3A_342 = arith.constant 1.000000e+00 : f32
      %logistic3A_343 = vector.broadcast %logistic3A_342 : f32 to vector<1x128xf32>
      %logistic3A_344 = arith.addf %logistic3A_343, %logistic3A_341 : vector<1x128xf32>
      %logistic3A_345 = arith.divf %logistic3A_343, %logistic3A_344 : vector<1x128xf32>
      %swap3A_346 = arith.index_cast %scan3A_150 : i32 to index
      %swap3A_347 = arith.constant 0 : index
      %swap3A_348 = vector.load %arg44[%swap3A_346, %swap3A_347] : memref<50x128xf32, #tpu.memory_space<vmem>>, vector<1x128xf32>
      tpu.vector_store %arg44[%swap3A_346, %swap3A_347], %logistic3A_345 {strides = array<i32>} : memref<50x128xf32, #tpu.memory_space<vmem>>, vector<1x128xf32>,
      %get3A_349 = arith.constant 0 : index
      %get3A_350 = arith.constant 0 : index
      %get3A_351 = vector.load %arg29[%get3A_349, %get3A_350] : memref<128x128xf32, #tpu.memory_space<vmem>>, vector<128x128xf32>
      %dot_general3A_352 = arith.constant dense<0.000000e+00> : vector<128x128xf32>
      %dot_general3A_353 = tpu.matmul %get3A_351, %mul3A_245, %dot_general3A_352 {dimension_numbers = #tpu.dot_dimension_numbers<[1], [0], [0], [1], [0, 0, 1, 1], [], []>, transpose_lhs_hint = false} : vector<128x128xf32>, vector<128x128xf32>, vector<128x128xf32> -> vector<128x128xf32>
      %get3A_354 = arith.constant 0 : index
      %get3A_355 = arith.constant 0 : index
      %get3A_356 = vector.load %arg30[%get3A_354, %get3A_355] : memref<128x128xf32, #tpu.memory_space<vmem>>, vector<128x128xf32>
      %dot_general3A_357 = arith.constant dense<0.000000e+00> : vector<128x128xf32>
      %dot_general3A_358 = tpu.matmul %get3A_356, %add3A_296, %dot_general3A_357 {dimension_numbers = #tpu.dot_dimension_numbers<[1], [0], [0], [1], [0, 0, 1, 1], [], []>, transpose_lhs_hint = false} : vector<128x128xf32>, vector<128x128xf32>, vector<128x128xf32> -> vector<128x128xf32>
      %add3A_359 = arith.addf %dot_general3A_353, %dot_general3A_358 : vector<128x128xf32>
      %get3A_360 = arith.constant 0 : index
      %get3A_361 = arith.constant 0 : index
      %get3A_362 = vector.load %arg31[%get3A_360, %get3A_361] : memref<128x1xf32, #tpu.memory_space<vmem>>, vector<128x1xf32>
      %add3A_363 = vector.broadcast %get3A_362 : vector<128x1xf32> to vector<128x128xf32>
      %add3A_364 = arith.addf %add3A_359, %add3A_363 : vector<128x128xf32>
      %tanh3A = math.tanh %add3A_364 : vector<128x128xf32>
      %add3A_365 = arith.addf %mul3A_245, %tanh3A : vector<128x128xf32>
      %get3A_366 = arith.constant 0 : index
      %get3A_367 = arith.constant 0 : index
      %get3A_368 = vector.load %arg23[%get3A_366, %get3A_367] : memref<128x128xf32, #tpu.memory_space<vmem>>, vector<128x128xf32>
      %dot_general3A_369 = arith.constant dense<0.000000e+00> : vector<128x128xf32>
      %dot_general3A_370 = tpu.matmul %get3A_368, %mul3A_211, %dot_general3A_369 {dimension_numbers = #tpu.dot_dimension_numbers<[1], [0], [0], [1], [0, 0, 1, 1], [], []>, transpose_lhs_hint = false} : vector<128x128xf32>, vector<128x128xf32>, vector<128x128xf32> -> vector<128x128xf32>
      %get3A_371 = arith.constant 0 : index
      %get3A_372 = arith.constant 0 : index
      %get3A_373 = vector.load %arg24[%get3A_371, %get3A_372] : memref<128x128xf32, #tpu.memory_space<vmem>>, vector<128x128xf32>
      %dot_general3A_374 = arith.constant dense<0.000000e+00> : vector<128x128xf32>
      %dot_general3A_375 = tpu.matmul %get3A_373, %add3A_296, %dot_general3A_374 {dimension_numbers = #tpu.dot_dimension_numbers<[1], [0], [0], [1], [0, 0, 1, 1], [], []>, transpose_lhs_hint = false} : vector<128x128xf32>, vector<128x128xf32>, vector<128x128xf32> -> vector<128x128xf32>
      %add3A_376 = arith.addf %dot_general3A_370, %dot_general3A_375 : vector<128x128xf32>
      %get3A_377 = arith.constant 0 : index
      %get3A_378 = arith.constant 0 : index
      %get3A_379 = vector.load %arg25[%get3A_377, %get3A_378] : memref<128x1xf32, #tpu.memory_space<vmem>>, vector<128x1xf32>
      %add3A_380 = vector.broadcast %get3A_379 : vector<128x1xf32> to vector<128x128xf32>
      %add3A_381 = arith.addf %add3A_376, %add3A_380 : vector<128x128xf32>
      %tanh3A_382 = math.tanh %add3A_381 : vector<128x128xf32>
      %add3A_383 = arith.addf %mul3A_211, %tanh3A_382 : vector<128x128xf32>
      %get3A_384 = arith.constant 0 : index
      %get3A_385 = arith.constant 0 : index
      %get3A_386 = vector.load %arg26[%get3A_384, %get3A_385] : memref<128x128xf32, #tpu.memory_space<vmem>>, vector<128x128xf32>
      %dot_general3A_387 = arith.constant dense<0.000000e+00> : vector<128x128xf32>
      %dot_general3A_388 = tpu.matmul %get3A_386, %mul3A_231, %dot_general3A_387 {dimension_numbers = #tpu.dot_dimension_numbers<[1], [0], [0], [1], [0, 0, 1, 1], [], []>, transpose_lhs_hint = false} : vector<128x128xf32>, vector<128x128xf32>, vector<128x128xf32> -> vector<128x128xf32>
      %get3A_389 = arith.constant 0 : index
      %get3A_390 = arith.constant 0 : index
      %get3A_391 = vector.load %arg27[%get3A_389, %get3A_390] : memref<128x128xf32, #tpu.memory_space<vmem>>, vector<128x128xf32>
      %dot_general3A_392 = arith.constant dense<0.000000e+00> : vector<128x128xf32>
      %dot_general3A_393 = tpu.matmul %get3A_391, %add3A_296, %dot_general3A_392 {dimension_numbers = #tpu.dot_dimension_numbers<[1], [0], [0], [1], [0, 0, 1, 1], [], []>, transpose_lhs_hint = false} : vector<128x128xf32>, vector<128x128xf32>, vector<128x128xf32> -> vector<128x128xf32>
      %add3A_394 = arith.addf %dot_general3A_388, %dot_general3A_393 : vector<128x128xf32>
      %get3A_395 = arith.constant 0 : index
      %get3A_396 = arith.constant 0 : index
      %get3A_397 = vector.load %arg28[%get3A_395, %get3A_396] : memref<128x1xf32, #tpu.memory_space<vmem>>, vector<128x1xf32>
      %add3A_398 = vector.broadcast %get3A_397 : vector<128x1xf32> to vector<128x128xf32>
      %add3A_399 = arith.addf %add3A_394, %add3A_398 : vector<128x128xf32>
      %tanh3A_400 = math.tanh %add3A_399 : vector<128x128xf32>
      %add3A_401 = arith.addf %mul3A_231, %tanh3A_400 : vector<128x128xf32>
      %broadcast_in_dim3A_402 = vector.shape_cast %add3A_383 : vector<128x128xf32> to vector<1x128x128xf32>
      %swap3A_403 = arith.index_cast %scan3A_150 : i32 to index
      %swap3A_404 = arith.constant 0 : index
      %swap3A_405 = arith.constant 0 : index
      %swap3A_406 = vector.load %arg40[%swap3A_403, %swap3A_404, %swap3A_405] : memref<50x128x128xf32, #tpu.memory_space<vmem>>, vector<1x128x128xf32>
      tpu.vector_store %arg40[%swap3A_403, %swap3A_404, %swap3A_405], %broadcast_in_dim3A_402 {strides = array<i32>} : memref<50x128x128xf32, #tpu.memory_space<vmem>>, vector<1x128x128xf32>,
      %broadcast_in_dim3A_407 = vector.shape_cast %add3A_401 : vector<128x128xf32> to vector<1x128x128xf32>
      %swap3A_408 = arith.index_cast %scan3A_150 : i32 to index
      %swap3A_409 = arith.constant 0 : index
      %swap3A_410 = arith.constant 0 : index
      %swap3A_411 = vector.load %arg41[%swap3A_408, %swap3A_409, %swap3A_410] : memref<50x128x128xf32, #tpu.memory_space<vmem>>, vector<1x128x128xf32>
      tpu.vector_store %arg41[%swap3A_408, %swap3A_409, %swap3A_410], %broadcast_in_dim3A_407 {strides = array<i32>} : memref<50x128x128xf32, #tpu.memory_space<vmem>>, vector<1x128x128xf32>,
      scf.yield %add3A_365 : vector<128x128xf32>
    }
    %scan3A_134 = arith.constant 8 : i32
    %scan3A_135 = arith.constant 40 : i32
    %scan3A_136 = arith.constant 10 : i32
    %scan3A_137 = arith.addi %scan3A_135, %scan3A_136 : i32
    %scan3A_138 = arith.constant 1 : i32
    %scan3A_139 = scf.for %scan3A_150 = %scan3A_135 to %scan3A_137 step %scan3A_138 iter_args(%scan3A_151 = %scan3A_133) -> (vector<128x128xf32>)  : i32 {
      %get3A_152 = arith.index_cast %scan3A_150 : i32 to index
      %get3A_153 = arith.constant 0 : index
      %get3A_154 = vector.load %arg42[%get3A_152, %get3A_153] : memref<50x128xi32, #tpu.memory_space<vmem>>, vector<1x128xi32>
      %get3A_155 = arith.index_cast %scan3A_150 : i32 to index
      %get3A_156 = arith.constant 0 : index
      %get3A_157 = vector.load %arg43[%get3A_155, %get3A_156] : memref<50x128xi32, #tpu.memory_space<vmem>>, vector<1x128xi32>
      %broadcast_in_dim3A_158 = vector.shape_cast %get3A_154 : vector<1x128xi32> to vector<1x1x128xi32>
      %eq3A_159 = vector.broadcast %broadcast_in_dim3A_158 : vector<1x1x128xi32> to vector<50x1x128xi32>
      %eq3A_160 = arith.cmpi eq, %iota3A_64, %eq3A_159 : vector<50x1x128xi32>
      %convert_element_type3A = arith.extui %eq3A_160 : vector<50x1x128xi1> to vector<50x1x128xi32>
      %convert_element_type3A_161 = arith.sitofp %convert_element_type3A : vector<50x1x128xi32> to vector<50x1x128xf32>
      %broadcast_in_dim3A_162 = vector.shape_cast %get3A_157 : vector<1x128xi32> to vector<1x1x128xi32>
      %eq3A_163 = vector.broadcast %broadcast_in_dim3A_162 : vector<1x1x128xi32> to vector<50x1x128xi32>
      %eq3A_164 = arith.cmpi eq, %iota3A_64, %eq3A_163 : vector<50x1x128xi32>
      %convert_element_type3A_165 = arith.extui %eq3A_164 : vector<50x1x128xi1> to vector<50x1x128xi32>
      %convert_element_type3A_166 = arith.sitofp %convert_element_type3A_165 : vector<50x1x128xi32> to vector<50x1x128xf32>
      %get3A_167 = arith.constant 0 : index
      %get3A_168 = arith.constant 0 : index
      %get3A_169 = arith.constant 0 : index
      %get3A_170 = vector.load %arg40[%get3A_167, %get3A_168, %get3A_169] : memref<50x128x128xf32, #tpu.memory_space<vmem>>, vector<50x128x128xf32>
      %mul3A = vector.broadcast %convert_element_type3A_161 : vector<50x1x128xf32> to vector<50x128x128xf32>
      %mul3A_171 = arith.mulf %get3A_170, %mul3A : vector<50x128x128xf32>
      %reduce_sum3A = arith.constant dense<0.000000e+00> : vector<128x128xf32>
      %reduce_sum3A_172 = vector.multi_reduction <add>, %mul3A_171, %reduce_sum3A [0] : vector<50x128x128xf32> to vector<128x128xf32>
      %get3A_173 = arith.constant 0 : index
      %get3A_174 = arith.constant 0 : index
      %get3A_175 = arith.constant 0 : index
      %get3A_176 = vector.load %arg41[%get3A_173, %get3A_174, %get3A_175] : memref<50x128x128xf32, #tpu.memory_space<vmem>>, vector<50x128x128xf32>
      %mul3A_177 = vector.broadcast %convert_element_type3A_166 : vector<50x1x128xf32> to vector<50x128x128xf32>
      %mul3A_178 = arith.mulf %get3A_176, %mul3A_177 : vector<50x128x128xf32>
      %reduce_sum3A_179 = arith.constant dense<0.000000e+00> : vector<128x128xf32>
      %reduce_sum3A_180 = vector.multi_reduction <add>, %mul3A_178, %reduce_sum3A_179 [0] : vector<50x128x128xf32> to vector<128x128xf32>
      %sub3A = vector.broadcast %scan3A_150 : i32 to vector<1x128xi32>
      %sub3A_181 = arith.subi %sub3A, %get3A_154 : vector<1x128xi32>
      %eq3A_182 = vector.broadcast %sub3A_181 : vector<1x128xi32> to vector<56x128xi32>
      %eq3A_183 = arith.cmpi eq, %iota3A_65, %eq3A_182 : vector<56x128xi32>
      %convert_element_type3A_184 = arith.extui %eq3A_183 : vector<56x128xi1> to vector<56x128xi32>
      %convert_element_type3A_185 = arith.sitofp %convert_element_type3A_184 : vector<56x128xi32> to vector<56x128xf32>
      %sub3A_186 = vector.broadcast %scan3A_150 : i32 to vector<1x128xi32>
      %sub3A_187 = arith.subi %sub3A_186, %get3A_157 : vector<1x128xi32>
      %eq3A_188 = vector.broadcast %sub3A_187 : vector<1x128xi32> to vector<56x128xi32>
      %eq3A_189 = arith.cmpi eq, %iota3A_65, %eq3A_188 : vector<56x128xi32>
      %convert_element_type3A_190 = arith.extui %eq3A_189 : vector<56x128xi1> to vector<56x128xi32>
      %convert_element_type3A_191 = arith.sitofp %convert_element_type3A_190 : vector<56x128xi32> to vector<56x128xf32>
      %get3A_192 = arith.constant 0 : index
      %get3A_193 = arith.constant 0 : index
      %get3A_194 = vector.load %arg14[%get3A_192, %get3A_193] : memref<128x128xf32, #tpu.memory_space<vmem>>, vector<128x128xf32>
      %dot_general3A_195 = arith.constant dense<0.000000e+00> : vector<128x128xf32>
      %dot_general3A_196 = tpu.matmul %get3A_194, %reduce_sum3A_172, %dot_general3A_195 {dimension_numbers = #tpu.dot_dimension_numbers<[1], [0], [0], [1], [0, 0, 1, 1], [], []>, transpose_lhs_hint = false} : vector<128x128xf32>, vector<128x128xf32>, vector<128x128xf32> -> vector<128x128xf32>
      %dot_general3A_197 = arith.constant dense<0.000000e+00> : vector<128x128xf32>
      %dot_general3A_198 = tpu.matmul %dot_general3A_38, %convert_element_type3A_185, %dot_general3A_197 {dimension_numbers = #tpu.dot_dimension_numbers<[1], [0], [0], [1], [0, 0, 1, 1], [], []>, transpose_lhs_hint = false} : vector<128x56xf32>, vector<56x128xf32>, vector<128x128xf32> -> vector<128x128xf32>
      %add3A_199 = arith.addf %dot_general3A_196, %dot_general3A_198 : vector<128x128xf32>
      %get3A_200 = arith.constant 0 : index
      %get3A_201 = arith.constant 0 : index
      %get3A_202 = vector.load %arg16[%get3A_200, %get3A_201] : memref<128x1xf32, #tpu.memory_space<vmem>>, vector<128x1xf32>
      %add3A_203 = vector.broadcast %get3A_202 : vector<128x1xf32> to vector<128x128xf32>
      %add3A_204 = arith.addf %add3A_199, %add3A_203 : vector<128x128xf32>
      %logistic3A = arith.negf %add3A_204 : vector<128x128xf32>
      %logistic3A_205 = math.exp %logistic3A : vector<128x128xf32>
      %logistic3A_206 = arith.constant 1.000000e+00 : f32
      %logistic3A_207 = vector.broadcast %logistic3A_206 : f32 to vector<128x128xf32>
      %logistic3A_208 = arith.addf %logistic3A_207, %logistic3A_205 : vector<128x128xf32>
      %logistic3A_209 = arith.divf %logistic3A_207, %logistic3A_208 : vector<128x128xf32>
      %mul3A_210 = arith.mulf %reduce_sum3A_172, %logistic3A_209 : vector<128x128xf32>
      %get3A_211 = arith.constant 0 : index
      %get3A_212 = arith.constant 0 : index
      %get3A_213 = vector.load %arg17[%get3A_211, %get3A_212] : memref<128x128xf32, #tpu.memory_space<vmem>>, vector<128x128xf32>
      %dot_general3A_214 = arith.constant dense<0.000000e+00> : vector<128x128xf32>
      %dot_general3A_215 = tpu.matmul %get3A_213, %reduce_sum3A_180, %dot_general3A_214 {dimension_numbers = #tpu.dot_dimension_numbers<[1], [0], [0], [1], [0, 0, 1, 1], [], []>, transpose_lhs_hint = false} : vector<128x128xf32>, vector<128x128xf32>, vector<128x128xf32> -> vector<128x128xf32>
      %dot_general3A_216 = arith.constant dense<0.000000e+00> : vector<128x128xf32>
      %dot_general3A_217 = tpu.matmul %dot_general3A_46, %convert_element_type3A_191, %dot_general3A_216 {dimension_numbers = #tpu.dot_dimension_numbers<[1], [0], [0], [1], [0, 0, 1, 1], [], []>, transpose_lhs_hint = false} : vector<128x56xf32>, vector<56x128xf32>, vector<128x128xf32> -> vector<128x128xf32>
      %add3A_218 = arith.addf %dot_general3A_215, %dot_general3A_217 : vector<128x128xf32>
      %get3A_219 = arith.constant 0 : index
      %get3A_220 = arith.constant 0 : index
      %get3A_221 = vector.load %arg19[%get3A_219, %get3A_220] : memref<128x1xf32, #tpu.memory_space<vmem>>, vector<128x1xf32>
      %add3A_222 = vector.broadcast %get3A_221 : vector<128x1xf32> to vector<128x128xf32>
      %add3A_223 = arith.addf %add3A_218, %add3A_222 : vector<128x128xf32>
      %logistic3A_224 = arith.negf %add3A_223 : vector<128x128xf32>
      %logistic3A_225 = math.exp %logistic3A_224 : vector<128x128xf32>
      %logistic3A_226 = arith.constant 1.000000e+00 : f32
      %logistic3A_227 = vector.broadcast %logistic3A_226 : f32 to vector<128x128xf32>
      %logistic3A_228 = arith.addf %logistic3A_227, %logistic3A_225 : vector<128x128xf32>
      %logistic3A_229 = arith.divf %logistic3A_227, %logistic3A_228 : vector<128x128xf32>
      %mul3A_230 = arith.mulf %reduce_sum3A_180, %logistic3A_229 : vector<128x128xf32>
      %get3A_231 = arith.constant 0 : index
      %get3A_232 = arith.constant 0 : index
      %get3A_233 = vector.load %arg20[%get3A_231, %get3A_232] : memref<128x128xf32, #tpu.memory_space<vmem>>, vector<128x128xf32>
      %dot_general3A_234 = arith.constant dense<0.000000e+00> : vector<128x128xf32>
      %dot_general3A_235 = tpu.matmul %get3A_233, %scan3A_151, %dot_general3A_234 {dimension_numbers = #tpu.dot_dimension_numbers<[1], [0], [0], [1], [0, 0, 1, 1], [], []>, transpose_lhs_hint = false} : vector<128x128xf32>, vector<128x128xf32>, vector<128x128xf32> -> vector<128x128xf32>
      %add3A_236 = vector.broadcast %add3A : vector<128x1xf32> to vector<128x128xf32>
      %add3A_237 = arith.addf %dot_general3A_235, %add3A_236 : vector<128x128xf32>
      %logistic3A_238 = arith.negf %add3A_237 : vector<128x128xf32>
      %logistic3A_239 = math.exp %logistic3A_238 : vector<128x128xf32>
      %logistic3A_240 = arith.constant 1.000000e+00 : f32
      %logistic3A_241 = vector.broadcast %logistic3A_240 : f32 to vector<128x128xf32>
      %logistic3A_242 = arith.addf %logistic3A_241, %logistic3A_239 : vector<128x128xf32>
      %logistic3A_243 = arith.divf %logistic3A_241, %logistic3A_242 : vector<128x128xf32>
      %mul3A_244 = arith.mulf %scan3A_151, %logistic3A_243 : vector<128x128xf32>
      %get3A_245 = arith.index_cast %scan3A_150 : i32 to index
      %get3A_246 = arith.constant 0 : index
      %get3A_247 = arith.constant 0 : index
      %get3A_248 = vector.load %arg1[%get3A_245, %get3A_246, %get3A_247] : memref<50x128x128xf32, #tpu.memory_space<vmem>>, vector<1x128x128xf32>
      %squeeze3A = vector.shape_cast %get3A_248 : vector<1x128x128xf32> to vector<128x128xf32>
      %transpose3A = tpu.transpose %squeeze3A, [1, 0] : vector<128x128xf32> -> vector<128x128xf32>
      %get3A_249 = arith.index_cast %scan3A_150 : i32 to index
      %get3A_250 = arith.constant 0 : index
      %get3A_251 = arith.constant 0 : index
      %get3A_252 = vector.load %arg2[%get3A_249, %get3A_250, %get3A_251] : memref<50x128x128xf32, #tpu.memory_space<vmem>>, vector<1x128x128xf32>
      %squeeze3A_253 = vector.shape_cast %get3A_252 : vector<1x128x128xf32> to vector<128x128xf32>
      %transpose3A_254 = tpu.transpose %squeeze3A_253, [1, 0] : vector<128x128xf32> -> vector<128x128xf32>
      %get3A_255 = arith.index_cast %scan3A_150 : i32 to index
      %get3A_256 = arith.constant 0 : index
      %get3A_257 = arith.constant 0 : index
      %get3A_258 = vector.load %arg3[%get3A_255, %get3A_256, %get3A_257] : memref<50x128x128xf32, #tpu.memory_space<vmem>>, vector<1x128x128xf32>
      %squeeze3A_259 = vector.shape_cast %get3A_258 : vector<1x128x128xf32> to vector<128x128xf32>
      %transpose3A_260 = tpu.transpose %squeeze3A_259, [1, 0] : vector<128x128xf32> -> vector<128x128xf32>
      %get3A_261 = arith.index_cast %scan3A_150 : i32 to index
      %get3A_262 = arith.constant 0 : index
      %get3A_263 = arith.constant 0 : index
      %get3A_264 = vector.load %arg4[%get3A_261, %get3A_262, %get3A_263] : memref<50x128x128xf32, #tpu.memory_space<vmem>>, vector<1x128x128xf32>
      %squeeze3A_265 = vector.shape_cast %get3A_264 : vector<1x128x128xf32> to vector<128x128xf32>
      %transpose3A_266 = tpu.transpose %squeeze3A_265, [1, 0] : vector<128x128xf32> -> vector<128x128xf32>
      %get3A_267 = arith.constant 0 : index
      %get3A_268 = arith.index_cast %scan3A_150 : i32 to index
      %get3A_269 = arith.constant 0 : index
      %get3A_270 = vector.load %arg5[%get3A_267, %get3A_268, %get3A_269] : memref<1x50x128xi32, #tpu.memory_space<vmem>>, vector<1x1x128xi32>
      %squeeze3A_271 = vector.shape_cast %get3A_270 : vector<1x1x128xi32> to vector<1x128xi32>
      %eq3A_272 = vector.broadcast %squeeze3A_271 : vector<1x128xi32> to vector<128x128xi32>
      %eq3A_273 = arith.cmpi eq, %iota3A_66, %eq3A_272 : vector<128x128xi32>
      %jit3A_274 = arith.constant 0.000000e+00 : f32
      %broadcast_in_dim3A_275 = vector.broadcast %jit3A_274 : f32 to vector<128x128xf32>
      %select_n3A_276 = arith.select %eq3A_273, %transpose3A_266, %broadcast_in_dim3A_275 : vector<128x128xi1>, vector<128x128xf32>
      %reduce_sum3A_277 = arith.constant dense<0.000000e+00> : vector<128xf32>
      %reduce_sum3A_278 = vector.multi_reduction <add>, %select_n3A_276, %reduce_sum3A_277 [0] : vector<128x128xf32> to vector<128xf32>
      %broadcast_in_dim3A_279 = vector.shape_cast %reduce_sum3A_278 : vector<128xf32> to vector<1x128xf32>
      %get3A_280 = arith.constant 0 : index
      %get3A_281 = arith.index_cast %scan3A_150 : i32 to index
      %get3A_282 = arith.constant 0 : index
      %get3A_283 = vector.load %arg6[%get3A_280, %get3A_281, %get3A_282] : memref<1x50x128xf32, #tpu.memory_space<vmem>>, vector<1x1x128xf32>
      %squeeze3A_284 = vector.shape_cast %get3A_283 : vector<1x1x128xf32> to vector<1x128xf32>
      %add3A_285 = arith.addf %transpose3A, %transpose3A_254 : vector<128x128xf32>
      %mul3A_286 = vector.broadcast %broadcast_in_dim3A_279 : vector<1x128xf32> to vector<128x128xf32>
      %mul3A_287 = arith.mulf %mul3A_286, %transpose3A_260 : vector<128x128xf32>
      %add3A_288 = arith.addf %add3A_285, %mul3A_287 : vector<128x128xf32>
      %add3A_289 = vector.broadcast %get3A_60 : vector<128x1xf32> to vector<128x128xf32>
      %add3A_290 = arith.addf %add3A_288, %add3A_289 : vector<128x128xf32>
      %sub3A_291 = arith.subf %get3A_63, %get3A_60 : vector<128x1xf32>
      %mul3A_292 = vector.broadcast %squeeze3A_284 : vector<1x128xf32> to vector<128x128xf32>
      %mul3A_293 = vector.broadcast %sub3A_291 : vector<128x1xf32> to vector<128x128xf32>
      %mul3A_294 = arith.mulf %mul3A_292, %mul3A_293 : vector<128x128xf32>
      %add3A_295 = arith.addf %add3A_290, %mul3A_294 : vector<128x128xf32>
      %get3A_296 = arith.constant 0 : index
      %get3A_297 = arith.constant 0 : index
      %get3A_298 = vector.load %arg32[%get3A_296, %get3A_297] : memref<128x128xf32, #tpu.memory_space<vmem>>, vector<128x128xf32>
      %dot_general3A_299 = arith.constant dense<0.000000e+00> : vector<128x128xf32>
      %dot_general3A_300 = tpu.matmul %get3A_298, %mul3A_244, %dot_general3A_299 {dimension_numbers = #tpu.dot_dimension_numbers<[1], [0], [0], [1], [0, 0, 1, 1], [], []>, transpose_lhs_hint = false} : vector<128x128xf32>, vector<128x128xf32>, vector<128x128xf32> -> vector<128x128xf32>
      %get3A_301 = arith.constant 0 : index
      %get3A_302 = arith.constant 0 : index
      %get3A_303 = vector.load %arg33[%get3A_301, %get3A_302] : memref<128x128xf32, #tpu.memory_space<vmem>>, vector<128x128xf32>
      %dot_general3A_304 = arith.constant dense<0.000000e+00> : vector<128x128xf32>
      %dot_general3A_305 = tpu.matmul %get3A_303, %mul3A_210, %dot_general3A_304 {dimension_numbers = #tpu.dot_dimension_numbers<[1], [0], [0], [1], [0, 0, 1, 1], [], []>, transpose_lhs_hint = false} : vector<128x128xf32>, vector<128x128xf32>, vector<128x128xf32> -> vector<128x128xf32>
      %add3A_306 = arith.addf %dot_general3A_300, %dot_general3A_305 : vector<128x128xf32>
      %get3A_307 = arith.constant 0 : index
      %get3A_308 = arith.constant 0 : index
      %get3A_309 = vector.load %arg34[%get3A_307, %get3A_308] : memref<128x128xf32, #tpu.memory_space<vmem>>, vector<128x128xf32>
      %dot_general3A_310 = arith.constant dense<0.000000e+00> : vector<128x128xf32>
      %dot_general3A_311 = tpu.matmul %get3A_309, %mul3A_230, %dot_general3A_310 {dimension_numbers = #tpu.dot_dimension_numbers<[1], [0], [0], [1], [0, 0, 1, 1], [], []>, transpose_lhs_hint = false} : vector<128x128xf32>, vector<128x128xf32>, vector<128x128xf32> -> vector<128x128xf32>
      %add3A_312 = arith.addf %add3A_306, %dot_general3A_311 : vector<128x128xf32>
      %get3A_313 = arith.constant 0 : index
      %get3A_314 = arith.constant 0 : index
      %get3A_315 = vector.load %arg35[%get3A_313, %get3A_314] : memref<128x128xf32, #tpu.memory_space<vmem>>, vector<128x128xf32>
      %dot_general3A_316 = arith.constant dense<0.000000e+00> : vector<128x128xf32>
      %dot_general3A_317 = tpu.matmul %get3A_315, %add3A_288, %dot_general3A_316 {dimension_numbers = #tpu.dot_dimension_numbers<[1], [0], [0], [1], [0, 0, 1, 1], [], []>, transpose_lhs_hint = false} : vector<128x128xf32>, vector<128x128xf32>, vector<128x128xf32> -> vector<128x128xf32>
      %add3A_318 = arith.addf %add3A_312, %dot_general3A_317 : vector<128x128xf32>
      %get3A_319 = arith.constant 0 : index
      %get3A_320 = arith.constant 0 : index
      %get3A_321 = vector.load %arg36[%get3A_319, %get3A_320] : memref<128x1xf32, #tpu.memory_space<vmem>>, vector<128x1xf32>
      %add3A_322 = vector.broadcast %get3A_321 : vector<128x1xf32> to vector<128x128xf32>
      %add3A_323 = arith.addf %add3A_318, %add3A_322 : vector<128x128xf32>
      %max3A = arith.constant 0.000000e+00 : f32
      %max3A_324 = vector.broadcast %max3A : f32 to vector<128x128xf32>
      %max3A_325 = arith.maximumf %add3A_323, %max3A_324 : vector<128x128xf32>
      %get3A_326 = arith.constant 0 : index
      %get3A_327 = arith.constant 0 : index
      %get3A_328 = vector.load %arg37[%get3A_326, %get3A_327] : memref<128x1xf32, #tpu.memory_space<vmem>>, vector<128x1xf32>
      %mul3A_329 = vector.broadcast %get3A_328 : vector<128x1xf32> to vector<128x128xf32>
      %mul3A_330 = arith.mulf %max3A_325, %mul3A_329 : vector<128x128xf32>
      %reduce_sum3A_331 = arith.constant dense<0.000000e+00> : vector<128xf32>
      %reduce_sum3A_332 = vector.multi_reduction <add>, %mul3A_330, %reduce_sum3A_331 [0] : vector<128x128xf32> to vector<128xf32>
      %broadcast_in_dim3A_333 = vector.shape_cast %reduce_sum3A_332 : vector<128xf32> to vector<1x128xf32>
      %get3A_334 = arith.constant 0 : index
      %get3A_335 = arith.constant 0 : index
      %get3A_336 = vector.load %arg38[%get3A_334, %get3A_335] : memref<1x1xf32, #tpu.memory_space<vmem>>, vector<1x1xf32>
      %add3A_337 = vector.broadcast %get3A_336 : vector<1x1xf32> to vector<1x128xf32>
      %add3A_338 = arith.addf %broadcast_in_dim3A_333, %add3A_337 : vector<1x128xf32>
      %logistic3A_339 = arith.negf %add3A_338 : vector<1x128xf32>
      %logistic3A_340 = math.exp %logistic3A_339 : vector<1x128xf32>
      %logistic3A_341 = arith.constant 1.000000e+00 : f32
      %logistic3A_342 = vector.broadcast %logistic3A_341 : f32 to vector<1x128xf32>
      %logistic3A_343 = arith.addf %logistic3A_342, %logistic3A_340 : vector<1x128xf32>
      %logistic3A_344 = arith.divf %logistic3A_342, %logistic3A_343 : vector<1x128xf32>
      %swap3A_345 = arith.index_cast %scan3A_150 : i32 to index
      %swap3A_346 = arith.constant 0 : index
      %swap3A_347 = vector.load %arg44[%swap3A_345, %swap3A_346] : memref<50x128xf32, #tpu.memory_space<vmem>>, vector<1x128xf32>
      tpu.vector_store %arg44[%swap3A_345, %swap3A_346], %logistic3A_344 {strides = array<i32>} : memref<50x128xf32, #tpu.memory_space<vmem>>, vector<1x128xf32>,
      %get3A_348 = arith.constant 0 : index
      %get3A_349 = arith.constant 0 : index
      %get3A_350 = vector.load %arg29[%get3A_348, %get3A_349] : memref<128x128xf32, #tpu.memory_space<vmem>>, vector<128x128xf32>
      %dot_general3A_351 = arith.constant dense<0.000000e+00> : vector<128x128xf32>
      %dot_general3A_352 = tpu.matmul %get3A_350, %mul3A_244, %dot_general3A_351 {dimension_numbers = #tpu.dot_dimension_numbers<[1], [0], [0], [1], [0, 0, 1, 1], [], []>, transpose_lhs_hint = false} : vector<128x128xf32>, vector<128x128xf32>, vector<128x128xf32> -> vector<128x128xf32>
      %get3A_353 = arith.constant 0 : index
      %get3A_354 = arith.constant 0 : index
      %get3A_355 = vector.load %arg30[%get3A_353, %get3A_354] : memref<128x128xf32, #tpu.memory_space<vmem>>, vector<128x128xf32>
      %dot_general3A_356 = arith.constant dense<0.000000e+00> : vector<128x128xf32>
      %dot_general3A_357 = tpu.matmul %get3A_355, %add3A_295, %dot_general3A_356 {dimension_numbers = #tpu.dot_dimension_numbers<[1], [0], [0], [1], [0, 0, 1, 1], [], []>, transpose_lhs_hint = false} : vector<128x128xf32>, vector<128x128xf32>, vector<128x128xf32> -> vector<128x128xf32>
      %add3A_358 = arith.addf %dot_general3A_352, %dot_general3A_357 : vector<128x128xf32>
      %get3A_359 = arith.constant 0 : index
      %get3A_360 = arith.constant 0 : index
      %get3A_361 = vector.load %arg31[%get3A_359, %get3A_360] : memref<128x1xf32, #tpu.memory_space<vmem>>, vector<128x1xf32>
      %add3A_362 = vector.broadcast %get3A_361 : vector<128x1xf32> to vector<128x128xf32>
      %add3A_363 = arith.addf %add3A_358, %add3A_362 : vector<128x128xf32>
      %tanh3A = math.tanh %add3A_363 : vector<128x128xf32>
      %add3A_364 = arith.addf %mul3A_244, %tanh3A : vector<128x128xf32>
      %get3A_365 = arith.constant 0 : index
      %get3A_366 = arith.constant 0 : index
      %get3A_367 = vector.load %arg23[%get3A_365, %get3A_366] : memref<128x128xf32, #tpu.memory_space<vmem>>, vector<128x128xf32>
      %dot_general3A_368 = arith.constant dense<0.000000e+00> : vector<128x128xf32>
      %dot_general3A_369 = tpu.matmul %get3A_367, %mul3A_210, %dot_general3A_368 {dimension_numbers = #tpu.dot_dimension_numbers<[1], [0], [0], [1], [0, 0, 1, 1], [], []>, transpose_lhs_hint = false} : vector<128x128xf32>, vector<128x128xf32>, vector<128x128xf32> -> vector<128x128xf32>
      %get3A_370 = arith.constant 0 : index
      %get3A_371 = arith.constant 0 : index
      %get3A_372 = vector.load %arg24[%get3A_370, %get3A_371] : memref<128x128xf32, #tpu.memory_space<vmem>>, vector<128x128xf32>
      %dot_general3A_373 = arith.constant dense<0.000000e+00> : vector<128x128xf32>
      %dot_general3A_374 = tpu.matmul %get3A_372, %add3A_295, %dot_general3A_373 {dimension_numbers = #tpu.dot_dimension_numbers<[1], [0], [0], [1], [0, 0, 1, 1], [], []>, transpose_lhs_hint = false} : vector<128x128xf32>, vector<128x128xf32>, vector<128x128xf32> -> vector<128x128xf32>
      %add3A_375 = arith.addf %dot_general3A_369, %dot_general3A_374 : vector<128x128xf32>
      %get3A_376 = arith.constant 0 : index
      %get3A_377 = arith.constant 0 : index
      %get3A_378 = vector.load %arg25[%get3A_376, %get3A_377] : memref<128x1xf32, #tpu.memory_space<vmem>>, vector<128x1xf32>
      %add3A_379 = vector.broadcast %get3A_378 : vector<128x1xf32> to vector<128x128xf32>
      %add3A_380 = arith.addf %add3A_375, %add3A_379 : vector<128x128xf32>
      %tanh3A_381 = math.tanh %add3A_380 : vector<128x128xf32>
      %add3A_382 = arith.addf %mul3A_210, %tanh3A_381 : vector<128x128xf32>
      %get3A_383 = arith.constant 0 : index
      %get3A_384 = arith.constant 0 : index
      %get3A_385 = vector.load %arg26[%get3A_383, %get3A_384] : memref<128x128xf32, #tpu.memory_space<vmem>>, vector<128x128xf32>
      %dot_general3A_386 = arith.constant dense<0.000000e+00> : vector<128x128xf32>
      %dot_general3A_387 = tpu.matmul %get3A_385, %mul3A_230, %dot_general3A_386 {dimension_numbers = #tpu.dot_dimension_numbers<[1], [0], [0], [1], [0, 0, 1, 1], [], []>, transpose_lhs_hint = false} : vector<128x128xf32>, vector<128x128xf32>, vector<128x128xf32> -> vector<128x128xf32>
      %get3A_388 = arith.constant 0 : index
      %get3A_389 = arith.constant 0 : index
      %get3A_390 = vector.load %arg27[%get3A_388, %get3A_389] : memref<128x128xf32, #tpu.memory_space<vmem>>, vector<128x128xf32>
      %dot_general3A_391 = arith.constant dense<0.000000e+00> : vector<128x128xf32>
      %dot_general3A_392 = tpu.matmul %get3A_390, %add3A_295, %dot_general3A_391 {dimension_numbers = #tpu.dot_dimension_numbers<[1], [0], [0], [1], [0, 0, 1, 1], [], []>, transpose_lhs_hint = false} : vector<128x128xf32>, vector<128x128xf32>, vector<128x128xf32> -> vector<128x128xf32>
      %add3A_393 = arith.addf %dot_general3A_387, %dot_general3A_392 : vector<128x128xf32>
      %get3A_394 = arith.constant 0 : index
      %get3A_395 = arith.constant 0 : index
      %get3A_396 = vector.load %arg28[%get3A_394, %get3A_395] : memref<128x1xf32, #tpu.memory_space<vmem>>, vector<128x1xf32>
      %add3A_397 = vector.broadcast %get3A_396 : vector<128x1xf32> to vector<128x128xf32>
      %add3A_398 = arith.addf %add3A_393, %add3A_397 : vector<128x128xf32>
      %tanh3A_399 = math.tanh %add3A_398 : vector<128x128xf32>
      %add3A_400 = arith.addf %mul3A_230, %tanh3A_399 : vector<128x128xf32>
      %broadcast_in_dim3A_401 = vector.shape_cast %add3A_382 : vector<128x128xf32> to vector<1x128x128xf32>
      %swap3A_402 = arith.index_cast %scan3A_150 : i32 to index
      %swap3A_403 = arith.constant 0 : index
      %swap3A_404 = arith.constant 0 : index
      %swap3A_405 = vector.load %arg40[%swap3A_402, %swap3A_403, %swap3A_404] : memref<50x128x128xf32, #tpu.memory_space<vmem>>, vector<1x128x128xf32>
      tpu.vector_store %arg40[%swap3A_402, %swap3A_403, %swap3A_404], %broadcast_in_dim3A_401 {strides = array<i32>} : memref<50x128x128xf32, #tpu.memory_space<vmem>>, vector<1x128x128xf32>,
      %broadcast_in_dim3A_406 = vector.shape_cast %add3A_400 : vector<128x128xf32> to vector<1x128x128xf32>
      %swap3A_407 = arith.index_cast %scan3A_150 : i32 to index
      %swap3A_408 = arith.constant 0 : index
      %swap3A_409 = arith.constant 0 : index
      %swap3A_410 = vector.load %arg41[%swap3A_407, %swap3A_408, %swap3A_409] : memref<50x128x128xf32, #tpu.memory_space<vmem>>, vector<1x128x128xf32>
      tpu.vector_store %arg41[%swap3A_407, %swap3A_408, %swap3A_409], %broadcast_in_dim3A_406 {strides = array<i32>} : memref<50x128x128xf32, #tpu.memory_space<vmem>>, vector<1x128x128xf32>,
      scf.yield %add3A_364 : vector<128x128xf32>
    }
    %scan3A_140 = arith.constant 10 : i32
    %get3A_141 = arith.constant 0 : index
    %get3A_142 = arith.constant 0 : index
    %get3A_143 = vector.load %arg44[%get3A_141, %get3A_142] : memref<50x128xf32, #tpu.memory_space<vmem>>, vector<50x128xf32>
    %swap3A_144 = arith.constant 0 : index
    %swap3A_145 = arith.constant 0 : index
    %swap3A_146 = arith.constant 0 : index
    %swap3A_147 = vector.load %arg39[%swap3A_144, %swap3A_145, %swap3A_146] : memref<1x50x128xf32, #tpu.memory_space<vmem>>, vector<1x50x128xf32>
    %swap3A_148 = vector.shape_cast %swap3A_147 : vector<1x50x128xf32> to vector<50x128xf32>
    %swap3A_149 = vector.shape_cast %get3A_143 : vector<50x128xf32> to vector<1x50x128xf32>
    tpu.vector_store %arg39[%swap3A_144, %swap3A_145, %swap3A_146], %swap3A_149 {strides = array<i32>} : memref<1x50x128xf32, #tpu.memory_space<vmem>>, vector<1x50x128xf32>,
    return
  }
  func.func @transform_0(%arg0: i32) -> (i32, i32, i32) {
    %c0_i32 = arith.constant 0 : i32
    %c0_i32_0 = arith.constant 0 : i32
    %c0_i32_1 = arith.constant 0 : i32
    return %c0_i32, %arg0, %c0_i32_0 : i32, i32, i32
  }
  func.func @transform_1(%arg0: i32) -> (i32, i32, i32) {
    %c0_i32 = arith.constant 0 : i32
    %c0_i32_0 = arith.constant 0 : i32
    %c0_i32_1 = arith.constant 0 : i32
    return %c0_i32, %arg0, %c0_i32_0 : i32, i32, i32
  }
  func.func @transform_2(%arg0: i32) -> (i32, i32, i32) {
    %c0_i32 = arith.constant 0 : i32
    %c0_i32_0 = arith.constant 0 : i32
    %c0_i32_1 = arith.constant 0 : i32
    return %c0_i32, %arg0, %c0_i32_0 : i32, i32, i32
  }
  func.func @transform_3(%arg0: i32) -> (i32, i32, i32) {
    %c0_i32 = arith.constant 0 : i32
    %c0_i32_0 = arith.constant 0 : i32
    %c0_i32_1 = arith.constant 0 : i32
    return %c0_i32, %arg0, %c0_i32_0 : i32, i32, i32
  }
  func.func @transform_4(%arg0: i32) -> (i32, i32, i32) {
    %c0_i32 = arith.constant 0 : i32
    %c0_i32_0 = arith.constant 0 : i32
    %c0_i32_1 = arith.constant 0 : i32
    return %arg0, %c0_i32, %c0_i32_0 : i32, i32, i32
  }
  func.func @transform_5(%arg0: i32) -> (i32, i32, i32) {
    %c0_i32 = arith.constant 0 : i32
    %c0_i32_0 = arith.constant 0 : i32
    %c0_i32_1 = arith.constant 0 : i32
    return %arg0, %c0_i32, %c0_i32_0 : i32, i32, i32
  }
  func.func @transform_6(%arg0: i32) -> (i32, i32, i32) {
    %c0_i32 = arith.constant 0 : i32
    %c0_i32_0 = arith.constant 0 : i32
    %c0_i32_1 = arith.constant 0 : i32
    return %arg0, %c0_i32, %c0_i32_0 : i32, i32, i32
  }
  func.func @transform_7(%arg0: i32) -> (i32, i32, i32) {
    %c0_i32 = arith.constant 0 : i32
    %c0_i32_0 = arith.constant 0 : i32
    %c0_i32_1 = arith.constant 0 : i32
    return %arg0, %c0_i32, %c0_i32_0 : i32, i32, i32
  }
  func.func @transform_8(%arg0: i32) -> (i32, i32) {
    %c0_i32 = arith.constant 0 : i32
    %c0_i32_0 = arith.constant 0 : i32
    %c0_i32_1 = arith.constant 0 : i32
    return %c0_i32, %c0_i32_0 : i32, i32
  }
  func.func @transform_9(%arg0: i32) -> (i32, i32) {
    %c0_i32 = arith.constant 0 : i32
    %c0_i32_0 = arith.constant 0 : i32
    %c0_i32_1 = arith.constant 0 : i32
    return %c0_i32, %c0_i32_0 : i32, i32
  }
  func.func @transform_10(%arg0: i32) -> (i32, i32) {
    %c0_i32 = arith.constant 0 : i32
    %c0_i32_0 = arith.constant 0 : i32
    %c0_i32_1 = arith.constant 0 : i32
    return %c0_i32, %c0_i32_0 : i32, i32
  }
  func.func @transform_11(%arg0: i32) -> (i32, i32) {
    %c0_i32 = arith.constant 0 : i32
    %c0_i32_0 = arith.constant 0 : i32
    %c0_i32_1 = arith.constant 0 : i32
    return %c0_i32, %c0_i32_0 : i32, i32
  }
  func.func @transform_12(%arg0: i32) -> (i32, i32) {
    %c0_i32 = arith.constant 0 : i32
    %c0_i32_0 = arith.constant 0 : i32
    %c0_i32_1 = arith.constant 0 : i32
    return %c0_i32, %c0_i32_0 : i32, i32
  }
  func.func @transform_13(%arg0: i32) -> (i32, i32) {
    %c0_i32 = arith.constant 0 : i32
    %c0_i32_0 = arith.constant 0 : i32
    %c0_i32_1 = arith.constant 0 : i32
    return %c0_i32, %c0_i32_0 : i32, i32
  }
  func.func @transform_14(%arg0: i32) -> (i32, i32) {
    %c0_i32 = arith.constant 0 : i32
    %c0_i32_0 = arith.constant 0 : i32
    %c0_i32_1 = arith.constant 0 : i32
    return %c0_i32, %c0_i32_0 : i32, i32
  }
  func.func @transform_15(%arg0: i32) -> (i32, i32) {
    %c0_i32 = arith.constant 0 : i32
    %c0_i32_0 = arith.constant 0 : i32
    %c0_i32_1 = arith.constant 0 : i32
    return %c0_i32, %c0_i32_0 : i32, i32
  }
  func.func @transform_16(%arg0: i32) -> (i32, i32) {
    %c0_i32 = arith.constant 0 : i32
    %c0_i32_0 = arith.constant 0 : i32
    %c0_i32_1 = arith.constant 0 : i32
    return %c0_i32, %c0_i32_0 : i32, i32
  }
  func.func @transform_17(%arg0: i32) -> (i32, i32) {
    %c0_i32 = arith.constant 0 : i32
    %c0_i32_0 = arith.constant 0 : i32
    %c0_i32_1 = arith.constant 0 : i32
    return %c0_i32, %c0_i32_0 : i32, i32
  }
  func.func @transform_18(%arg0: i32) -> (i32, i32) {
    %c0_i32 = arith.constant 0 : i32
    %c0_i32_0 = arith.constant 0 : i32
    %c0_i32_1 = arith.constant 0 : i32
    return %c0_i32, %c0_i32_0 : i32, i32
  }
  func.func @transform_19(%arg0: i32) -> (i32, i32) {
    %c0_i32 = arith.constant 0 : i32
    %c0_i32_0 = arith.constant 0 : i32
    %c0_i32_1 = arith.constant 0 : i32
    return %c0_i32, %c0_i32_0 : i32, i32
  }
  func.func @transform_20(%arg0: i32) -> (i32, i32) {
    %c0_i32 = arith.constant 0 : i32
    %c0_i32_0 = arith.constant 0 : i32
    %c0_i32_1 = arith.constant 0 : i32
    return %c0_i32, %c0_i32_0 : i32, i32
  }
  func.func @transform_21(%arg0: i32) -> (i32, i32) {
    %c0_i32 = arith.constant 0 : i32
    %c0_i32_0 = arith.constant 0 : i32
    %c0_i32_1 = arith.constant 0 : i32
    return %c0_i32, %c0_i32_0 : i32, i32
  }
  func.func @transform_22(%arg0: i32) -> (i32, i32) {
    %c0_i32 = arith.constant 0 : i32
    %c0_i32_0 = arith.constant 0 : i32
    %c0_i32_1 = arith.constant 0 : i32
    return %c0_i32, %c0_i32_0 : i32, i32
  }
  func.func @transform_23(%arg0: i32) -> (i32, i32) {
    %c0_i32 = arith.constant 0 : i32
    %c0_i32_0 = arith.constant 0 : i32
    %c0_i32_1 = arith.constant 0 : i32
    return %c0_i32, %c0_i32_0 : i32, i32
  }
  func.func @transform_24(%arg0: i32) -> (i32, i32) {
    %c0_i32 = arith.constant 0 : i32
    %c0_i32_0 = arith.constant 0 : i32
    %c0_i32_1 = arith.constant 0 : i32
    return %c0_i32, %c0_i32_0 : i32, i32
  }
  func.func @transform_25(%arg0: i32) -> (i32, i32) {
    %c0_i32 = arith.constant 0 : i32
    %c0_i32_0 = arith.constant 0 : i32
    %c0_i32_1 = arith.constant 0 : i32
    return %c0_i32, %c0_i32_0 : i32, i32
  }
  func.func @transform_26(%arg0: i32) -> (i32, i32) {
    %c0_i32 = arith.constant 0 : i32
    %c0_i32_0 = arith.constant 0 : i32
    %c0_i32_1 = arith.constant 0 : i32
    return %c0_i32, %c0_i32_0 : i32, i32
  }
  func.func @transform_27(%arg0: i32) -> (i32, i32) {
    %c0_i32 = arith.constant 0 : i32
    %c0_i32_0 = arith.constant 0 : i32
    %c0_i32_1 = arith.constant 0 : i32
    return %c0_i32, %c0_i32_0 : i32, i32
  }
  func.func @transform_28(%arg0: i32) -> (i32, i32) {
    %c0_i32 = arith.constant 0 : i32
    %c0_i32_0 = arith.constant 0 : i32
    %c0_i32_1 = arith.constant 0 : i32
    return %c0_i32, %c0_i32_0 : i32, i32
  }
  func.func @transform_29(%arg0: i32) -> (i32, i32) {
    %c0_i32 = arith.constant 0 : i32
    %c0_i32_0 = arith.constant 0 : i32
    %c0_i32_1 = arith.constant 0 : i32
    return %c0_i32, %c0_i32_0 : i32, i32
  }
  func.func @transform_30(%arg0: i32) -> (i32, i32) {
    %c0_i32 = arith.constant 0 : i32
    %c0_i32_0 = arith.constant 0 : i32
    %c0_i32_1 = arith.constant 0 : i32
    return %c0_i32, %c0_i32_0 : i32, i32
  }
  func.func @transform_31(%arg0: i32) -> (i32, i32) {
    %c0_i32 = arith.constant 0 : i32
    %c0_i32_0 = arith.constant 0 : i32
    %c0_i32_1 = arith.constant 0 : i32
    return %c0_i32, %c0_i32_0 : i32, i32
  }
  func.func @transform_32(%arg0: i32) -> (i32, i32) {
    %c0_i32 = arith.constant 0 : i32
    %c0_i32_0 = arith.constant 0 : i32
    %c0_i32_1 = arith.constant 0 : i32
    return %c0_i32, %c0_i32_0 : i32, i32
  }
  func.func @transform_33(%arg0: i32) -> (i32, i32) {
    %c0_i32 = arith.constant 0 : i32
    %c0_i32_0 = arith.constant 0 : i32
    %c0_i32_1 = arith.constant 0 : i32
    return %c0_i32, %c0_i32_0 : i32, i32
  }
  func.func @transform_34(%arg0: i32) -> (i32, i32) {
    %c0_i32 = arith.constant 0 : i32
    %c0_i32_0 = arith.constant 0 : i32
    %c0_i32_1 = arith.constant 0 : i32
    return %c0_i32, %c0_i32_0 : i32, i32
  }
  func.func @transform_35(%arg0: i32) -> (i32, i32) {
    %c0_i32 = arith.constant 0 : i32
    %c0_i32_0 = arith.constant 0 : i32
    %c0_i32_1 = arith.constant 0 : i32
    return %c0_i32, %c0_i32_0 : i32, i32
  }
  func.func @transform_36(%arg0: i32) -> (i32, i32) {
    %c0_i32 = arith.constant 0 : i32
    %c0_i32_0 = arith.constant 0 : i32
    %c0_i32_1 = arith.constant 0 : i32
    return %c0_i32, %c0_i32_0 : i32, i32
  }
  func.func @transform_37(%arg0: i32) -> (i32, i32) {
    %c0_i32 = arith.constant 0 : i32
    %c0_i32_0 = arith.constant 0 : i32
    %c0_i32_1 = arith.constant 0 : i32
    return %c0_i32, %c0_i32_0 : i32, i32
  }
  func.func @transform_38(%arg0: i32) -> (i32, i32, i32) {
    %c0_i32 = arith.constant 0 : i32
    %c0_i32_0 = arith.constant 0 : i32
    %c0_i32_1 = arith.constant 0 : i32
    return %arg0, %c0_i32, %c0_i32_0 : i32, i32, i32
  }
}

</mosaic_0001>

<sc_bundles>
// kernel: kernel.6.cloned.1.call-start
scs
__scs_entry_jumppad:
0x0: {  	(pc) =	sbr.rel $0x88, $3  }
0x1: {  	(tag) =	ssettag $0x0;
	lr =	simm.s32 $0x1  }
0x2: {  	[smem:$0x3F85] =	sst lr;
	_ =	strace $0xD0000000  }
0x3: {  	_ = 	snop  }
0x4: {  	_ = 	snop  }
0x5: {  	_ = 	snop  }
0x6: {  	_ = 	snop  }
0x7: {  	_ = 	snop  }
__scs_overlays_trampoline_lowered:
0x8: {  	[smem:$0x3F94] =	sst s0  }
0x9: {  	[smem:$0x3F95] =	sst s1  }
0xa: {  	[smem:$0x3F96] =	sst s2  }
0xb: {  	[smem:$0x3F97] =	sst s3  }
0xc: {  	[smem:$0x3F98] =	sst s4  }
0xd: {  	[smem:$0x3F99] =	sst s5  }
0xe: {  	[smem:$0x3F9A] =	sst s6  }
0xf: {  	[smem:$0x3F9B] =	sst s7  }
0x10: {  	[smem:$0x3F9C] =	sst s8  }
0x11: {  	[smem:$0x3F9D] =	sst s9;
	s0 =	simm.s32 @!p0 $0x0  }
0x12: {  	s1 =	sld [smem:$0x3F83];
	s0 =	simm.s32 @p0 $0x1  }
0x13: {  	[smem:$0x3F9E] =	sst s0;
	s0 =	simm.s32 @!p1 $0x0  }
0x14: {  	s2 =	sld [smem:$0x3F82];
	s0 =	simm.s32 @p1 $0x1  }
0x15: {  	[smem:$0x3F9F] =	sst s0;
	s0 =	simm.s32 @!p2 $0x0  }
0x16: {  	s3 =	sld [smem:$0x3FDB];
	s0 =	simm.s32 @p2 $0x1  }
0x17: {  	s4 =	simm.s32 $0x1BF5;
	[smem:$0x3FA1] =	sst s0  }
0x18: {  	s0 =	sld [smem:$0x3F84];
	_ =	swait.ge [sflag:s4], $0x0  }
0x19: {  	s7 =	sld [smem:$0x3F85]  }
0x1a: {  	s8 =	sadd.s32 $0xFFFFE003, lr  }
0x1b: {  	s9 =	sadd.s32 $0xFFFFFEF7, lr;
	s5 =	simm.s32 $0xFFFFFFFF;
	p2 =	slt.u32 s8, $0xFFFFF086  }
0x1c: {  	p1 =	slt.u32 s9, $0xF7A;
	s5 =	simm.s32 @!p2 $0x0  }
0x1d: {  	s5 =	simm.s32 @p1 $0x1;
	p0 =	seq.s32 s7, s2  }
0x1e: {  	s7 =	smul.u32 @!p0 $0xF7A, s2;
	p2 =	seq.s32 @!p0 s5, $0x0  }
0x1f: {  	s9 =	smul.u32 $0xF7A, s1;
	s8 =	simm.s32 @!p0 $0x1BF5;
	p2 =	por !p2, p0  }
0x20: {  	[sflag:s8] =	ssyncset.s32 @!p0 $0xFFFFF086;
	s6 =	sadd.s32 @!p0 s3, s7;
	s7 =	simm.s32 @!p0 $0x108  }
0x21: {  	s3 =	sadd.s32 s3, s9;
	s6 =	sadd.s32 @!p0 $0x88, s6;
	s7 =	simm.s32 @p2 $0x1082  }
0x22: {  	[simem:s7], [sflag:s8] =	dma.local @!p0 [hbm:s6], $0xF7A  }
0x23: {  	s9 =	sor.u32 $0xD0000000, s2;
	s6 =	simm.s32 $0x108;
	_ =	swait.ge @!p0 [sflag:s8], $0x0  }
0x24: {  	s3 =	sadd.s32 $0x88, s3;
	s6 =	simm.s32 @!p1 $0x1082;
	[sflag:s4] =	ssyncset.s32 $0xFFFFF086  }
0x25: {  	[simem:s6], [sflag:s4] =	dma.local [hbm:s3], $0xF7A  }
0x26: {  	[smem:$0x3F85] =	sst s1;
	(tag) =	ssettag s2;
	_ =	strace s9  }
0x27: {  	s1 =	sld [smem:$0x3F95]  }
0x28: {  	s2 =	sld [smem:$0x3F96]  }
0x29: {  	s4 =	sld [smem:$0x3F98]  }
0x2a: {  	p0 =	seq.s32 s5, $0x0;
	s5 =	sld [smem:$0x3F99]  }
0x2b: {  	s6 =	sld [smem:$0x3F9A]  }
0x2c: {  	s7 =	sld [smem:$0x3F9B]  }
0x2d: {  	s3 =	simm.s32 $0x108;
	s8 =	sld [smem:$0x3F9C]  }
0x2e: {  	s3 =	simm.s32 @!p0 $0x1082;
	s9 =	sld [smem:$0x3F9D]  }
0x2f: {  	lr =	sadd.s32 s0, s3;
	s0 =	sld [smem:$0x3F94]  }
0x30: {  	s3 =	sld [smem:$0x3F97]  }
0x31: {  	[smem:$0x3FA0] =	sst s10  }
0x32: {  	s10 =	sld [smem:$0x3F9E];
	_ =	sdelay $0x3  }
0x33: {  	p0 =	seq.s32 s10, $0x1;
	s10 =	sld [smem:$0x3FA0];
	_ =	sdelay $0x3  }
0x34: {  	[smem:$0x3FA0] =	sst s10  }
0x35: {  	s10 =	sld [smem:$0x3F9F];
	_ =	sdelay $0x3  }
0x36: {  	p1 =	seq.s32 s10, $0x1;
	s10 =	sld [smem:$0x3FA0];
	_ =	sdelay $0x3  }
0x37: {  	[smem:$0x3FA0] =	sst s10  }
0x38: {  	s10 =	sld [smem:$0x3FA1]  }
0x39: {  	_ = 	snop;
	(pc) =	sbr.ind lr, $3  }
0x3a: {  	_ = 	snop  }
0x3b: {  	_ = 	snop  }
0x3c: {  	p2 =	seq.s32 s10, $0x1;
	s10 =	sld [smem:$0x3FA0]  }
0x3d: {  	_ =	shalt  }
0x3e: {  	_ =	shalt  }
0x3f: {  	_ =	shalt  }
0x40: {  	_ =	shalt  }
0x41: {  	_ =	shalt  }
0x42: {  	_ =	shalt  }
0x43: {  	_ =	shalt  }
0x44: {  	_ =	shalt  }
0x45: {  	_ =	shalt  }
0x46: {  	_ =	shalt  }
0x47: {  	_ =	shalt  }
0x48: {  	_ =	shalt  }
0x49: {  	_ =	shalt  }
0x4a: {  	_ =	shalt  }
0x4b: {  	_ =	shalt  }
0x4c: {  	_ =	shalt  }
0x4d: {  	_ =	shalt  }
0x4e: {  	_ =	shalt  }
0x4f: {  	_ =	shalt  }
0x50: {  	_ =	shalt  }
0x51: {  	_ =	shalt  }
0x52: {  	_ =	shalt  }
0x53: {  	_ =	shalt  }
0x54: {  	_ =	shalt  }
0x55: {  	_ =	shalt  }
0x56: {  	_ =	shalt  }
0x57: {  	_ =	shalt  }
0x58: {  	_ =	shalt  }
0x59: {  	_ =	shalt  }
0x5a: {  	_ =	shalt  }
0x5b: {  	_ =	shalt  }
0x5c: {  	_ =	shalt  }
0x5d: {  	_ =	shalt  }
0x5e: {  	_ =	shalt  }
0x5f: {  	_ =	shalt  }
0x60: {  	_ =	shalt  }
0x61: {  	_ =	shalt  }
0x62: {  	_ =	shalt  }
0x63: {  	_ =	shalt  }
0x64: {  	_ =	shalt  }
0x65: {  	_ =	shalt  }
0x66: {  	_ =	shalt  }
0x67: {  	_ =	shalt  }
0x68: {  	_ =	shalt  }
0x69: {  	_ =	shalt  }
0x6a: {  	_ =	shalt  }
0x6b: {  	_ =	shalt  }
0x6c: {  	_ =	shalt  }
0x6d: {  	_ =	shalt  }
0x6e: {  	_ =	shalt  }
0x6f: {  	_ =	shalt  }
0x70: {  	_ =	shalt  }
0x71: {  	_ =	shalt  }
0x72: {  	_ =	shalt  }
0x73: {  	_ =	shalt  }
0x74: {  	_ =	shalt  }
0x75: {  	_ =	shalt  }
0x76: {  	_ =	shalt  }
0x77: {  	_ =	shalt  }
0x78: {  	_ =	shalt  }
0x79: {  	_ =	shalt  }
0x7a: {  	_ =	shalt  }
0x7b: {  	_ =	shalt  }
0x7c: {  	_ =	shalt  }
0x7d: {  	_ =	shalt  }
0x7e: {  	_ =	shalt  }
0x7f: {  	_ =	shalt  }
0x80: {  	_ =	shalt  }
0x81: {  	_ =	shalt  }
0x82: {  	_ =	shalt  }
0x83: {  	_ =	shalt  }
0x84: {  	_ =	shalt  }
0x85: {  	_ =	shalt  }
0x86: {  	_ =	shalt  }
0x87: {  	_ =	shalt  }
.Lfunc_end0:
.L_simem_size_0:
called_computation_lowered:
.L_overlay_start_0:
0x88: {  	s2 =	sld [smem:$0x3FD9]  }
0x89: {  	s3 =	sld [smem:$0x3FFE];
	_ =	sdelay $0x1  }
0x8a: {  	s1 =	srdreg.scid  }
0x8b: {  	s0 =	sand.u32 $0x1, s1  }
0x8c: {  	s17 =	sshll.u32 s0, $0xA;
	s2 =	sadd.s32 s3, s2  }
0x8d: {  	s2 =	sadd.s32 s2, s17  }
0x8e: {  	[smem:$0x3FAC] =	sst s2  }
0x8f: {  	_ = 	snop  }
0x90: {  	s2 =	sld [smem:$0x3FC6]  }
0x91: {  	s18 =	sld [smem:$0x3FC5]  }
0x92: {  	s4 =	sld [smem:$0x3FBE];
	(tm) =	ssettm $0x1  }
0x93: {  	s5 =	sld [smem:$0x3FFB];
	_ =	sdelay $0x3  }
0x94: {  	_ =	strace s5  }
0x95: {  	s5 =	sld [smem:$0x3FFC];
	_ =	sdelay $0x3  }
0x96: {  	_ =	strace s5  }
0x97: {  	s5 =	sld [smem:$0x3FFD];
	_ =	sdelay $0x3  }
0x98: {  	_ =	strace s5  }
0x99: {  	_ =	strace $0x8FFFFFFF  }
0x9a: {  	s19 =	sld [smem:$0x3FDB];
	_ =	sdelay $0x1  }
0x9b: {  	s6 =	simm.s32 $_scs_section_size  }
0x9c: {  	s7 =	simm.s32 $_size__tile_overlayer_lowered;
	s8 =	simm.s32 $_tile_overlayer_lowered  }
0x9d: {  	s22 =	simm.s32 $0x1BFF;
	s21 =	sshll.u32 s8, $0x1;
	s5 =	sadd.s32 s6, s19  }
0x9e: {  	s9 =	simm.s32 $0x0;
	s20 =	sshll.u32 s7, $0x1;
	s7 =	sadd.s32 s21, s5  }
0x9f: {  	[timem:s9], [sflag:s22] =	dma.local [hbm:s7], s20  }
0xa0: {  	_ =	swait.ge [sflag:s22], s20  }
0xa1: {  	s6 =	ssub.s32 $0x0, s20;
	[sflag:s22] =	ssyncset.done $0x0  }
0xa2: {  	[sflag:s22] =	ssyncadd.s32 s6;
	_ =	sdelay $0x1  }
0xa3: {  	s23 =	simm.s32 $0x1B8B  }
0xa4: {  	_ =	swait.ge [sflag:s23], $0x1  }
0xa5: {  	[sflag:s23] =	ssyncset.done $0x0  }
0xa6: {  	s25 =	simm.s32 $0x1B8E;
	s24 =	sld [smem:$0x3FFE];
	[sflag:s23] =	ssyncadd.s32 $0xFFFFFFFF  }
0xa7: {  	s26 =	simm.s32 $execute0_lowered;
	[smem:$0x3FD2] =	sst s25  }
0xa8: {  	s7 =	sshll.u32 s26, $0x1;
	_ =	strace $0x80000046;
	[dreg:$0x1] =	wrdreg $0xFFFFFFFF  }
0xa9: {  	s28 =	simm.s32 $_size_execute0_lowered;
	s5 =	sadd.s32 s5, s7;
	[dreg:$0x0] =	wrdreg $0x0  }
0xaa: {  	s7 =	sshll.u32 s28, $0x1;
	[dreg:$0x2] =	wrdreg s5  }
0xab: {  	[dreg:$0x3] =	wrdreg s7  }
0xac: {  	[dreg:$0x4] =	wrdreg $0xC0  }
0xad: {  	_ =	task [dreg:s9], $0x5FFFF  }
0xae: {  	[dreg:$0x1] =	wrdreg $0xFFFFFFFF  }
0xaf: {  	[dreg:$0x0] =	wrdreg $0x60  }
0xb0: {  	[dreg:$0x2] =	wrdreg s2  }
0xb1: {  	[dreg:$0x3] =	wrdreg s18  }
0xb2: {  	[dreg:$0x4] =	wrdreg s4  }
0xb3: {  	[dreg:$0x5] =	wrdreg s24  }
0xb4: {  	[dreg:$0x6] =	wrdreg $0x9  }
0xb5: {  	_ =	task.clear_ibuf [dreg:s9], $0x7FFFF;
	_ =	strace $0x90000046  }
0xb6: {  	s29 =	simm.s32 $0x9;
	_ =	strace $0x80000048  }
0xb7: {  	_ =	swait.ge [sflag:s29], $0x1  }
0xb8: {  	[sflag:s29] =	ssyncadd.s32 $0xFFFFFFFF  }
0xb9: {  	_ =	strace $0x90000048  }
0xba: {  	_ =	sfence  }
0xbb: {  	s30 =	sld [smem:$0x0];
	_ =	sdelay $0x2  }
0xbc: {  	s31 =	sshll.u32 s1, $0xD;
	s1 =	sshrl.u32 s1, $0x2  }
0xbd: {  	s3 =	sand.u32 $0x4000, s31;
	s1 =	sadd.s32 s1, s30  }
0xbe: {  	s0 =	sor.u32 s3, s0;
	s1 =	sshll.u32 s1, $0x11  }
0xbf: {  	s0 =	sor.u32 s1, s0  }
0xc0: {  	s0 =	sadd.s32 $0x8F2B, s0  }
0xc1: {  	[sflag:s0] =	ssyncadd.remote.s32 $0x1  }
0xc2: {  	_ =	sfence.sel $0xFFFF  }
0xc3: {  	[dreg:$0x0] =	wrdreg $0xFFFFFFFF;
	(pc) =	sbr.abs _section_cstart, $3  }
0xc4: {  	[dreg:$0x1] =	wrdreg $0xFFFFFFFF  }
0xc5: {  	_ =	task.clear_ibuf [dreg:s9], $0x2FFFF;
	_ =	strace $0x9FFFFFFF  }
0xc6: {  	(tm) =	ssettm $0x7FFFFFFF  }
0xc7: {  	_ =	shalt  }
tec
execute0_lowered:
.L_overlay_start_1:
0x0: {  	(tag) =	ssettag $0x1  }
0x1: {  	s1 =	rddreg [dreg:$0x0]  }
0x2: {  	s2 =	srdreg.scid;
	s0 =	stileid.u32  }
0x3: {  	s3 =	rddreg [dreg:$0x1];
	s25 =	sand.u32 $0x1, s2;
	s30 =	sshll.u32 s0, $0x1  }
0x4: {  	s4 =	rddreg [dreg:$0x2];
	s18 =	sor.u32 s25, s30  }
0x5: {  	s24 =	rddreg [dreg:$0x3];
	s6 =	smul.u32 $0x64, s18  }
0x6: {  	s5 =	simm.s32 $0x0;
	s2 =	rddreg [dreg:$0x4]  }
0x7: {  	[smem:$0x7FF] =	sst s5;
	s22 =	sadd.s32 s6, s24  }
0x8: {  	_ =	strace $0x80000047;
	s6 =	simm.s32 $0x3;
	s7 =	sadd.s32 $0x4E00, s22  }
0x9: {  	[tilespmem:s5], [sflag:$0x3] =	stream.linear.gather [hbm4b:s7+s5], $0x320, $0x38;
	[tilespmem:$0x19700] =	vst v63  }
0xa: {  	_ =	swait.ge [sflag:s6], $0x320  }
0xb: {  	[sflag:s6] =	ssyncset.done $0x0  }
0xc: {  	s9 =	simm.s32 $0x380;
	s8 =	sadd.s32 $0x6A00, s22;
	[sflag:s6] =	ssyncadd.s32 $0xFFFFFCE0  }
0xd: {  	[tilespmem:s9], [sflag:$0x3] =	stream.linear.gather [hbm4b:s8+s5], $0x320, $0x38;
	[tilespmem:$0x19700] =	vst v63  }
0xe: {  	_ =	swait.ge [sflag:s6], $0x320  }
0xf: {  	[sflag:s6] =	ssyncset.done $0x0  }
0x10: {  	s10 =	simm.s32 $0x190;
	s11 =	simm.s32 $0x700;
	[sflag:s6] =	ssyncadd.s32 $0xFFFFFCE0  }
0x11: {  	[tilespmem:s11], [sflag:$0x1] =	stream.indirect.gather [hbm4b:s1+s10], $0x80, s5, s10, $0xb8;
	[tilespmem:$0x19700] =	vst v63  }
0x12: {  	s12 =	simm.s32 $0xCF00;
	s13 =	simm.s32 $0x1  }
0x13: {  	[tilespmem:s12], [sflag:$0x2] =	stream.indirect.gather [hbm4b:s3+s10], $0x80, s9, s10, $0xb8;
	[tilespmem:$0x19700] =	vst v63  }
0x14: {  	s26 =	smul.u32 $0x3200, s18;
	_ =	swait.ge [sflag:s13], $0xC800  }
0x15: {  	s19 =	sadd.s32 $0xAA00, s24;
	[sflag:s13] =	ssyncset.done $0x0  }
0x16: {  	s14 =	sadd.s32 s19, s26;
	[sflag:s13] =	ssyncadd.s32 $0xFFFF3800  }
0x17: {  	[hbm4b:s14+s5] =	stream.linear.scatter [tilespmem:s11], [sflag:$0x3], $0xC800, $0x38;
	[tilespmem:$0x19700] =	vst v63  }
0x18: {  	_ =	swait.ge [sflag:s6], $0xC800  }
0x19: {  	[sflag:s6] =	ssyncset.done $0x0  }
0x1a: {  	s15 =	simm.s32 $0x2;
	[sflag:s6] =	ssyncadd.s32 $0xFFFF3800  }
0x1b: {  	[tilespmem:s11], [sflag:$0x1] =	stream.indirect.gather [hbm4b:s4+s10], $0x80, s9, s10, $0xb8;
	[tilespmem:$0x19700] =	vst v63  }
0x1c: {  	_ =	swait.ge [sflag:s15], $0xC800  }
0x1d: {  	s20 =	sadd.s32 $0x6EA00, s24;
	[sflag:s15] =	ssyncset.done $0x0  }
0x1e: {  	s16 =	sadd.s32 s20, s26;
	[sflag:s15] =	ssyncadd.s32 $0xFFFF3800  }
0x1f: {  	[hbm4b:s16+s5] =	stream.linear.scatter [tilespmem:s12], [sflag:$0x3], $0xC800, $0x38;
	[tilespmem:$0x19700] =	vst v63  }
0x20: {  	_ =	swait.ge [sflag:s6], $0xC800  }
0x21: {  	[sflag:s6] =	ssyncset.done $0x0  }
0x22: {  	[sflag:s6] =	ssyncadd.s32 $0xFFFF3800  }
0x23: {  	[tilespmem:s12], [sflag:$0x2] =	stream.indirect.gather [hbm4b:s1+s10], $0x80, s10, s10, $0xb8;
	[tilespmem:$0x19700] =	vst v63  }
0x24: {  	_ =	swait.ge [sflag:s13], $0xC800  }
0x25: {  	s21 =	sadd.s32 $0xD2A00, s24;
	[sflag:s13] =	ssyncset.done $0x0  }
0x26: {  	s17 =	sadd.s32 s21, s26;
	[sflag:s13] =	ssyncadd.s32 $0xFFFF3800  }
0x27: {  	[hbm4b:s17+s5] =	stream.linear.scatter [tilespmem:s11], [sflag:$0x3], $0xC800, $0x38;
	[tilespmem:$0x19700] =	vst v63  }
0x28: {  	_ =	swait.ge [sflag:s6], $0xC800  }
0x29: {  	[sflag:s6] =	ssyncset.done $0x0  }
0x2a: {  	s23 =	smul.u32 $0x19000, s18;
	s18 =	simm.s32 $0x510;
	[sflag:s6] =	ssyncadd.s32 $0xFFFF3800  }
0x2b: {  	[tilespmem:s11], [sflag:$0x1] =	stream.indirect.gather [hbm4b:s3+s10], $0x80, s18, s10, $0xb8;
	[tilespmem:$0x19700] =	vst v63  }
0x2c: {  	s23 =	sshrl.u32 s23, $0x3;
	_ =	swait.ge [sflag:s15], $0xC800  }
0x2d: {  	s28 =	sadd.s32 $0x1900, s23;
	[sflag:s15] =	ssyncset.done $0x0  }
0x2e: {  	s19 =	sadd.s32 s19, s28;
	[sflag:s15] =	ssyncadd.s32 $0xFFFF3800  }
0x2f: {  	[hbm4b:s19+s5] =	stream.linear.scatter [tilespmem:s12], [sflag:$0x3], $0xC800, $0x38;
	[tilespmem:$0x19700] =	vst v63  }
0x30: {  	_ =	swait.ge [sflag:s6], $0xC800  }
0x31: {  	[sflag:s6] =	ssyncset.done $0x0  }
0x32: {  	[sflag:s6] =	ssyncadd.s32 $0xFFFF3800  }
0x33: {  	[tilespmem:s12], [sflag:$0x2] =	stream.indirect.gather [hbm4b:s4+s10], $0x80, s18, s10, $0xb8;
	[tilespmem:$0x19700] =	vst v63  }
0x34: {  	_ =	swait.ge [sflag:s13], $0xC800  }
0x35: {  	[sflag:s13] =	ssyncset.done $0x0  }
0x36: {  	s20 =	sadd.s32 s20, s28;
	[sflag:s13] =	ssyncadd.s32 $0xFFFF3800  }
0x37: {  	[hbm4b:s20+s5] =	stream.linear.scatter [tilespmem:s11], [sflag:$0x3], $0xC800, $0x38;
	[tilespmem:$0x19700] =	vst v63  }
0x38: {  	_ =	swait.ge [sflag:s6], $0xC800  }
0x39: {  	[sflag:s6] =	ssyncset.done $0x0  }
0x3a: {  	[sflag:s6] =	ssyncadd.s32 $0xFFFF3800  }
0x3b: {  	_ =	swait.ge [sflag:s15], $0xC800  }
0x3c: {  	[sflag:s15] =	ssyncset.done $0x0  }
0x3d: {  	s21 =	sadd.s32 s21, s28;
	[sflag:s15] =	ssyncadd.s32 $0xFFFF3800  }
0x3e: {  	[hbm4b:s21+s5] =	stream.linear.scatter [tilespmem:s12], [sflag:$0x3], $0xC800, $0x38;
	[tilespmem:$0x19700] =	vst v63  }
0x3f: {  	_ =	swait.ge [sflag:s6], $0xC800  }
0x40: {  	[sflag:s6] =	ssyncset.done $0x0  }
0x41: {  	s22 =	sadd.s32 $0x5C00, s22;
	[sflag:s6] =	ssyncadd.s32 $0xFFFF3800  }
0x42: {  	[tilespmem:s5], [sflag:$0x3] =	stream.linear.gather [hbm4b:s22+s5], $0x320, $0x38;
	[tilespmem:$0x19700] =	vst v63  }
0x43: {  	_ =	swait.ge [sflag:s6], $0x320  }
0x44: {  	[sflag:s6] =	ssyncset.done $0x0  }
0x45: {  	s23 =	sadd.s32 $0x7800, s24;
	[sflag:s6] =	ssyncadd.s32 $0xFFFFFCE0  }
0x46: {  	[tilespmem:s11], [sflag:$0x1] =	stream.indirect.gather [hbm4b:s23+s10], $0x80, s5, s10, $0xb8;
	[tilespmem:$0x19700] =	vst v63  }
0x47: {  	_ = 	snop  }
0x48: {  	[tilespmem:s12], [sflag:$0x2] =	stream.indirect.gather [hbm4b:s23+s10], $0x80, s10, s10, $0xb8;
	[tilespmem:$0x19700] =	vst v63  }
0x49: {  	_ =	swait.ge [sflag:s13], $0xC800  }
0x4a: {  	s29 =	sadd.s32 $0x136A00, s24;
	[sflag:s13] =	ssyncset.done $0x0  }
0x4b: {  	s25 =	ssub.s32 $0x2, s25;
	s24 =	sadd.s32 s29, s26;
	[sflag:s13] =	ssyncadd.s32 $0xFFFF3800  }
0x4c: {  	[hbm4b:s24+s5] =	stream.linear.scatter [tilespmem:s11], [sflag:$0x3], $0xC800, $0x38;
	[tilespmem:$0x19700] =	vst v63  }
0x4d: {  	s31 =	sshrl.u32 s25, $0x1;
	_ =	swait.ge [sflag:s6], $0xC800  }
0x4e: {  	s26 =	ssub.s32 s25, s31;
	[sflag:s6] =	ssyncset.done $0x0  }
0x4f: {  	s26 =	smax.u32 s26, $0x1;
	[sflag:s6] =	ssyncadd.s32 $0xFFFF3800  }
0x50: {  	p0 =	sne.s32 s26, $0x1;
	_ =	swait.ge [sflag:s15], $0xC800  }
.Ltmp0:
0x51: {  	[sflag:s15] =	ssyncset.done $0x0;
	(pc) =	sbr.rel @!p0 .LBB2_2-.Ltmp0, $4  }
0x52: {  	s25 =	sadd.s32 s29, s28;
	[sflag:s15] =	ssyncadd.s32 $0xFFFF3800  }
0x53: {  	[hbm4b:s25+s5] =	stream.linear.scatter [tilespmem:s12], [sflag:$0x3], $0xC800, $0x38;
	[tilespmem:$0x19700] =	vst v63  }
0x54: {  	_ =	swait.ge [sflag:s6], $0xC800  }
0x55: {  	s26 =	sadd.s32 $0xFFFFFFFF, s26;
	[sflag:s6] =	ssyncset.done $0x0  }
.LBB2_1:
0x56: {  	p0 =	sne.s32 s26, $0x1;
	s26 =	sadd.s32 $0xFFFFFFFF, s26;
	[sflag:s6] =	ssyncadd.s32 $0xFFFF3800  }
0x57: {  	[tilespmem:s5], [sflag:$0x3] =	stream.linear.gather [hbm4b:s7+s5], $0x320, $0x38;
	[tilespmem:$0x19700] =	vst v63  }
0x58: {  	_ =	swait.ge [sflag:s6], $0x320  }
0x59: {  	[sflag:s6] =	ssyncset.done $0x0  }
0x5a: {  	[sflag:s6] =	ssyncadd.s32 $0xFFFFFCE0  }
0x5b: {  	[tilespmem:s9], [sflag:$0x3] =	stream.linear.gather [hbm4b:s8+s5], $0x320, $0x38;
	[tilespmem:$0x19700] =	vst v63  }
0x5c: {  	_ =	swait.ge [sflag:s6], $0x320  }
0x5d: {  	[sflag:s6] =	ssyncset.done $0x0  }
0x5e: {  	[sflag:s6] =	ssyncadd.s32 $0xFFFFFCE0  }
0x5f: {  	[tilespmem:s11], [sflag:$0x1] =	stream.indirect.gather [hbm4b:s1+s10], $0x80, s5, s10, $0xb8;
	[tilespmem:$0x19700] =	vst v63  }
0x60: {  	_ = 	snop  }
0x61: {  	[tilespmem:s12], [sflag:$0x2] =	stream.indirect.gather [hbm4b:s3+s10], $0x80, s9, s10, $0xb8;
	[tilespmem:$0x19700] =	vst v63  }
0x62: {  	_ =	swait.ge [sflag:s13], $0xC800  }
0x63: {  	[sflag:s13] =	ssyncset.done $0x0  }
0x64: {  	[sflag:s13] =	ssyncadd.s32 $0xFFFF3800  }
0x65: {  	[hbm4b:s14+s5] =	stream.linear.scatter [tilespmem:s11], [sflag:$0x3], $0xC800, $0x38;
	[tilespmem:$0x19700] =	vst v63  }
0x66: {  	_ =	swait.ge [sflag:s6], $0xC800  }
0x67: {  	[sflag:s6] =	ssyncset.done $0x0  }
0x68: {  	[sflag:s6] =	ssyncadd.s32 $0xFFFF3800  }
0x69: {  	[tilespmem:s11], [sflag:$0x1] =	stream.indirect.gather [hbm4b:s4+s10], $0x80, s9, s10, $0xb8;
	[tilespmem:$0x19700] =	vst v63  }
0x6a: {  	_ =	swait.ge [sflag:s15], $0xC800  }
0x6b: {  	[sflag:s15] =	ssyncset.done $0x0  }
0x6c: {  	[sflag:s15] =	ssyncadd.s32 $0xFFFF3800  }
0x6d: {  	[hbm4b:s16+s5] =	stream.linear.scatter [tilespmem:s12], [sflag:$0x3], $0xC800, $0x38;
	[tilespmem:$0x19700] =	vst v63  }
0x6e: {  	_ =	swait.ge [sflag:s6], $0xC800  }
0x6f: {  	[sflag:s6] =	ssyncset.done $0x0  }
0x70: {  	[sflag:s6] =	ssyncadd.s32 $0xFFFF3800  }
0x71: {  	[tilespmem:s12], [sflag:$0x2] =	stream.indirect.gather [hbm4b:s1+s10], $0x80, s10, s10, $0xb8;
	[tilespmem:$0x19700] =	vst v63  }
0x72: {  	_ =	swait.ge [sflag:s13], $0xC800  }
0x73: {  	[sflag:s13] =	ssyncset.done $0x0  }
0x74: {  	[sflag:s13] =	ssyncadd.s32 $0xFFFF3800  }
0x75: {  	[hbm4b:s17+s5] =	stream.linear.scatter [tilespmem:s11], [sflag:$0x3], $0xC800, $0x38;
	[tilespmem:$0x19700] =	vst v63  }
0x76: {  	_ =	swait.ge [sflag:s6], $0xC800  }
0x77: {  	[sflag:s6] =	ssyncset.done $0x0  }
0x78: {  	[sflag:s6] =	ssyncadd.s32 $0xFFFF3800  }
0x79: {  	[tilespmem:s11], [sflag:$0x1] =	stream.indirect.gather [hbm4b:s3+s10], $0x80, s18, s10, $0xb8;
	[tilespmem:$0x19700] =	vst v63  }
0x7a: {  	_ =	swait.ge [sflag:s15], $0xC800  }
0x7b: {  	[sflag:s15] =	ssyncset.done $0x0  }
0x7c: {  	[sflag:s15] =	ssyncadd.s32 $0xFFFF3800  }
0x7d: {  	[hbm4b:s19+s5] =	stream.linear.scatter [tilespmem:s12], [sflag:$0x3], $0xC800, $0x38;
	[tilespmem:$0x19700] =	vst v63  }
0x7e: {  	_ =	swait.ge [sflag:s6], $0xC800  }
0x7f: {  	[sflag:s6] =	ssyncset.done $0x0  }
0x80: {  	[sflag:s6] =	ssyncadd.s32 $0xFFFF3800  }
0x81: {  	[tilespmem:s12], [sflag:$0x2] =	stream.indirect.gather [hbm4b:s4+s10], $0x80, s18, s10, $0xb8;
	[tilespmem:$0x19700] =	vst v63  }
0x82: {  	_ =	swait.ge [sflag:s13], $0xC800  }
0x83: {  	[sflag:s13] =	ssyncset.done $0x0  }
0x84: {  	[sflag:s13] =	ssyncadd.s32 $0xFFFF3800  }
0x85: {  	[hbm4b:s20+s5] =	stream.linear.scatter [tilespmem:s11], [sflag:$0x3], $0xC800, $0x38;
	[tilespmem:$0x19700] =	vst v63  }
0x86: {  	_ =	swait.ge [sflag:s6], $0xC800  }
0x87: {  	[sflag:s6] =	ssyncset.done $0x0  }
0x88: {  	[sflag:s6] =	ssyncadd.s32 $0xFFFF3800  }
0x89: {  	_ =	swait.ge [sflag:s15], $0xC800  }
0x8a: {  	[sflag:s15] =	ssyncset.done $0x0  }
0x8b: {  	[sflag:s15] =	ssyncadd.s32 $0xFFFF3800  }
0x8c: {  	[hbm4b:s21+s5] =	stream.linear.scatter [tilespmem:s12], [sflag:$0x3], $0xC800, $0x38;
	[tilespmem:$0x19700] =	vst v63  }
0x8d: {  	_ =	swait.ge [sflag:s6], $0xC800  }
0x8e: {  	[sflag:s6] =	ssyncset.done $0x0  }
0x8f: {  	[sflag:s6] =	ssyncadd.s32 $0xFFFF3800  }
0x90: {  	[tilespmem:s5], [sflag:$0x3] =	stream.linear.gather [hbm4b:s22+s5], $0x320, $0x38;
	[tilespmem:$0x19700] =	vst v63  }
0x91: {  	_ =	swait.ge [sflag:s6], $0x320  }
0x92: {  	[sflag:s6] =	ssyncset.done $0x0  }
0x93: {  	[sflag:s6] =	ssyncadd.s32 $0xFFFFFCE0  }
0x94: {  	[tilespmem:s11], [sflag:$0x1] =	stream.indirect.gather [hbm4b:s23+s10], $0x80, s5, s10, $0xb8;
	[tilespmem:$0x19700] =	vst v63  }
0x95: {  	_ = 	snop  }
0x96: {  	[tilespmem:s12], [sflag:$0x2] =	stream.indirect.gather [hbm4b:s23+s10], $0x80, s10, s10, $0xb8;
	[tilespmem:$0x19700] =	vst v63  }
0x97: {  	_ =	swait.ge [sflag:s13], $0xC800  }
0x98: {  	[sflag:s13] =	ssyncset.done $0x0  }
0x99: {  	[sflag:s13] =	ssyncadd.s32 $0xFFFF3800  }
0x9a: {  	[hbm4b:s24+s5] =	stream.linear.scatter [tilespmem:s11], [sflag:$0x3], $0xC800, $0x38;
	[tilespmem:$0x19700] =	vst v63  }
0x9b: {  	_ =	swait.ge [sflag:s6], $0xC800  }
0x9c: {  	[sflag:s6] =	ssyncset.done $0x0  }
0x9d: {  	[sflag:s6] =	ssyncadd.s32 $0xFFFF3800  }
0x9e: {  	_ =	swait.ge [sflag:s15], $0xC800  }
.Ltmp1:
0x9f: {  	[sflag:s15] =	ssyncset.done $0x0;
	(pc) =	sbr.rel @p0 .LBB2_1-.Ltmp1, $4  }
0xa0: {  	[sflag:s15] =	ssyncadd.s32 $0xFFFF3800  }
0xa1: {  	[hbm4b:s25+s5] =	stream.linear.scatter [tilespmem:s12], [sflag:$0x3], $0xC800, $0x38;
	[tilespmem:$0x19700] =	vst v63  }
0xa2: {  	_ =	swait.ge [sflag:s6], $0xC800  }
0xa3: {  	[sflag:s6] =	ssyncset.done $0x0  }
.LBB2_2:
0xa4: {  	[sflag:s6] =	ssyncadd.s32 $0xFFFF3800  }
0xa5: {  	_ =	sfence.sel $0x180000  }
0xa6: {  	[bflag:$0x0] =	sbarrier.arrive $0xFFFF  }
0xa7: {  	p0 =	sne.s32 s0, $0x0;
	_ =	strace $0x90000047  }
0xa8: {  	s0 =	sadd.s32 @!p0 $0x100000, s2;
	[bflag:$0x2] =	sbarrier.arrive $0xFFFF  }
0xa9: {  	[sflag:s0] =	ssyncadd.tile.s32 @!p0 $0x1;
	_ =	shalt  }
.Lfunc_end2:
_tile_overlayer_lowered:
.L_overlay_start_2:
0xaa: {  	(tag) =	ssettag $0x2  }
0xab: {  	s0 =	rddreg [dreg:$0x0];
	s2 =	stileid.u32  }
0xac: {  	s1 =	rddreg [dreg:$0x1];
	p0 =	sne.s32 s2, $0x0  }
0xad: {  	s3 =	rddreg [dreg:$0x2];
	[bflag:$0x3] =	sbarrier.arrive $0xFFFF;
	s2 =	simm.s32 @!p0 $0x1C03  }
0xae: {  	[timem:s3], [sflag:s2] =	dma.local @!p0 [hbm:s0], s1  }
0xaf: {  	s0 =	simm.s32 @!p0 $0x3  }
0xb0: {  	_ =	swait.ge @!p0 [sflag:s0], s1  }
0xb1: {  	s1 =	ssub.s32 @!p0 $0x0, s1;
	[sflag:s0] =	ssyncset.done @!p0 $0x0  }
0xb2: {  	[sflag:s0] =	ssyncadd.s32 @!p0 s1  }
0xb3: {  	[bflag:$0x3] =	sbarrier.arrive $0xFFFF  }
0xb4: {  	_ =	shalt  }

// kernel: kernel.9.cloned.1.call-start
scs
__scs_entry_jumppad:
0x0: {  	(pc) =	sbr.rel $0x88, $3  }
0x1: {  	(tag) =	ssettag $0x0;
	lr =	simm.s32 $0x1  }
0x2: {  	[smem:$0x3F85] =	sst lr;
	_ =	strace $0xD0000000  }
0x3: {  	_ = 	snop  }
0x4: {  	_ = 	snop  }
0x5: {  	_ = 	snop  }
0x6: {  	_ = 	snop  }
0x7: {  	_ = 	snop  }
__scs_overlays_trampoline_lowered:
0x8: {  	[smem:$0x3F94] =	sst s0  }
0x9: {  	[smem:$0x3F95] =	sst s1  }
0xa: {  	[smem:$0x3F96] =	sst s2  }
0xb: {  	[smem:$0x3F97] =	sst s3  }
0xc: {  	[smem:$0x3F98] =	sst s4  }
0xd: {  	[smem:$0x3F99] =	sst s5  }
0xe: {  	[smem:$0x3F9A] =	sst s6  }
0xf: {  	[smem:$0x3F9B] =	sst s7  }
0x10: {  	[smem:$0x3F9C] =	sst s8  }
0x11: {  	[smem:$0x3F9D] =	sst s9;
	s0 =	simm.s32 @!p0 $0x0  }
0x12: {  	s1 =	sld [smem:$0x3F83];
	s0 =	simm.s32 @p0 $0x1  }
0x13: {  	[smem:$0x3F9E] =	sst s0;
	s0 =	simm.s32 @!p1 $0x0  }
0x14: {  	s2 =	sld [smem:$0x3F82];
	s0 =	simm.s32 @p1 $0x1  }
0x15: {  	[smem:$0x3F9F] =	sst s0;
	s0 =	simm.s32 @!p2 $0x0  }
0x16: {  	s3 =	sld [smem:$0x3FDB];
	s0 =	simm.s32 @p2 $0x1  }
0x17: {  	s4 =	simm.s32 $0x1BF5;
	[smem:$0x3FA1] =	sst s0  }
0x18: {  	s0 =	sld [smem:$0x3F84];
	_ =	swait.ge [sflag:s4], $0x0  }
0x19: {  	s7 =	sld [smem:$0x3F85]  }
0x1a: {  	s8 =	sadd.s32 $0xFFFFE003, lr  }
0x1b: {  	s9 =	sadd.s32 $0xFFFFFEF7, lr;
	s5 =	simm.s32 $0xFFFFFFFF;
	p2 =	slt.u32 s8, $0xFFFFF086  }
0x1c: {  	p1 =	slt.u32 s9, $0xF7A;
	s5 =	simm.s32 @!p2 $0x0  }
0x1d: {  	s5 =	simm.s32 @p1 $0x1;
	p0 =	seq.s32 s7, s2  }
0x1e: {  	s7 =	smul.u32 @!p0 $0xF7A, s2;
	p2 =	seq.s32 @!p0 s5, $0x0  }
0x1f: {  	s9 =	smul.u32 $0xF7A, s1;
	s8 =	simm.s32 @!p0 $0x1BF5;
	p2 =	por !p2, p0  }
0x20: {  	[sflag:s8] =	ssyncset.s32 @!p0 $0xFFFFF086;
	s6 =	sadd.s32 @!p0 s3, s7;
	s7 =	simm.s32 @!p0 $0x108  }
0x21: {  	s3 =	sadd.s32 s3, s9;
	s6 =	sadd.s32 @!p0 $0x88, s6;
	s7 =	simm.s32 @p2 $0x1082  }
0x22: {  	[simem:s7], [sflag:s8] =	dma.local @!p0 [hbm:s6], $0xF7A  }
0x23: {  	s9 =	sor.u32 $0xD0000000, s2;
	s6 =	simm.s32 $0x108;
	_ =	swait.ge @!p0 [sflag:s8], $0x0  }
0x24: {  	s3 =	sadd.s32 $0x88, s3;
	s6 =	simm.s32 @!p1 $0x1082;
	[sflag:s4] =	ssyncset.s32 $0xFFFFF086  }
0x25: {  	[simem:s6], [sflag:s4] =	dma.local [hbm:s3], $0xF7A  }
0x26: {  	[smem:$0x3F85] =	sst s1;
	(tag) =	ssettag s2;
	_ =	strace s9  }
0x27: {  	s1 =	sld [smem:$0x3F95]  }
0x28: {  	s2 =	sld [smem:$0x3F96]  }
0x29: {  	s4 =	sld [smem:$0x3F98]  }
0x2a: {  	p0 =	seq.s32 s5, $0x0;
	s5 =	sld [smem:$0x3F99]  }
0x2b: {  	s6 =	sld [smem:$0x3F9A]  }
0x2c: {  	s7 =	sld [smem:$0x3F9B]  }
0x2d: {  	s3 =	simm.s32 $0x108;
	s8 =	sld [smem:$0x3F9C]  }
0x2e: {  	s3 =	simm.s32 @!p0 $0x1082;
	s9 =	sld [smem:$0x3F9D]  }
0x2f: {  	lr =	sadd.s32 s0, s3;
	s0 =	sld [smem:$0x3F94]  }
0x30: {  	s3 =	sld [smem:$0x3F97]  }
0x31: {  	[smem:$0x3FA0] =	sst s10  }
0x32: {  	s10 =	sld [smem:$0x3F9E];
	_ =	sdelay $0x3  }
0x33: {  	p0 =	seq.s32 s10, $0x1;
	s10 =	sld [smem:$0x3FA0];
	_ =	sdelay $0x3  }
0x34: {  	[smem:$0x3FA0] =	sst s10  }
0x35: {  	s10 =	sld [smem:$0x3F9F];
	_ =	sdelay $0x3  }
0x36: {  	p1 =	seq.s32 s10, $0x1;
	s10 =	sld [smem:$0x3FA0];
	_ =	sdelay $0x3  }
0x37: {  	[smem:$0x3FA0] =	sst s10  }
0x38: {  	s10 =	sld [smem:$0x3FA1]  }
0x39: {  	_ = 	snop;
	(pc) =	sbr.ind lr, $3  }
0x3a: {  	_ = 	snop  }
0x3b: {  	_ = 	snop  }
0x3c: {  	p2 =	seq.s32 s10, $0x1;
	s10 =	sld [smem:$0x3FA0]  }
0x3d: {  	_ =	shalt  }
0x3e: {  	_ =	shalt  }
0x3f: {  	_ =	shalt  }
0x40: {  	_ =	shalt  }
0x41: {  	_ =	shalt  }
0x42: {  	_ =	shalt  }
0x43: {  	_ =	shalt  }
0x44: {  	_ =	shalt  }
0x45: {  	_ =	shalt  }
0x46: {  	_ =	shalt  }
0x47: {  	_ =	shalt  }
0x48: {  	_ =	shalt  }
0x49: {  	_ =	shalt  }
0x4a: {  	_ =	shalt  }
0x4b: {  	_ =	shalt  }
0x4c: {  	_ =	shalt  }
0x4d: {  	_ =	shalt  }
0x4e: {  	_ =	shalt  }
0x4f: {  	_ =	shalt  }
0x50: {  	_ =	shalt  }
0x51: {  	_ =	shalt  }
0x52: {  	_ =	shalt  }
0x53: {  	_ =	shalt  }
0x54: {  	_ =	shalt  }
0x55: {  	_ =	shalt  }
0x56: {  	_ =	shalt  }
0x57: {  	_ =	shalt  }
0x58: {  	_ =	shalt  }
0x59: {  	_ =	shalt  }
0x5a: {  	_ =	shalt  }
0x5b: {  	_ =	shalt  }
0x5c: {  	_ =	shalt  }
0x5d: {  	_ =	shalt  }
0x5e: {  	_ =	shalt  }
0x5f: {  	_ =	shalt  }
0x60: {  	_ =	shalt  }
0x61: {  	_ =	shalt  }
0x62: {  	_ =	shalt  }
0x63: {  	_ =	shalt  }
0x64: {  	_ =	shalt  }
0x65: {  	_ =	shalt  }
0x66: {  	_ =	shalt  }
0x67: {  	_ =	shalt  }
0x68: {  	_ =	shalt  }
0x69: {  	_ =	shalt  }
0x6a: {  	_ =	shalt  }
0x6b: {  	_ =	shalt  }
0x6c: {  	_ =	shalt  }
0x6d: {  	_ =	shalt  }
0x6e: {  	_ =	shalt  }
0x6f: {  	_ =	shalt  }
0x70: {  	_ =	shalt  }
0x71: {  	_ =	shalt  }
0x72: {  	_ =	shalt  }
0x73: {  	_ =	shalt  }
0x74: {  	_ =	shalt  }
0x75: {  	_ =	shalt  }
0x76: {  	_ =	shalt  }
0x77: {  	_ =	shalt  }
0x78: {  	_ =	shalt  }
0x79: {  	_ =	shalt  }
0x7a: {  	_ =	shalt  }
0x7b: {  	_ =	shalt  }
0x7c: {  	_ =	shalt  }
0x7d: {  	_ =	shalt  }
0x7e: {  	_ =	shalt  }
0x7f: {  	_ =	shalt  }
0x80: {  	_ =	shalt  }
0x81: {  	_ =	shalt  }
0x82: {  	_ =	shalt  }
0x83: {  	_ =	shalt  }
0x84: {  	_ =	shalt  }
0x85: {  	_ =	shalt  }
0x86: {  	_ =	shalt  }
0x87: {  	_ =	shalt  }
.Lfunc_end0:
.L_simem_size_0:
called_computation.1_lowered:
.L_overlay_start_0:
0x88: {  	s2 =	sld [smem:$0x3FD9]  }
0x89: {  	s3 =	sld [smem:$0x3FFE];
	_ =	sdelay $0x1  }
0x8a: {  	s1 =	srdreg.scid  }
0x8b: {  	s0 =	sand.u32 $0x1, s1  }
0x8c: {  	s17 =	sshll.u32 s0, $0xA;
	s2 =	sadd.s32 s3, s2  }
0x8d: {  	s2 =	sadd.s32 s2, s17  }
0x8e: {  	[smem:$0x3FAC] =	sst s2  }
0x8f: {  	_ = 	snop  }
0x90: {  	s18 =	sld [smem:$0x3FC6]  }
0x91: {  	s4 =	sld [smem:$0x3FC5]  }
0x92: {  	s5 =	sld [smem:$0x3FBE];
	(tm) =	ssettm $0x1  }
0x93: {  	s19 =	sld [smem:$0x3FFB];
	_ =	sdelay $0x3  }
0x94: {  	_ =	strace s19  }
0x95: {  	s2 =	sld [smem:$0x3FFC];
	_ =	sdelay $0x3  }
0x96: {  	_ =	strace s2  }
0x97: {  	s2 =	sld [smem:$0x3FFD];
	_ =	sdelay $0x3  }
0x98: {  	_ =	strace s2  }
0x99: {  	_ =	strace $0x8FFFFFFF  }
0x9a: {  	s20 =	sld [smem:$0x3FDB];
	_ =	sdelay $0x1  }
0x9b: {  	s6 =	simm.s32 $_scs_section_size  }
0x9c: {  	s7 =	simm.s32 $_size__tile_overlayer_lowered;
	s8 =	simm.s32 $_tile_overlayer_lowered  }
0x9d: {  	s9 =	simm.s32 $0x1BFF;
	s21 =	sshll.u32 s8, $0x1;
	s6 =	sadd.s32 s6, s20  }
0x9e: {  	s22 =	simm.s32 $0x0;
	s7 =	sshll.u32 s7, $0x1;
	s8 =	sadd.s32 s21, s6  }
0x9f: {  	[timem:s22], [sflag:s9] =	dma.local [hbm:s8], s7  }
0xa0: {  	_ =	swait.ge [sflag:s9], s7  }
0xa1: {  	s7 =	ssub.s32 $0x0, s7;
	[sflag:s9] =	ssyncset.done $0x0  }
0xa2: {  	[sflag:s9] =	ssyncadd.s32 s7;
	_ =	sdelay $0x1  }
0xa3: {  	s23 =	simm.s32 $0x1B8B  }
0xa4: {  	_ =	swait.ge [sflag:s23], $0x1  }
0xa5: {  	[sflag:s23] =	ssyncset.done $0x0  }
0xa6: {  	[sflag:s23] =	ssyncadd.s32 $0xFFFFFFFF  }
0xa7: {  	s7 =	sld [smem:$0x0]  }
0xa8: {  	s8 =	sand.u32 $0xFFFFFFFE, s1  }
0xa9: {  	p0 =	sne.s32 s1, s8  }
0xaa: {  	s8 =	sshll.u32 @p0 s8, $0xE  }
0xab: {  	s8 =	sadd.s32 @p0 $0x11B8D, s8;
	s9 =	sshll.u32 @p0 s7, $0x11  }
0xac: {  	s8 =	sor.u32 @p0 s9, s8  }
0xad: {  	[sflag:s8] =	ssyncadd.remote.s32 @p0 $0x1;
	_ =	sdelay $0x1  }
0xae: {  	s8 =	simm.s32 @p0 $0x1B8D  }
0xaf: {  	_ =	swait.eq @p0 [sflag:s8], $0x1  }
0xb0: {  	[sflag:s8] =	ssyncadd.s32 @p0 $0xFFFFFFFF  }
0xb1: {  	s9 =	sshll.u32 @!p0 s1, $0xE  }
0xb2: {  	s9 =	sor.u32 @!p0 $0x4000, s9;
	s8 =	simm.s32 @!p0 $0x1B8D  }
0xb3: {  	s7 =	sshll.u32 @!p0 s7, $0x11;
	s9 =	sadd.s32 @!p0 $0x11B8D, s9;
	_ =	swait.eq @!p0 [sflag:s8], $0x1  }
0xb4: {  	s7 =	sor.u32 @!p0 s7, s9;
	[sflag:s8] =	ssyncadd.s32 @!p0 $0xFFFFFFFF  }
0xb5: {  	s25 =	simm.s32 $0x1B8E;
	s24 =	sld [smem:$0x3FFE];
	[sflag:s7] =	ssyncadd.remote.s32 @!p0 $0x1  }
0xb6: {  	s26 =	simm.s32 $execute0_lowered;
	[smem:$0x3FD2] =	sst s25  }
0xb7: {  	s8 =	sshll.u32 s26, $0x1;
	_ =	strace $0x80000049;
	[dreg:$0x1] =	wrdreg $0xFFFFFFFF  }
0xb8: {  	s28 =	simm.s32 $_size_execute0_lowered;
	s6 =	sadd.s32 s6, s8;
	[dreg:$0x0] =	wrdreg $0x0  }
0xb9: {  	s8 =	sshll.u32 s28, $0x1;
	[dreg:$0x2] =	wrdreg s6  }
0xba: {  	[dreg:$0x3] =	wrdreg s8  }
0xbb: {  	[dreg:$0x4] =	wrdreg $0xC0  }
0xbc: {  	_ =	task [dreg:s22], $0x5FFFF  }
0xbd: {  	[dreg:$0x1] =	wrdreg $0xFFFFFFFF  }
0xbe: {  	[dreg:$0x0] =	wrdreg $0x60  }
0xbf: {  	[dreg:$0x2] =	wrdreg s18  }
0xc0: {  	[dreg:$0x3] =	wrdreg s4  }
0xc1: {  	[dreg:$0x4] =	wrdreg s5  }
0xc2: {  	[dreg:$0x5] =	wrdreg s24  }
0xc3: {  	[dreg:$0x6] =	wrdreg $0xA  }
0xc4: {  	_ =	task.clear_ibuf [dreg:s22], $0x7FFFF;
	_ =	strace $0x90000049  }
0xc5: {  	s29 =	simm.s32 $0xA;
	_ =	strace $0x8000004B  }
0xc6: {  	_ =	swait.ge [sflag:s29], $0x1  }
0xc7: {  	[sflag:s29] =	ssyncadd.s32 $0xFFFFFFFF  }
0xc8: {  	_ =	strace $0x9000004B  }
0xc9: {  	_ =	sfence  }
0xca: {  	s30 =	sld [smem:$0x0];
	_ =	sdelay $0x2  }
0xcb: {  	s31 =	sshll.u32 s1, $0xD;
	s1 =	sshrl.u32 s1, $0x2  }
0xcc: {  	s4 =	sand.u32 $0x4000, s31;
	s1 =	sadd.s32 s1, s30  }
0xcd: {  	s0 =	sor.u32 s4, s0;
	s1 =	sshll.u32 s1, $0x11  }
0xce: {  	s0 =	sor.u32 s1, s0  }
0xcf: {  	s0 =	sadd.s32 $0x8F2B, s0  }
0xd0: {  	[sflag:s0] =	ssyncadd.remote.s32 $0x1  }
0xd1: {  	_ =	sfence.sel $0xFFFF  }
0xd2: {  	[dreg:$0x0] =	wrdreg $0xFFFFFFFF;
	(pc) =	sbr.abs _section_cstart, $3  }
0xd3: {  	[dreg:$0x1] =	wrdreg $0xFFFFFFFF  }
0xd4: {  	_ =	task.clear_ibuf [dreg:s22], $0x2FFFF;
	_ =	strace $0x9FFFFFFF  }
0xd5: {  	(tm) =	ssettm $0x7FFFFFFF  }
tec
execute0_lowered:
.L_overlay_start_1:
0x0: {  	(tag) =	ssettag $0x1  }
0x1: {  	s1 =	rddreg [dreg:$0x0]  }
0x2: {  	s2 =	srdreg.scid;
	s0 =	stileid.u32  }
0x3: {  	s3 =	rddreg [dreg:$0x1];
	s25 =	sand.u32 $0x1, s2;
	s30 =	sshll.u32 s0, $0x1  }
0x4: {  	s4 =	rddreg [dreg:$0x2];
	s18 =	sor.u32 s25, s30  }
0x5: {  	s24 =	rddreg [dreg:$0x3];
	s6 =	smul.u32 $0x64, s18  }
0x6: {  	s5 =	simm.s32 $0x0;
	s2 =	rddreg [dreg:$0x4]  }
0x7: {  	[smem:$0x7FF] =	sst s5;
	s22 =	sadd.s32 s6, s24  }
0x8: {  	_ =	strace $0x8000004A;
	s6 =	simm.s32 $0x3;
	s7 =	sadd.s32 $0x19AA00, s22  }
0x9: {  	[tilespmem:s5], [sflag:$0x3] =	stream.linear.gather [hbm4b:s7+s5], $0x320, $0x38;
	[tilespmem:$0x19700] =	vst v63  }
0xa: {  	_ =	swait.ge [sflag:s6], $0x320  }
0xb: {  	[sflag:s6] =	ssyncset.done $0x0  }
0xc: {  	s9 =	simm.s32 $0x380;
	s8 =	sadd.s32 $0x19B800, s22;
	[sflag:s6] =	ssyncadd.s32 $0xFFFFFCE0  }
0xd: {  	[tilespmem:s9], [sflag:$0x3] =	stream.linear.gather [hbm4b:s8+s5], $0x320, $0x38;
	[tilespmem:$0x19700] =	vst v63  }
0xe: {  	_ =	swait.ge [sflag:s6], $0x320  }
0xf: {  	[sflag:s6] =	ssyncset.done $0x0  }
0x10: {  	s10 =	simm.s32 $0x190;
	s11 =	simm.s32 $0x700;
	[sflag:s6] =	ssyncadd.s32 $0xFFFFFCE0  }
0x11: {  	[tilespmem:s11], [sflag:$0x1] =	stream.indirect.gather [hbm4b:s1+s10], $0x80, s5, s10, $0xb8;
	[tilespmem:$0x19700] =	vst v63  }
0x12: {  	s12 =	simm.s32 $0xCF00;
	s13 =	simm.s32 $0x1  }
0x13: {  	[tilespmem:s12], [sflag:$0x2] =	stream.indirect.gather [hbm4b:s3+s10], $0x80, s9, s10, $0xb8;
	[tilespmem:$0x19700] =	vst v63  }
0x14: {  	s26 =	smul.u32 $0x3200, s18;
	_ =	swait.ge [sflag:s13], $0xC800  }
0x15: {  	s19 =	sadd.s32 $0x19D400, s24;
	[sflag:s13] =	ssyncset.done $0x0  }
0x16: {  	s14 =	sadd.s32 s19, s26;
	[sflag:s13] =	ssyncadd.s32 $0xFFFF3800  }
0x17: {  	[hbm4b:s14+s5] =	stream.linear.scatter [tilespmem:s11], [sflag:$0x3], $0xC800, $0x38;
	[tilespmem:$0x19700] =	vst v63  }
0x18: {  	_ =	swait.ge [sflag:s6], $0xC800  }
0x19: {  	[sflag:s6] =	ssyncset.done $0x0  }
0x1a: {  	s15 =	simm.s32 $0x2;
	[sflag:s6] =	ssyncadd.s32 $0xFFFF3800  }
0x1b: {  	[tilespmem:s11], [sflag:$0x1] =	stream.indirect.gather [hbm4b:s4+s10], $0x80, s9, s10, $0xb8;
	[tilespmem:$0x19700] =	vst v63  }
0x1c: {  	_ =	swait.ge [sflag:s15], $0xC800  }
0x1d: {  	s20 =	sadd.s32 $0x201400, s24;
	[sflag:s15] =	ssyncset.done $0x0  }
0x1e: {  	s16 =	sadd.s32 s20, s26;
	[sflag:s15] =	ssyncadd.s32 $0xFFFF3800  }
0x1f: {  	[hbm4b:s16+s5] =	stream.linear.scatter [tilespmem:s12], [sflag:$0x3], $0xC800, $0x38;
	[tilespmem:$0x19700] =	vst v63  }
0x20: {  	_ =	swait.ge [sflag:s6], $0xC800  }
0x21: {  	[sflag:s6] =	ssyncset.done $0x0  }
0x22: {  	[sflag:s6] =	ssyncadd.s32 $0xFFFF3800  }
0x23: {  	[tilespmem:s12], [sflag:$0x2] =	stream.indirect.gather [hbm4b:s1+s10], $0x80, s10, s10, $0xb8;
	[tilespmem:$0x19700] =	vst v63  }
0x24: {  	_ =	swait.ge [sflag:s13], $0xC800  }
0x25: {  	s21 =	sadd.s32 $0x265400, s24;
	[sflag:s13] =	ssyncset.done $0x0  }
0x26: {  	s17 =	sadd.s32 s21, s26;
	[sflag:s13] =	ssyncadd.s32 $0xFFFF3800  }
0x27: {  	[hbm4b:s17+s5] =	stream.linear.scatter [tilespmem:s11], [sflag:$0x3], $0xC800, $0x38;
	[tilespmem:$0x19700] =	vst v63  }
0x28: {  	_ =	swait.ge [sflag:s6], $0xC800  }
0x29: {  	[sflag:s6] =	ssyncset.done $0x0  }
0x2a: {  	s23 =	smul.u32 $0x19000, s18;
	s18 =	simm.s32 $0x510;
	[sflag:s6] =	ssyncadd.s32 $0xFFFF3800  }
0x2b: {  	[tilespmem:s11], [sflag:$0x1] =	stream.indirect.gather [hbm4b:s3+s10], $0x80, s18, s10, $0xb8;
	[tilespmem:$0x19700] =	vst v63  }
0x2c: {  	s23 =	sshrl.u32 s23, $0x3;
	_ =	swait.ge [sflag:s15], $0xC800  }
0x2d: {  	s28 =	sadd.s32 $0x1900, s23;
	[sflag:s15] =	ssyncset.done $0x0  }
0x2e: {  	s19 =	sadd.s32 s19, s28;
	[sflag:s15] =	ssyncadd.s32 $0xFFFF3800  }
0x2f: {  	[hbm4b:s19+s5] =	stream.linear.scatter [tilespmem:s12], [sflag:$0x3], $0xC800, $0x38;
	[tilespmem:$0x19700] =	vst v63  }
0x30: {  	_ =	swait.ge [sflag:s6], $0xC800  }
0x31: {  	[sflag:s6] =	ssyncset.done $0x0  }
0x32: {  	[sflag:s6] =	ssyncadd.s32 $0xFFFF3800  }
0x33: {  	[tilespmem:s12], [sflag:$0x2] =	stream.indirect.gather [hbm4b:s4+s10], $0x80, s18, s10, $0xb8;
	[tilespmem:$0x19700] =	vst v63  }
0x34: {  	_ =	swait.ge [sflag:s13], $0xC800  }
0x35: {  	[sflag:s13] =	ssyncset.done $0x0  }
0x36: {  	s20 =	sadd.s32 s20, s28;
	[sflag:s13] =	ssyncadd.s32 $0xFFFF3800  }
0x37: {  	[hbm4b:s20+s5] =	stream.linear.scatter [tilespmem:s11], [sflag:$0x3], $0xC800, $0x38;
	[tilespmem:$0x19700] =	vst v63  }
0x38: {  	_ =	swait.ge [sflag:s6], $0xC800  }
0x39: {  	[sflag:s6] =	ssyncset.done $0x0  }
0x3a: {  	[sflag:s6] =	ssyncadd.s32 $0xFFFF3800  }
0x3b: {  	_ =	swait.ge [sflag:s15], $0xC800  }
0x3c: {  	[sflag:s15] =	ssyncset.done $0x0  }
0x3d: {  	s21 =	sadd.s32 s21, s28;
	[sflag:s15] =	ssyncadd.s32 $0xFFFF3800  }
0x3e: {  	[hbm4b:s21+s5] =	stream.linear.scatter [tilespmem:s12], [sflag:$0x3], $0xC800, $0x38;
	[tilespmem:$0x19700] =	vst v63  }
0x3f: {  	_ =	swait.ge [sflag:s6], $0xC800  }
0x40: {  	[sflag:s6] =	ssyncset.done $0x0  }
0x41: {  	s22 =	sadd.s32 $0x19C600, s22;
	[sflag:s6] =	ssyncadd.s32 $0xFFFF3800  }
0x42: {  	[tilespmem:s5], [sflag:$0x3] =	stream.linear.gather [hbm4b:s22+s5], $0x320, $0x38;
	[tilespmem:$0x19700] =	vst v63  }
0x43: {  	_ =	swait.ge [sflag:s6], $0x320  }
0x44: {  	[sflag:s6] =	ssyncset.done $0x0  }
0x45: {  	s23 =	sadd.s32 $0x7800, s24;
	[sflag:s6] =	ssyncadd.s32 $0xFFFFFCE0  }
0x46: {  	[tilespmem:s11], [sflag:$0x1] =	stream.indirect.gather [hbm4b:s23+s10], $0x80, s5, s10, $0xb8;
	[tilespmem:$0x19700] =	vst v63  }
0x47: {  	_ = 	snop  }
0x48: {  	[tilespmem:s12], [sflag:$0x2] =	stream.indirect.gather [hbm4b:s23+s10], $0x80, s10, s10, $0xb8;
	[tilespmem:$0x19700] =	vst v63  }
0x49: {  	_ =	swait.ge [sflag:s13], $0xC800  }
0x4a: {  	s29 =	sadd.s32 $0x2C9400, s24;
	[sflag:s13] =	ssyncset.done $0x0  }
0x4b: {  	s25 =	ssub.s32 $0x2, s25;
	s24 =	sadd.s32 s29, s26;
	[sflag:s13] =	ssyncadd.s32 $0xFFFF3800  }
0x4c: {  	[hbm4b:s24+s5] =	stream.linear.scatter [tilespmem:s11], [sflag:$0x3], $0xC800, $0x38;
	[tilespmem:$0x19700] =	vst v63  }
0x4d: {  	s31 =	sshrl.u32 s25, $0x1;
	_ =	swait.ge [sflag:s6], $0xC800  }
0x4e: {  	s26 =	ssub.s32 s25, s31;
	[sflag:s6] =	ssyncset.done $0x0  }
0x4f: {  	s26 =	smax.u32 s26, $0x1;
	[sflag:s6] =	ssyncadd.s32 $0xFFFF3800  }
0x50: {  	p0 =	sne.s32 s26, $0x1;
	_ =	swait.ge [sflag:s15], $0xC800  }
.Ltmp0:
0x51: {  	[sflag:s15] =	ssyncset.done $0x0;
	(pc) =	sbr.rel @!p0 .LBB2_2-.Ltmp0, $4  }
0x52: {  	s25 =	sadd.s32 s29, s28;
	[sflag:s15] =	ssyncadd.s32 $0xFFFF3800  }
0x53: {  	[hbm4b:s25+s5] =	stream.linear.scatter [tilespmem:s12], [sflag:$0x3], $0xC800, $0x38;
	[tilespmem:$0x19700] =	vst v63  }
0x54: {  	_ =	swait.ge [sflag:s6], $0xC800  }
0x55: {  	s26 =	sadd.s32 $0xFFFFFFFF, s26;
	[sflag:s6] =	ssyncset.done $0x0  }
.LBB2_1:
0x56: {  	p0 =	sne.s32 s26, $0x1;
	s26 =	sadd.s32 $0xFFFFFFFF, s26;
	[sflag:s6] =	ssyncadd.s32 $0xFFFF3800  }
0x57: {  	[tilespmem:s5], [sflag:$0x3] =	stream.linear.gather [hbm4b:s7+s5], $0x320, $0x38;
	[tilespmem:$0x19700] =	vst v63  }
0x58: {  	_ =	swait.ge [sflag:s6], $0x320  }
0x59: {  	[sflag:s6] =	ssyncset.done $0x0  }
0x5a: {  	[sflag:s6] =	ssyncadd.s32 $0xFFFFFCE0  }
0x5b: {  	[tilespmem:s9], [sflag:$0x3] =	stream.linear.gather [hbm4b:s8+s5], $0x320, $0x38;
	[tilespmem:$0x19700] =	vst v63  }
0x5c: {  	_ =	swait.ge [sflag:s6], $0x320  }
0x5d: {  	[sflag:s6] =	ssyncset.done $0x0  }
0x5e: {  	[sflag:s6] =	ssyncadd.s32 $0xFFFFFCE0  }
0x5f: {  	[tilespmem:s11], [sflag:$0x1] =	stream.indirect.gather [hbm4b:s1+s10], $0x80, s5, s10, $0xb8;
	[tilespmem:$0x19700] =	vst v63  }
0x60: {  	_ = 	snop  }
0x61: {  	[tilespmem:s12], [sflag:$0x2] =	stream.indirect.gather [hbm4b:s3+s10], $0x80, s9, s10, $0xb8;
	[tilespmem:$0x19700] =	vst v63  }
0x62: {  	_ =	swait.ge [sflag:s13], $0xC800  }
0x63: {  	[sflag:s13] =	ssyncset.done $0x0  }
0x64: {  	[sflag:s13] =	ssyncadd.s32 $0xFFFF3800  }
0x65: {  	[hbm4b:s14+s5] =	stream.linear.scatter [tilespmem:s11], [sflag:$0x3], $0xC800, $0x38;
	[tilespmem:$0x19700] =	vst v63  }
0x66: {  	_ =	swait.ge [sflag:s6], $0xC800  }
0x67: {  	[sflag:s6] =	ssyncset.done $0x0  }
0x68: {  	[sflag:s6] =	ssyncadd.s32 $0xFFFF3800  }
0x69: {  	[tilespmem:s11], [sflag:$0x1] =	stream.indirect.gather [hbm4b:s4+s10], $0x80, s9, s10, $0xb8;
	[tilespmem:$0x19700] =	vst v63  }
0x6a: {  	_ =	swait.ge [sflag:s15], $0xC800  }
0x6b: {  	[sflag:s15] =	ssyncset.done $0x0  }
0x6c: {  	[sflag:s15] =	ssyncadd.s32 $0xFFFF3800  }
0x6d: {  	[hbm4b:s16+s5] =	stream.linear.scatter [tilespmem:s12], [sflag:$0x3], $0xC800, $0x38;
	[tilespmem:$0x19700] =	vst v63  }
0x6e: {  	_ =	swait.ge [sflag:s6], $0xC800  }
0x6f: {  	[sflag:s6] =	ssyncset.done $0x0  }
0x70: {  	[sflag:s6] =	ssyncadd.s32 $0xFFFF3800  }
0x71: {  	[tilespmem:s12], [sflag:$0x2] =	stream.indirect.gather [hbm4b:s1+s10], $0x80, s10, s10, $0xb8;
	[tilespmem:$0x19700] =	vst v63  }
0x72: {  	_ =	swait.ge [sflag:s13], $0xC800  }
0x73: {  	[sflag:s13] =	ssyncset.done $0x0  }
0x74: {  	[sflag:s13] =	ssyncadd.s32 $0xFFFF3800  }
0x75: {  	[hbm4b:s17+s5] =	stream.linear.scatter [tilespmem:s11], [sflag:$0x3], $0xC800, $0x38;
	[tilespmem:$0x19700] =	vst v63  }
0x76: {  	_ =	swait.ge [sflag:s6], $0xC800  }
0x77: {  	[sflag:s6] =	ssyncset.done $0x0  }
0x78: {  	[sflag:s6] =	ssyncadd.s32 $0xFFFF3800  }
0x79: {  	[tilespmem:s11], [sflag:$0x1] =	stream.indirect.gather [hbm4b:s3+s10], $0x80, s18, s10, $0xb8;
	[tilespmem:$0x19700] =	vst v63  }
0x7a: {  	_ =	swait.ge [sflag:s15], $0xC800  }
0x7b: {  	[sflag:s15] =	ssyncset.done $0x0  }
0x7c: {  	[sflag:s15] =	ssyncadd.s32 $0xFFFF3800  }
0x7d: {  	[hbm4b:s19+s5] =	stream.linear.scatter [tilespmem:s12], [sflag:$0x3], $0xC800, $0x38;
	[tilespmem:$0x19700] =	vst v63  }
0x7e: {  	_ =	swait.ge [sflag:s6], $0xC800  }
0x7f: {  	[sflag:s6] =	ssyncset.done $0x0  }
0x80: {  	[sflag:s6] =	ssyncadd.s32 $0xFFFF3800  }
0x81: {  	[tilespmem:s12], [sflag:$0x2] =	stream.indirect.gather [hbm4b:s4+s10], $0x80, s18, s10, $0xb8;
	[tilespmem:$0x19700] =	vst v63  }
0x82: {  	_ =	swait.ge [sflag:s13], $0xC800  }
0x83: {  	[sflag:s13] =	ssyncset.done $0x0  }
0x84: {  	[sflag:s13] =	ssyncadd.s32 $0xFFFF3800  }
0x85: {  	[hbm4b:s20+s5] =	stream.linear.scatter [tilespmem:s11], [sflag:$0x3], $0xC800, $0x38;
	[tilespmem:$0x19700] =	vst v63  }
0x86: {  	_ =	swait.ge [sflag:s6], $0xC800  }
0x87: {  	[sflag:s6] =	ssyncset.done $0x0  }
0x88: {  	[sflag:s6] =	ssyncadd.s32 $0xFFFF3800  }
0x89: {  	_ =	swait.ge [sflag:s15], $0xC800  }
0x8a: {  	[sflag:s15] =	ssyncset.done $0x0  }
0x8b: {  	[sflag:s15] =	ssyncadd.s32 $0xFFFF3800  }
0x8c: {  	[hbm4b:s21+s5] =	stream.linear.scatter [tilespmem:s12], [sflag:$0x3], $0xC800, $0x38;
	[tilespmem:$0x19700] =	vst v63  }
0x8d: {  	_ =	swait.ge [sflag:s6], $0xC800  }
0x8e: {  	[sflag:s6] =	ssyncset.done $0x0  }
0x8f: {  	[sflag:s6] =	ssyncadd.s32 $0xFFFF3800  }
0x90: {  	[tilespmem:s5], [sflag:$0x3] =	stream.linear.gather [hbm4b:s22+s5], $0x320, $0x38;
	[tilespmem:$0x19700] =	vst v63  }
0x91: {  	_ =	swait.ge [sflag:s6], $0x320  }
0x92: {  	[sflag:s6] =	ssyncset.done $0x0  }
0x93: {  	[sflag:s6] =	ssyncadd.s32 $0xFFFFFCE0  }
0x94: {  	[tilespmem:s11], [sflag:$0x1] =	stream.indirect.gather [hbm4b:s23+s10], $0x80, s5, s10, $0xb8;
	[tilespmem:$0x19700] =	vst v63  }
0x95: {  	_ = 	snop  }
0x96: {  	[tilespmem:s12], [sflag:$0x2] =	stream.indirect.gather [hbm4b:s23+s10], $0x80, s10, s10, $0xb8;
	[tilespmem:$0x19700] =	vst v63  }
0x97: {  	_ =	swait.ge [sflag:s13], $0xC800  }
0x98: {  	[sflag:s13] =	ssyncset.done $0x0  }
0x99: {  	[sflag:s13] =	ssyncadd.s32 $0xFFFF3800  }
0x9a: {  	[hbm4b:s24+s5] =	stream.linear.scatter [tilespmem:s11], [sflag:$0x3], $0xC800, $0x38;
	[tilespmem:$0x19700] =	vst v63  }
0x9b: {  	_ =	swait.ge [sflag:s6], $0xC800  }
0x9c: {  	[sflag:s6] =	ssyncset.done $0x0  }
0x9d: {  	[sflag:s6] =	ssyncadd.s32 $0xFFFF3800  }
0x9e: {  	_ =	swait.ge [sflag:s15], $0xC800  }
.Ltmp1:
0x9f: {  	[sflag:s15] =	ssyncset.done $0x0;
	(pc) =	sbr.rel @p0 .LBB2_1-.Ltmp1, $4  }
0xa0: {  	[sflag:s15] =	ssyncadd.s32 $0xFFFF3800  }
0xa1: {  	[hbm4b:s25+s5] =	stream.linear.scatter [tilespmem:s12], [sflag:$0x3], $0xC800, $0x38;
	[tilespmem:$0x19700] =	vst v63  }
0xa2: {  	_ =	swait.ge [sflag:s6], $0xC800  }
0xa3: {  	[sflag:s6] =	ssyncset.done $0x0  }
.LBB2_2:
0xa4: {  	[sflag:s6] =	ssyncadd.s32 $0xFFFF3800  }
0xa5: {  	_ =	sfence.sel $0x180000  }
0xa6: {  	[bflag:$0x0] =	sbarrier.arrive $0xFFFF  }
0xa7: {  	p0 =	sne.s32 s0, $0x0;
	_ =	strace $0x9000004A  }
0xa8: {  	s0 =	sadd.s32 @!p0 $0x100000, s2;
	[bflag:$0x2] =	sbarrier.arrive $0xFFFF  }
0xa9: {  	[sflag:s0] =	ssyncadd.tile.s32 @!p0 $0x1;
	_ =	shalt  }
.Lfunc_end2:
_tile_overlayer_lowered:
.L_overlay_start_2:
0xaa: {  	(tag) =	ssettag $0x2  }
0xab: {  	s0 =	rddreg [dreg:$0x0];
	s2 =	stileid.u32  }
0xac: {  	s1 =	rddreg [dreg:$0x1];
	p0 =	sne.s32 s2, $0x0  }
0xad: {  	s3 =	rddreg [dreg:$0x2];
	[bflag:$0x3] =	sbarrier.arrive $0xFFFF;
	s2 =	simm.s32 @!p0 $0x1C03  }
0xae: {  	[timem:s3], [sflag:s2] =	dma.local @!p0 [hbm:s0], s1  }
0xaf: {  	s0 =	simm.s32 @!p0 $0x3  }
0xb0: {  	_ =	swait.ge @!p0 [sflag:s0], s1  }
0xb1: {  	s1 =	ssub.s32 @!p0 $0x0, s1;
	[sflag:s0] =	ssyncset.done @!p0 $0x0  }
0xb2: {  	[sflag:s0] =	ssyncadd.s32 @!p0 s1  }
0xb3: {  	[bflag:$0x3] =	sbarrier.arrive $0xFFFF  }
0xb4: {  	_ =	shalt  }

</sc_bundles>
